<compile_context>
chip_gen: v7x
topology: tpu7x:2x2x1
jax: 0.10.2.dev20260603
libtpu: 0.0.44.dev20260713+nightly
codegen_flags: <defaults>
</compile_context>

<pallas_src>
import jax
import jax.numpy as jnp
from jax import lax
from jax.experimental import pallas as pl
from jax.experimental.pallas import tpu as pltpu, tpu_sc as plsc

N_NODES = 10000
N_EDGES = 320000
D = 128
DW = 144
NEG_SLOPE = 0.2

NC = 2
NS = 16
NW = NC * NS
ACC_ROWS = 10240
STRIPE = ACC_ROWS // NW
DC = D // 16
E_PAD = 327680
GR = 8
NGR = E_PAD // (GR * 128)
FB = 32
CAP = 13568
CBUF = CAP + 128


def _proj_body(x_ref, wl_ref, wr_ref, hl_ref, hr_ref):
    x = x_ref[...]
    hl_ref[...] = jnp.dot(x, wl_ref[...], preferred_element_type=jnp.float32)
    hr_ref[...] = jnp.dot(x, wr_ref[...], preferred_element_type=jnp.float32)


def _project(x, W_l, W_r):
    blk = 2000
    grid = (N_NODES // blk,)
    return pl.pallas_call(
        _proj_body,
        grid=grid,
        in_specs=[
            pl.BlockSpec((blk, D), lambda i: (i, 0)),
            pl.BlockSpec((D, D), lambda i: (0, 0)),
            pl.BlockSpec((D, D), lambda i: (0, 0)),
        ],
        out_specs=[
            pl.BlockSpec((blk, D), lambda i: (i, 0)),
            pl.BlockSpec((blk, D), lambda i: (i, 0)),
        ],
        out_shape=[
            jax.ShapeDtypeStruct((N_NODES, D), jnp.float32),
            jax.ShapeDtypeStruct((N_NODES, D), jnp.float32),
        ],
    )(x, W_l, W_r)


def _sc_edge_body(hl_hbm, hr_hbm, src_hbm, dst_hbm, a_hbm,
                  out_hbm,
                  sg, dg, a_v, csrc, cdst, Ws, Wd, A0, R0, A1, R1,
                  semA0, semR0, semA1, semR1, acc):
    cid = lax.axis_index("c")
    sid = lax.axis_index("s")
    wid = sid * NC + cid
    lo = wid * STRIPE
    hi = lo + STRIPE

    pltpu.sync_copy(a_hbm, a_v)

    zero16 = jnp.zeros((16,), jnp.float32)
    lane = lax.iota(jnp.int32, 16)
    onehot = jnp.where(lane == 0, 1.0, 0.0).astype(jnp.float32)

    def zrow(r, c0):
        for c in range(DW // 16):
            acc[r, pl.ds(c * 16, 16)] = zero16
        return c0
    lax.fori_loop(0, STRIPE + 8, zrow, 0)

    def start(b, A_, R_, semA, semR):
        base = pl.multiple_of(b * FB, FB)
        pltpu.async_copy(hl_hbm.at[cdst.at[pl.ds(base, FB)]], A_, semA)
        pltpu.async_copy(hr_hbm.at[csrc.at[pl.ds(base, FB)]], R_, semR)

    def wait(A_, R_, semA, semR):
        pltpu.make_async_copy(hl_hbm.at[pl.ds(0, FB)], A_, semA).wait()
        pltpu.make_async_copy(hr_hbm.at[pl.ds(0, FB)], R_, semR).wait()

    def compute(b, A, R):
        base = pl.multiple_of(b * FB, FB)

        def row_body(r, c1):
            d16 = plsc.load_gather(cdst, [jnp.full((16,), base + r, jnp.int32)])
            d = d16[0] - lo
            acc16 = zero16
            for c in range(DC):
                t = A[r, pl.ds(c * 16, 16)] + R[r, pl.ds(c * 16, 16)]
                t = jnp.maximum(t, t * NEG_SLOPE)
                acc16 = acc16 + a_v[c] * t
            e = jnp.sum(acc16)
            w = jnp.exp(jnp.full((16,), e, jnp.float32))
            for c in range(DC):
                acc[d, pl.ds(c * 16, 16)] = (
                    acc[d, pl.ds(c * 16, 16)] + R[r, pl.ds(c * 16, 16)] * w)
            acc[d, pl.ds(D, 16)] = acc[d, pl.ds(D, 16)] + w * onehot
            return c1
        lax.fori_loop(0, FB, row_body, 0)

    def group_body(g, cnt):
        pltpu.sync_copy(src_hbm.at[pl.ds(g * GR, GR)], sg)
        pltpu.sync_copy(dst_hbm.at[pl.ds(g * GR, GR)], dg)

        def qstep(q, cnt1):
            for c in range(8):
                vd = dg[q, pl.ds(c * 16, 16)]
                vs = sg[q, pl.ds(c * 16, 16)]
                m = (vd >= lo) & (vd < hi)
                plsc.store_compressed(Wd.at[pl.ds(0, 16)], vd, mask=m)
                plsc.store_compressed(Ws.at[pl.ds(0, 16)], vs, mask=m)
                k = plsc.all_reduce_population_count(m)[0]
                pos = jnp.full((16,), cnt1, jnp.int32) + lane
                km = (lane < jnp.full((16,), k, jnp.int32)) & (
                    pos < jnp.full((16,), CAP, jnp.int32))
                plsc.store_scatter(cdst, [pos], Wd[pl.ds(0, 16)], mask=km)
                plsc.store_scatter(csrc, [pos], Ws[pl.ds(0, 16)], mask=km)
                cnt1 = cnt1 + k
            return cnt1
        return lax.fori_loop(0, GR, qstep, cnt)
    cnt = lax.fori_loop(0, NGR, group_body, 0)
    cnt = jnp.minimum(cnt, CAP)

    hi16 = jnp.full((16,), hi, jnp.int32)
    zi16 = jnp.zeros((16,), jnp.int32)
    cnt16 = jnp.full((16,), cnt, jnp.int32)
    for k in range(8):
        pos = cnt16 + lane + jnp.full((16,), k * 16, jnp.int32)
        plsc.store_scatter(cdst, [pos], hi16)
        plsc.store_scatter(csrc, [pos], zi16)

    nb2 = jnp.maximum((cnt + 2 * FB - 1) // (2 * FB), 1)
    start(0, A0, R0, semA0, semR0)

    def pair_body(i2, c0):
        b0 = 2 * i2
        wait(A0, R0, semA0, semR0)
        start(b0 + 1, A1, R1, semA1, semR1)
        compute(b0, A0, R0)
        wait(A1, R1, semA1, semR1)

        @pl.when(i2 + 1 < nb2)
        def _():
            start(b0 + 2, A0, R0, semA0, semR0)
        compute(b0 + 1, A1, R1)
        return c0
    lax.fori_loop(0, nb2, pair_body, 0)

    pltpu.sync_copy(acc.at[pl.ds(0, STRIPE)], out_hbm.at[pl.ds(lo, STRIPE)])


def _sc_edges(h_l, h_r, src, dst, a2d):
    mesh = plsc.VectorSubcoreMesh(core_axis_name="c", subcore_axis_name="s")
    return pl.kernel(
        _sc_edge_body,
        out_type=jax.ShapeDtypeStruct((ACC_ROWS, DW), jnp.float32),
        mesh=mesh,
        compiler_params=pltpu.CompilerParams(needs_layout_passes=False),
        scratch_types=[
            pltpu.VMEM((GR, 128), jnp.int32),
            pltpu.VMEM((GR, 128), jnp.int32),
            pltpu.VMEM((DC, 16), jnp.float32),
            pltpu.VMEM((CBUF,), jnp.int32),
            pltpu.VMEM((CBUF,), jnp.int32),
            pltpu.VMEM((16,), jnp.int32),
            pltpu.VMEM((16,), jnp.int32),
            pltpu.VMEM((FB, D), jnp.float32),
            pltpu.VMEM((FB, D), jnp.float32),
            pltpu.VMEM((FB, D), jnp.float32),
            pltpu.VMEM((FB, D), jnp.float32),
            pltpu.SemaphoreType.DMA,
            pltpu.SemaphoreType.DMA,
            pltpu.SemaphoreType.DMA,
            pltpu.SemaphoreType.DMA,
            pltpu.VMEM((STRIPE + 8, DW), jnp.float32),
        ],
    )(h_l, h_r, src, dst, a2d)


def _fin_body(md_ref, bias_ref, out_ref):
    m = md_ref[:, 0:D]
    d = md_ref[:, D:D + 1]
    out_ref[...] = m / (d + 1e-9) + bias_ref[...]


def _finish(md, bias2d):
    blk = 1000
    grid = (N_NODES // blk,)
    return pl.pallas_call(
        _fin_body,
        grid=grid,
        in_specs=[
            pl.BlockSpec((blk, DW), lambda i: (i, 0)),
            pl.BlockSpec((1, D), lambda i: (0, 0)),
        ],
        out_specs=pl.BlockSpec((blk, D), lambda i: (i, 0)),
        out_shape=jax.ShapeDtypeStruct((N_NODES, D), jnp.float32),
    )(md, bias2d)


def kernel(inst_feat, edge_index, W_l, W_r, a, bias):
    pad = E_PAD - N_EDGES
    src = jnp.concatenate(
        [edge_index[0].astype(jnp.int32), jnp.zeros((pad,), jnp.int32)]
    ).reshape(GR * NGR, 128)
    dst = jnp.concatenate(
        [edge_index[1].astype(jnp.int32),
         jnp.full((pad,), jnp.int32(1 << 29))]
    ).reshape(GR * NGR, 128)
    a2d = a.astype(jnp.float32).reshape(DC, 16)
    bias2d = bias.astype(jnp.float32).reshape(1, D)

    h_l, h_r = _project(inst_feat, W_l, W_r)
    md = _sc_edges(h_l, h_r, src, dst, a2d)
    return _finish(md, bias2d)

# --- scband reference (transcript-rebuilt; emitter-appended) ---
"""Pipeline reference for scband-gatv2-82480551952819 (READ-ONLY COPY).

The authoritative reference and input builder live on the scoring server;
editing this copy changes nothing except your own understanding.
"""

import jax, jax.numpy as jnp
import numpy as np

N_NODES = 10000
N_EDGES = 320000
D_IN = 128
D_OUT = 128
NEG_SLOPE = 0.2


def setup_inputs(seed: int = 0) -> dict:
    key = jax.random.key(seed)
    k1, k2, k3, k4, k5, k6 = jax.random.split(key, 6)
    inst_feat = jax.random.normal(k1, (N_NODES, D_IN), dtype=jnp.float32)
    edge_index = jax.random.randint(k2, (2, N_EDGES), 0, N_NODES, dtype=jnp.int64)
    # GATv2 parameters: separate left (dst) / right (src) linear transforms,
    # attention vector a, and output bias.
    scale = 1.0 / np.sqrt(D_IN)
    W_l = jax.random.normal(k3, (D_IN, D_OUT), dtype=jnp.float32) * scale
    W_r = jax.random.normal(k4, (D_IN, D_OUT), dtype=jnp.float32) * scale
    a = jax.random.normal(k5, (D_OUT,), dtype=jnp.float32) * scale
    bias = jax.random.normal(k6, (D_OUT,), dtype=jnp.float32) * 0.01
    return {"inst_feat": inst_feat, "edge_index": edge_index, "W_l": W_l, "W_r": W_r, "a": a, "bias": bias}


def reference(inst_feat, edge_index, W_l, W_r, a, bias):
    src = edge_index[0]
    dst = edge_index[1]
    n = inst_feat.shape[0]
    # Node-level projections
    h_l = inst_feat @ W_l  # [N, D_OUT] destination transform
    h_r = inst_feat @ W_r  # [N, D_OUT] source transform
    # GATv2 attention logit: a^T LeakyReLU(W_l x_i + W_r x_j) per edge (j -> i)
    feat = h_l[dst] + h_r[src]  # gather: [E, D_OUT]
    e = jax.nn.leaky_relu(feat, negative_slope=NEG_SLOPE) @ a  # [E]
    # Segment softmax over incoming edges of each destination node
    m = jax.ops.segment_max(e, dst, num_segments=n)  # [N]
    m = jnp.where(jnp.isfinite(m), m, 0.0)
    e_exp = jnp.exp(e - m[dst])  # [E]
    denom = jax.ops.segment_sum(e_exp, dst, num_segments=n)  # [N]
    # Weighted message aggregation (scatter-add)
    msg = h_r[src] * e_exp[:, None]  # [E, D_OUT]
    out = jax.ops.segment_sum(msg, dst, num_segments=n)  # [N, D_OUT]
    out = out / (denom[:, None] + 1e-9)
    out = out + bias
    return out

if __name__ == "__main__":
    import jax
    _d = setup_inputs()
    print(jax.jit(kernel)(*tuple(_d.values())))

</pallas_src>

<mosaic_0001>
#map = affine_map<(d0, d1) -> (0, 0)>
module attributes {stable_mosaic.version = 14 : i64} {
  func.func @_sc_edge_body(%arg0: i32, %arg1: i32, %arg2: memref<10000x128xf32, #tpu.memory_space<hbm>>, %arg3: memref<10000x128xf32, #tpu.memory_space<hbm>>, %arg4: memref<2560x128xi32, #tpu.memory_space<hbm>>, %arg5: memref<2560x128xi32, #tpu.memory_space<hbm>>, %arg6: memref<8x16xf32, #tpu.memory_space<hbm>>, %arg7: memref<10240x144xf32, #tpu.memory_space<hbm>>, %arg8: memref<8x128xi32, #tpu.memory_space<vmem>>, %arg9: memref<8x128xi32, #tpu.memory_space<vmem>>, %arg10: memref<8x16xf32, #tpu.memory_space<vmem>>, %arg11: memref<13696xi32, #tpu.memory_space<vmem>>, %arg12: memref<13696xi32, #tpu.memory_space<vmem>>, %arg13: memref<16xi32, #tpu.memory_space<vmem>>, %arg14: memref<16xi32, #tpu.memory_space<vmem>>, %arg15: memref<32x128xf32, #tpu.memory_space<vmem>>, %arg16: memref<32x128xf32, #tpu.memory_space<vmem>>, %arg17: memref<32x128xf32, #tpu.memory_space<vmem>>, %arg18: memref<32x128xf32, #tpu.memory_space<vmem>>, %arg19: memref<!tpu.dma_semaphore, #tpu.memory_space<semaphore_mem>>, %arg20: memref<!tpu.dma_semaphore, #tpu.memory_space<semaphore_mem>>, %arg21: memref<!tpu.dma_semaphore, #tpu.memory_space<semaphore_mem>>, %arg22: memref<!tpu.dma_semaphore, #tpu.memory_space<semaphore_mem>>, %arg23: memref<328x144xf32, #tpu.memory_space<vmem>>) attributes {dimension_semantics = [#tpu.dimension_semantics<core_parallel>, #tpu.dimension_semantics<subcore_parallel>], iteration_bounds = array<i64: 2, 16>, scalar_prefetch = 0 : i64, scratch_operands = 16 : i64, tpu.core_type = #tpu.core_type<sc_vector_subcore>, window_params = [{transform_indices = #map}, {transform_indices = #map}, {transform_indices = #map}, {transform_indices = #map}, {transform_indices = #map}, {transform_indices = #map}]} {
    %mul3A = arith.constant 2 : i32
    %mul3A_0 = arith.muli %arg1, %mul3A : i32
    %add3A = arith.addi %mul3A_0, %arg0 : i32
    %mul3A_1 = arith.constant 320 : i32
    %mul3A_2 = arith.muli %add3A, %mul3A_1 : i32
    %add3A_3 = arith.constant 320 : i32
    %add3A_4 = arith.addi %mul3A_2, %add3A_3 : i32
    "tpu.region"() ({
      %run_scoped3A = tpu.sem_alloc : memref<!tpu.dma_semaphore, #tpu.memory_space<semaphore_mem>>
      tpu.enqueue_dma source(%arg6 : memref<8x16xf32, #tpu.memory_space<hbm>>) target(%arg10 : memref<8x16xf32, #tpu.memory_space<vmem>>) target_semaphore(%run_scoped3A : memref<!tpu.dma_semaphore, #tpu.memory_space<semaphore_mem>>)
      tpu.wait_dma2 semaphore(%run_scoped3A : memref<!tpu.dma_semaphore, #tpu.memory_space<semaphore_mem>>) src(%arg6 : memref<8x16xf32, #tpu.memory_space<hbm>>) dst(%arg10 : memref<8x16xf32, #tpu.memory_space<vmem>>)
      tpu.yield
    }) : () -> ()
    %broadcast_in_dim3A = arith.constant 0.000000e+00 : f32
    %broadcast_in_dim3A_5 = vector.broadcast %broadcast_in_dim3A : f32 to vector<16xf32>
    %iota3A = tpu.iota {dimensions = array<i32: 0>} : vector<16xi32>
    %eq3A = arith.constant 0 : i32
    %eq3A_6 = vector.broadcast %eq3A : i32 to vector<16xi32>
    %eq3A_7 = arith.cmpi eq, %iota3A, %eq3A_6 : vector<16xi32>
    %jit3A = arith.constant 1.000000e+00 : f32
    %jit3A_8 = arith.constant 0.000000e+00 : f32
    %broadcast_in_dim3A_9 = vector.broadcast %jit3A : f32 to vector<16xf32>
    %broadcast_in_dim3A_10 = vector.broadcast %jit3A_8 : f32 to vector<16xf32>
    %select_n3A = arith.select %eq3A_7, %broadcast_in_dim3A_9, %broadcast_in_dim3A_10 : vector<16xi1>, vector<16xf32>
    %scan3A = arith.constant 0 : i32
    %scan3A_11 = arith.constant 0 : i32
    %scan3A_12 = arith.constant 328 : i32
    %scan3A_13 = arith.addi %scan3A_11, %scan3A_12 : i32
    %scan3A_14 = arith.constant 1 : i32
    scf.for %scan3A_100 = %scan3A_11 to %scan3A_13 step %scan3A_14  : i32 {
      %swap3A = arith.index_cast %scan3A_100 : i32 to index
      %swap3A_101 = arith.constant 0 : index
      %swap3A_102 = tpu.vector_load %arg23[%swap3A, %swap3A_101] {strides = array<i32>} : memref<328x144xf32, #tpu.memory_space<vmem>>, vector<16xf32>,
      tpu.vector_store %arg23[%swap3A, %swap3A_101], %broadcast_in_dim3A_5 {strides = array<i32>} : memref<328x144xf32, #tpu.memory_space<vmem>>, vector<16xf32>,
      %swap3A_103 = arith.index_cast %scan3A_100 : i32 to index
      %swap3A_104 = arith.constant 16 : index
      %swap3A_105 = tpu.vector_load %arg23[%swap3A_103, %swap3A_104] {strides = array<i32>} : memref<328x144xf32, #tpu.memory_space<vmem>>, vector<16xf32>,
      tpu.vector_store %arg23[%swap3A_103, %swap3A_104], %broadcast_in_dim3A_5 {strides = array<i32>} : memref<328x144xf32, #tpu.memory_space<vmem>>, vector<16xf32>,
      %swap3A_106 = arith.index_cast %scan3A_100 : i32 to index
      %swap3A_107 = arith.constant 32 : index
      %swap3A_108 = tpu.vector_load %arg23[%swap3A_106, %swap3A_107] {strides = array<i32>} : memref<328x144xf32, #tpu.memory_space<vmem>>, vector<16xf32>,
      tpu.vector_store %arg23[%swap3A_106, %swap3A_107], %broadcast_in_dim3A_5 {strides = array<i32>} : memref<328x144xf32, #tpu.memory_space<vmem>>, vector<16xf32>,
      %swap3A_109 = arith.index_cast %scan3A_100 : i32 to index
      %swap3A_110 = arith.constant 48 : index
      %swap3A_111 = tpu.vector_load %arg23[%swap3A_109, %swap3A_110] {strides = array<i32>} : memref<328x144xf32, #tpu.memory_space<vmem>>, vector<16xf32>,
      tpu.vector_store %arg23[%swap3A_109, %swap3A_110], %broadcast_in_dim3A_5 {strides = array<i32>} : memref<328x144xf32, #tpu.memory_space<vmem>>, vector<16xf32>,
      %swap3A_112 = arith.index_cast %scan3A_100 : i32 to index
      %swap3A_113 = arith.constant 64 : index
      %swap3A_114 = tpu.vector_load %arg23[%swap3A_112, %swap3A_113] {strides = array<i32>} : memref<328x144xf32, #tpu.memory_space<vmem>>, vector<16xf32>,
      tpu.vector_store %arg23[%swap3A_112, %swap3A_113], %broadcast_in_dim3A_5 {strides = array<i32>} : memref<328x144xf32, #tpu.memory_space<vmem>>, vector<16xf32>,
      %swap3A_115 = arith.index_cast %scan3A_100 : i32 to index
      %swap3A_116 = arith.constant 80 : index
      %swap3A_117 = tpu.vector_load %arg23[%swap3A_115, %swap3A_116] {strides = array<i32>} : memref<328x144xf32, #tpu.memory_space<vmem>>, vector<16xf32>,
      tpu.vector_store %arg23[%swap3A_115, %swap3A_116], %broadcast_in_dim3A_5 {strides = array<i32>} : memref<328x144xf32, #tpu.memory_space<vmem>>, vector<16xf32>,
      %swap3A_118 = arith.index_cast %scan3A_100 : i32 to index
      %swap3A_119 = arith.constant 96 : index
      %swap3A_120 = tpu.vector_load %arg23[%swap3A_118, %swap3A_119] {strides = array<i32>} : memref<328x144xf32, #tpu.memory_space<vmem>>, vector<16xf32>,
      tpu.vector_store %arg23[%swap3A_118, %swap3A_119], %broadcast_in_dim3A_5 {strides = array<i32>} : memref<328x144xf32, #tpu.memory_space<vmem>>, vector<16xf32>,
      %swap3A_121 = arith.index_cast %scan3A_100 : i32 to index
      %swap3A_122 = arith.constant 112 : index
      %swap3A_123 = tpu.vector_load %arg23[%swap3A_121, %swap3A_122] {strides = array<i32>} : memref<328x144xf32, #tpu.memory_space<vmem>>, vector<16xf32>,
      tpu.vector_store %arg23[%swap3A_121, %swap3A_122], %broadcast_in_dim3A_5 {strides = array<i32>} : memref<328x144xf32, #tpu.memory_space<vmem>>, vector<16xf32>,
      %swap3A_124 = arith.index_cast %scan3A_100 : i32 to index
      %swap3A_125 = arith.constant 128 : index
      %swap3A_126 = tpu.vector_load %arg23[%swap3A_124, %swap3A_125] {strides = array<i32>} : memref<328x144xf32, #tpu.memory_space<vmem>>, vector<16xf32>,
      tpu.vector_store %arg23[%swap3A_124, %swap3A_125], %broadcast_in_dim3A_5 {strides = array<i32>} : memref<328x144xf32, #tpu.memory_space<vmem>>, vector<16xf32>,
    }
    %scan3A_15 = arith.constant 328 : i32
    %scan3A_16 = arith.constant 0 : i32
    %scan3A_17 = arith.constant 0 : i32
    %scan3A_18 = arith.constant 320 : i32
    %scan3A_19 = arith.addi %scan3A_17, %scan3A_18 : i32
    %scan3A_20 = arith.constant 1 : i32
    %scan3A_21 = scf.for %scan3A_100 = %scan3A_17 to %scan3A_19 step %scan3A_20 iter_args(%scan3A_101 = %scan3A_16) -> (i32)  : i32 {
      %mul3A_102 = arith.constant 8 : i32
      %mul3A_103 = arith.muli %scan3A_100, %mul3A_102 : i32
      "tpu.region"() ({
        %run_scoped3A = tpu.sem_alloc : memref<!tpu.dma_semaphore, #tpu.memory_space<semaphore_mem>>
        %dma_start3A_112 = arith.constant 0 : i32
        %dma_start3A_113 = tpu.memref_slice %arg4[%mul3A_103, %dma_start3A_112] : memref<2560x128xi32, #tpu.memory_space<hbm>> -> memref<8x128xi32, #tpu.memory_space<hbm>>
        %dma_start3A_114 = arith.constant 0 : i32
        %dma_start3A_115 = tpu.memref_slice %arg4[%mul3A_103, %dma_start3A_114] : memref<2560x128xi32, #tpu.memory_space<hbm>> -> memref<8x128xi32, #tpu.memory_space<hbm>>
        tpu.enqueue_dma source(%dma_start3A_115 : memref<8x128xi32, #tpu.memory_space<hbm>>) target(%arg8 : memref<8x128xi32, #tpu.memory_space<vmem>>) target_semaphore(%run_scoped3A : memref<!tpu.dma_semaphore, #tpu.memory_space<semaphore_mem>>)
        %dma_wait3A = arith.constant 0 : i32
        %dma_wait3A_116 = tpu.memref_slice %arg4[%mul3A_103, %dma_wait3A] : memref<2560x128xi32, #tpu.memory_space<hbm>> -> memref<8x128xi32, #tpu.memory_space<hbm>>
        %dma_wait3A_117 = arith.constant 0 : i32
        %dma_wait3A_118 = tpu.memref_slice %arg4[%mul3A_103, %dma_wait3A_117] : memref<2560x128xi32, #tpu.memory_space<hbm>> -> memref<8x128xi32, #tpu.memory_space<hbm>>
        tpu.wait_dma2 semaphore(%run_scoped3A : memref<!tpu.dma_semaphore, #tpu.memory_space<semaphore_mem>>) src(%dma_wait3A_118 : memref<8x128xi32, #tpu.memory_space<hbm>>) dst(%arg8 : memref<8x128xi32, #tpu.memory_space<vmem>>)
        tpu.yield
      }) : () -> ()
      %mul3A_104 = arith.constant 8 : i32
      %mul3A_105 = arith.muli %scan3A_100, %mul3A_104 : i32
      "tpu.region"() ({
        %run_scoped3A = tpu.sem_alloc : memref<!tpu.dma_semaphore, #tpu.memory_space<semaphore_mem>>
        %dma_start3A_112 = arith.constant 0 : i32
        %dma_start3A_113 = tpu.memref_slice %arg5[%mul3A_105, %dma_start3A_112] : memref<2560x128xi32, #tpu.memory_space<hbm>> -> memref<8x128xi32, #tpu.memory_space<hbm>>
        %dma_start3A_114 = arith.constant 0 : i32
        %dma_start3A_115 = tpu.memref_slice %arg5[%mul3A_105, %dma_start3A_114] : memref<2560x128xi32, #tpu.memory_space<hbm>> -> memref<8x128xi32, #tpu.memory_space<hbm>>
        tpu.enqueue_dma source(%dma_start3A_115 : memref<8x128xi32, #tpu.memory_space<hbm>>) target(%arg9 : memref<8x128xi32, #tpu.memory_space<vmem>>) target_semaphore(%run_scoped3A : memref<!tpu.dma_semaphore, #tpu.memory_space<semaphore_mem>>)
        %dma_wait3A = arith.constant 0 : i32
        %dma_wait3A_116 = tpu.memref_slice %arg5[%mul3A_105, %dma_wait3A] : memref<2560x128xi32, #tpu.memory_space<hbm>> -> memref<8x128xi32, #tpu.memory_space<hbm>>
        %dma_wait3A_117 = arith.constant 0 : i32
        %dma_wait3A_118 = tpu.memref_slice %arg5[%mul3A_105, %dma_wait3A_117] : memref<2560x128xi32, #tpu.memory_space<hbm>> -> memref<8x128xi32, #tpu.memory_space<hbm>>
        tpu.wait_dma2 semaphore(%run_scoped3A : memref<!tpu.dma_semaphore, #tpu.memory_space<semaphore_mem>>) src(%dma_wait3A_118 : memref<8x128xi32, #tpu.memory_space<hbm>>) dst(%arg9 : memref<8x128xi32, #tpu.memory_space<vmem>>)
        tpu.yield
      }) : () -> ()
      %scan3A_106 = arith.constant 0 : i32
      %scan3A_107 = arith.constant 8 : i32
      %scan3A_108 = arith.addi %scan3A_106, %scan3A_107 : i32
      %scan3A_109 = arith.constant 1 : i32
      %scan3A_110 = scf.for %scan3A_112 = %scan3A_106 to %scan3A_108 step %scan3A_109 iter_args(%scan3A_113 = %scan3A_101) -> (i32)  : i32 {
        %get3A = arith.index_cast %scan3A_112 : i32 to index
        %get3A_114 = arith.constant 0 : index
        %get3A_115 = tpu.vector_load %arg9[%get3A, %get3A_114] {strides = array<i32>} : memref<8x128xi32, #tpu.memory_space<vmem>>, vector<16xi32>,
        %get3A_116 = arith.index_cast %scan3A_112 : i32 to index
        %get3A_117 = arith.constant 0 : index
        %get3A_118 = tpu.vector_load %arg8[%get3A_116, %get3A_117] {strides = array<i32>} : memref<8x128xi32, #tpu.memory_space<vmem>>, vector<16xi32>,
        %ge3A = vector.broadcast %mul3A_2 : i32 to vector<16xi32>
        %ge3A_119 = arith.cmpi sge, %get3A_115, %ge3A : vector<16xi32>
        %lt3A = vector.broadcast %add3A_4 : i32 to vector<16xi32>
        %lt3A_120 = arith.cmpi slt, %get3A_115, %lt3A : vector<16xi32>
        %and3A_121 = arith.andi %ge3A_119, %lt3A_120 : vector<16xi1>
        %swap3A = arith.constant 0 : index
        %swap3A_122 = tpu.vector_load %arg14[%swap3A] masked %and3A_121 {strides = array<i32>} : memref<16xi32, #tpu.memory_space<vmem>>, vector<16xi32>, vector<16xi1>
        tpu.vector_store %arg14[%swap3A], %get3A_115 masked %and3A_121 {strides = array<i32>} : memref<16xi32, #tpu.memory_space<vmem>>, vector<16xi32>, vector<16xi1>
        %swap3A_123 = arith.constant 0 : index
        %swap3A_124 = tpu.vector_load %arg13[%swap3A_123] masked %and3A_121 {strides = array<i32>} : memref<16xi32, #tpu.memory_space<vmem>>, vector<16xi32>, vector<16xi1>
        tpu.vector_store %arg13[%swap3A_123], %get3A_118 masked %and3A_121 {strides = array<i32>} : memref<16xi32, #tpu.memory_space<vmem>>, vector<16xi32>, vector<16xi1>
        %all_reduce_population_count3A = tpu.all_reduce %and3A_121 {dim = 0 : i64, kind = #tpu.reduction_kind<sum>} : vector<16xi1> -> vector<16xi32>
        %slice3A = vector.extract_strided_slice %all_reduce_population_count3A {offsets = [0], sizes = [1], strides = [1]} : vector<16xi32> to vector<1xi32>
        %squeeze3A = vector.extract %slice3A[0] : i32 from vector<1xi32>
        %broadcast_in_dim3A_125 = vector.broadcast %scan3A_113 : i32 to vector<16xi32>
        %add3A_126 = arith.addi %broadcast_in_dim3A_125, %iota3A : vector<16xi32>
        %broadcast_in_dim3A_127 = vector.broadcast %squeeze3A : i32 to vector<16xi32>
        %lt3A_128 = arith.cmpi slt, %iota3A, %broadcast_in_dim3A_127 : vector<16xi32>
        %broadcast_in_dim3A_129 = arith.constant 13568 : i32
        %broadcast_in_dim3A_130 = vector.broadcast %broadcast_in_dim3A_129 : i32 to vector<16xi32>
        %lt3A_131 = arith.cmpi slt, %add3A_126, %broadcast_in_dim3A_130 : vector<16xi32>
        %and3A_132 = arith.andi %lt3A_128, %lt3A_131 : vector<16xi1>
        %get3A_133 = arith.constant 0 : index
        %get3A_134 = tpu.vector_load %arg14[%get3A_133] {strides = array<i32>} : memref<16xi32, #tpu.memory_space<vmem>>, vector<16xi32>,
        tpu.vector_store_idx %arg12[%add3A_126], %get3A_134 masked %and3A_132 : memref<13696xi32, #tpu.memory_space<vmem>>[vector<16xi32>], vector<16xi32>, vector<16xi1>
        %get3A_135 = arith.constant 0 : index
        %get3A_136 = tpu.vector_load %arg13[%get3A_135] {strides = array<i32>} : memref<16xi32, #tpu.memory_space<vmem>>, vector<16xi32>,
        tpu.vector_store_idx %arg11[%add3A_126], %get3A_136 masked %and3A_132 : memref<13696xi32, #tpu.memory_space<vmem>>[vector<16xi32>], vector<16xi32>, vector<16xi1>
        %add3A_137 = arith.addi %scan3A_113, %squeeze3A : i32
        %get3A_138 = arith.index_cast %scan3A_112 : i32 to index
        %get3A_139 = arith.constant 16 : index
        %get3A_140 = tpu.vector_load %arg9[%get3A_138, %get3A_139] {strides = array<i32>} : memref<8x128xi32, #tpu.memory_space<vmem>>, vector<16xi32>,
        %get3A_141 = arith.index_cast %scan3A_112 : i32 to index
        %get3A_142 = arith.constant 16 : index
        %get3A_143 = tpu.vector_load %arg8[%get3A_141, %get3A_142] {strides = array<i32>} : memref<8x128xi32, #tpu.memory_space<vmem>>, vector<16xi32>,
        %ge3A_144 = vector.broadcast %mul3A_2 : i32 to vector<16xi32>
        %ge3A_145 = arith.cmpi sge, %get3A_140, %ge3A_144 : vector<16xi32>
        %lt3A_146 = vector.broadcast %add3A_4 : i32 to vector<16xi32>
        %lt3A_147 = arith.cmpi slt, %get3A_140, %lt3A_146 : vector<16xi32>
        %and3A_148 = arith.andi %ge3A_145, %lt3A_147 : vector<16xi1>
        %swap3A_149 = arith.constant 0 : index
        %swap3A_150 = tpu.vector_load %arg14[%swap3A_149] masked %and3A_148 {strides = array<i32>} : memref<16xi32, #tpu.memory_space<vmem>>, vector<16xi32>, vector<16xi1>
        tpu.vector_store %arg14[%swap3A_149], %get3A_140 masked %and3A_148 {strides = array<i32>} : memref<16xi32, #tpu.memory_space<vmem>>, vector<16xi32>, vector<16xi1>
        %swap3A_151 = arith.constant 0 : index
        %swap3A_152 = tpu.vector_load %arg13[%swap3A_151] masked %and3A_148 {strides = array<i32>} : memref<16xi32, #tpu.memory_space<vmem>>, vector<16xi32>, vector<16xi1>
        tpu.vector_store %arg13[%swap3A_151], %get3A_143 masked %and3A_148 {strides = array<i32>} : memref<16xi32, #tpu.memory_space<vmem>>, vector<16xi32>, vector<16xi1>
        %all_reduce_population_count3A_153 = tpu.all_reduce %and3A_148 {dim = 0 : i64, kind = #tpu.reduction_kind<sum>} : vector<16xi1> -> vector<16xi32>
        %slice3A_154 = vector.extract_strided_slice %all_reduce_population_count3A_153 {offsets = [0], sizes = [1], strides = [1]} : vector<16xi32> to vector<1xi32>
        %squeeze3A_155 = vector.extract %slice3A_154[0] : i32 from vector<1xi32>
        %broadcast_in_dim3A_156 = vector.broadcast %add3A_137 : i32 to vector<16xi32>
        %add3A_157 = arith.addi %broadcast_in_dim3A_156, %iota3A : vector<16xi32>
        %broadcast_in_dim3A_158 = vector.broadcast %squeeze3A_155 : i32 to vector<16xi32>
        %lt3A_159 = arith.cmpi slt, %iota3A, %broadcast_in_dim3A_158 : vector<16xi32>
        %broadcast_in_dim3A_160 = arith.constant 13568 : i32
        %broadcast_in_dim3A_161 = vector.broadcast %broadcast_in_dim3A_160 : i32 to vector<16xi32>
        %lt3A_162 = arith.cmpi slt, %add3A_157, %broadcast_in_dim3A_161 : vector<16xi32>
        %and3A_163 = arith.andi %lt3A_159, %lt3A_162 : vector<16xi1>
        %get3A_164 = arith.constant 0 : index
        %get3A_165 = tpu.vector_load %arg14[%get3A_164] {strides = array<i32>} : memref<16xi32, #tpu.memory_space<vmem>>, vector<16xi32>,
        tpu.vector_store_idx %arg12[%add3A_157], %get3A_165 masked %and3A_163 : memref<13696xi32, #tpu.memory_space<vmem>>[vector<16xi32>], vector<16xi32>, vector<16xi1>
        %get3A_166 = arith.constant 0 : index
        %get3A_167 = tpu.vector_load %arg13[%get3A_166] {strides = array<i32>} : memref<16xi32, #tpu.memory_space<vmem>>, vector<16xi32>,
        tpu.vector_store_idx %arg11[%add3A_157], %get3A_167 masked %and3A_163 : memref<13696xi32, #tpu.memory_space<vmem>>[vector<16xi32>], vector<16xi32>, vector<16xi1>
        %add3A_168 = arith.addi %add3A_137, %squeeze3A_155 : i32
        %get3A_169 = arith.index_cast %scan3A_112 : i32 to index
        %get3A_170 = arith.constant 32 : index
        %get3A_171 = tpu.vector_load %arg9[%get3A_169, %get3A_170] {strides = array<i32>} : memref<8x128xi32, #tpu.memory_space<vmem>>, vector<16xi32>,
        %get3A_172 = arith.index_cast %scan3A_112 : i32 to index
        %get3A_173 = arith.constant 32 : index
        %get3A_174 = tpu.vector_load %arg8[%get3A_172, %get3A_173] {strides = array<i32>} : memref<8x128xi32, #tpu.memory_space<vmem>>, vector<16xi32>,
        %ge3A_175 = vector.broadcast %mul3A_2 : i32 to vector<16xi32>
        %ge3A_176 = arith.cmpi sge, %get3A_171, %ge3A_175 : vector<16xi32>
        %lt3A_177 = vector.broadcast %add3A_4 : i32 to vector<16xi32>
        %lt3A_178 = arith.cmpi slt, %get3A_171, %lt3A_177 : vector<16xi32>
        %and3A_179 = arith.andi %ge3A_176, %lt3A_178 : vector<16xi1>
        %swap3A_180 = arith.constant 0 : index
        %swap3A_181 = tpu.vector_load %arg14[%swap3A_180] masked %and3A_179 {strides = array<i32>} : memref<16xi32, #tpu.memory_space<vmem>>, vector<16xi32>, vector<16xi1>
        tpu.vector_store %arg14[%swap3A_180], %get3A_171 masked %and3A_179 {strides = array<i32>} : memref<16xi32, #tpu.memory_space<vmem>>, vector<16xi32>, vector<16xi1>
        %swap3A_182 = arith.constant 0 : index
        %swap3A_183 = tpu.vector_load %arg13[%swap3A_182] masked %and3A_179 {strides = array<i32>} : memref<16xi32, #tpu.memory_space<vmem>>, vector<16xi32>, vector<16xi1>
        tpu.vector_store %arg13[%swap3A_182], %get3A_174 masked %and3A_179 {strides = array<i32>} : memref<16xi32, #tpu.memory_space<vmem>>, vector<16xi32>, vector<16xi1>
        %all_reduce_population_count3A_184 = tpu.all_reduce %and3A_179 {dim = 0 : i64, kind = #tpu.reduction_kind<sum>} : vector<16xi1> -> vector<16xi32>
        %slice3A_185 = vector.extract_strided_slice %all_reduce_population_count3A_184 {offsets = [0], sizes = [1], strides = [1]} : vector<16xi32> to vector<1xi32>
        %squeeze3A_186 = vector.extract %slice3A_185[0] : i32 from vector<1xi32>
        %broadcast_in_dim3A_187 = vector.broadcast %add3A_168 : i32 to vector<16xi32>
        %add3A_188 = arith.addi %broadcast_in_dim3A_187, %iota3A : vector<16xi32>
        %broadcast_in_dim3A_189 = vector.broadcast %squeeze3A_186 : i32 to vector<16xi32>
        %lt3A_190 = arith.cmpi slt, %iota3A, %broadcast_in_dim3A_189 : vector<16xi32>
        %broadcast_in_dim3A_191 = arith.constant 13568 : i32
        %broadcast_in_dim3A_192 = vector.broadcast %broadcast_in_dim3A_191 : i32 to vector<16xi32>
        %lt3A_193 = arith.cmpi slt, %add3A_188, %broadcast_in_dim3A_192 : vector<16xi32>
        %and3A_194 = arith.andi %lt3A_190, %lt3A_193 : vector<16xi1>
        %get3A_195 = arith.constant 0 : index
        %get3A_196 = tpu.vector_load %arg14[%get3A_195] {strides = array<i32>} : memref<16xi32, #tpu.memory_space<vmem>>, vector<16xi32>,
        tpu.vector_store_idx %arg12[%add3A_188], %get3A_196 masked %and3A_194 : memref<13696xi32, #tpu.memory_space<vmem>>[vector<16xi32>], vector<16xi32>, vector<16xi1>
        %get3A_197 = arith.constant 0 : index
        %get3A_198 = tpu.vector_load %arg13[%get3A_197] {strides = array<i32>} : memref<16xi32, #tpu.memory_space<vmem>>, vector<16xi32>,
        tpu.vector_store_idx %arg11[%add3A_188], %get3A_198 masked %and3A_194 : memref<13696xi32, #tpu.memory_space<vmem>>[vector<16xi32>], vector<16xi32>, vector<16xi1>
        %add3A_199 = arith.addi %add3A_168, %squeeze3A_186 : i32
        %get3A_200 = arith.index_cast %scan3A_112 : i32 to index
        %get3A_201 = arith.constant 48 : index
        %get3A_202 = tpu.vector_load %arg9[%get3A_200, %get3A_201] {strides = array<i32>} : memref<8x128xi32, #tpu.memory_space<vmem>>, vector<16xi32>,
        %get3A_203 = arith.index_cast %scan3A_112 : i32 to index
        %get3A_204 = arith.constant 48 : index
        %get3A_205 = tpu.vector_load %arg8[%get3A_203, %get3A_204] {strides = array<i32>} : memref<8x128xi32, #tpu.memory_space<vmem>>, vector<16xi32>,
        %ge3A_206 = vector.broadcast %mul3A_2 : i32 to vector<16xi32>
        %ge3A_207 = arith.cmpi sge, %get3A_202, %ge3A_206 : vector<16xi32>
        %lt3A_208 = vector.broadcast %add3A_4 : i32 to vector<16xi32>
        %lt3A_209 = arith.cmpi slt, %get3A_202, %lt3A_208 : vector<16xi32>
        %and3A_210 = arith.andi %ge3A_207, %lt3A_209 : vector<16xi1>
        %swap3A_211 = arith.constant 0 : index
        %swap3A_212 = tpu.vector_load %arg14[%swap3A_211] masked %and3A_210 {strides = array<i32>} : memref<16xi32, #tpu.memory_space<vmem>>, vector<16xi32>, vector<16xi1>
        tpu.vector_store %arg14[%swap3A_211], %get3A_202 masked %and3A_210 {strides = array<i32>} : memref<16xi32, #tpu.memory_space<vmem>>, vector<16xi32>, vector<16xi1>
        %swap3A_213 = arith.constant 0 : index
        %swap3A_214 = tpu.vector_load %arg13[%swap3A_213] masked %and3A_210 {strides = array<i32>} : memref<16xi32, #tpu.memory_space<vmem>>, vector<16xi32>, vector<16xi1>
        tpu.vector_store %arg13[%swap3A_213], %get3A_205 masked %and3A_210 {strides = array<i32>} : memref<16xi32, #tpu.memory_space<vmem>>, vector<16xi32>, vector<16xi1>
        %all_reduce_population_count3A_215 = tpu.all_reduce %and3A_210 {dim = 0 : i64, kind = #tpu.reduction_kind<sum>} : vector<16xi1> -> vector<16xi32>
        %slice3A_216 = vector.extract_strided_slice %all_reduce_population_count3A_215 {offsets = [0], sizes = [1], strides = [1]} : vector<16xi32> to vector<1xi32>
        %squeeze3A_217 = vector.extract %slice3A_216[0] : i32 from vector<1xi32>
        %broadcast_in_dim3A_218 = vector.broadcast %add3A_199 : i32 to vector<16xi32>
        %add3A_219 = arith.addi %broadcast_in_dim3A_218, %iota3A : vector<16xi32>
        %broadcast_in_dim3A_220 = vector.broadcast %squeeze3A_217 : i32 to vector<16xi32>
        %lt3A_221 = arith.cmpi slt, %iota3A, %broadcast_in_dim3A_220 : vector<16xi32>
        %broadcast_in_dim3A_222 = arith.constant 13568 : i32
        %broadcast_in_dim3A_223 = vector.broadcast %broadcast_in_dim3A_222 : i32 to vector<16xi32>
        %lt3A_224 = arith.cmpi slt, %add3A_219, %broadcast_in_dim3A_223 : vector<16xi32>
        %and3A_225 = arith.andi %lt3A_221, %lt3A_224 : vector<16xi1>
        %get3A_226 = arith.constant 0 : index
        %get3A_227 = tpu.vector_load %arg14[%get3A_226] {strides = array<i32>} : memref<16xi32, #tpu.memory_space<vmem>>, vector<16xi32>,
        tpu.vector_store_idx %arg12[%add3A_219], %get3A_227 masked %and3A_225 : memref<13696xi32, #tpu.memory_space<vmem>>[vector<16xi32>], vector<16xi32>, vector<16xi1>
        %get3A_228 = arith.constant 0 : index
        %get3A_229 = tpu.vector_load %arg13[%get3A_228] {strides = array<i32>} : memref<16xi32, #tpu.memory_space<vmem>>, vector<16xi32>,
        tpu.vector_store_idx %arg11[%add3A_219], %get3A_229 masked %and3A_225 : memref<13696xi32, #tpu.memory_space<vmem>>[vector<16xi32>], vector<16xi32>, vector<16xi1>
        %add3A_230 = arith.addi %add3A_199, %squeeze3A_217 : i32
        %get3A_231 = arith.index_cast %scan3A_112 : i32 to index
        %get3A_232 = arith.constant 64 : index
        %get3A_233 = tpu.vector_load %arg9[%get3A_231, %get3A_232] {strides = array<i32>} : memref<8x128xi32, #tpu.memory_space<vmem>>, vector<16xi32>,
        %get3A_234 = arith.index_cast %scan3A_112 : i32 to index
        %get3A_235 = arith.constant 64 : index
        %get3A_236 = tpu.vector_load %arg8[%get3A_234, %get3A_235] {strides = array<i32>} : memref<8x128xi32, #tpu.memory_space<vmem>>, vector<16xi32>,
        %ge3A_237 = vector.broadcast %mul3A_2 : i32 to vector<16xi32>
        %ge3A_238 = arith.cmpi sge, %get3A_233, %ge3A_237 : vector<16xi32>
        %lt3A_239 = vector.broadcast %add3A_4 : i32 to vector<16xi32>
        %lt3A_240 = arith.cmpi slt, %get3A_233, %lt3A_239 : vector<16xi32>
        %and3A_241 = arith.andi %ge3A_238, %lt3A_240 : vector<16xi1>
        %swap3A_242 = arith.constant 0 : index
        %swap3A_243 = tpu.vector_load %arg14[%swap3A_242] masked %and3A_241 {strides = array<i32>} : memref<16xi32, #tpu.memory_space<vmem>>, vector<16xi32>, vector<16xi1>
        tpu.vector_store %arg14[%swap3A_242], %get3A_233 masked %and3A_241 {strides = array<i32>} : memref<16xi32, #tpu.memory_space<vmem>>, vector<16xi32>, vector<16xi1>
        %swap3A_244 = arith.constant 0 : index
        %swap3A_245 = tpu.vector_load %arg13[%swap3A_244] masked %and3A_241 {strides = array<i32>} : memref<16xi32, #tpu.memory_space<vmem>>, vector<16xi32>, vector<16xi1>
        tpu.vector_store %arg13[%swap3A_244], %get3A_236 masked %and3A_241 {strides = array<i32>} : memref<16xi32, #tpu.memory_space<vmem>>, vector<16xi32>, vector<16xi1>
        %all_reduce_population_count3A_246 = tpu.all_reduce %and3A_241 {dim = 0 : i64, kind = #tpu.reduction_kind<sum>} : vector<16xi1> -> vector<16xi32>
        %slice3A_247 = vector.extract_strided_slice %all_reduce_population_count3A_246 {offsets = [0], sizes = [1], strides = [1]} : vector<16xi32> to vector<1xi32>
        %squeeze3A_248 = vector.extract %slice3A_247[0] : i32 from vector<1xi32>
        %broadcast_in_dim3A_249 = vector.broadcast %add3A_230 : i32 to vector<16xi32>
        %add3A_250 = arith.addi %broadcast_in_dim3A_249, %iota3A : vector<16xi32>
        %broadcast_in_dim3A_251 = vector.broadcast %squeeze3A_248 : i32 to vector<16xi32>
        %lt3A_252 = arith.cmpi slt, %iota3A, %broadcast_in_dim3A_251 : vector<16xi32>
        %broadcast_in_dim3A_253 = arith.constant 13568 : i32
        %broadcast_in_dim3A_254 = vector.broadcast %broadcast_in_dim3A_253 : i32 to vector<16xi32>
        %lt3A_255 = arith.cmpi slt, %add3A_250, %broadcast_in_dim3A_254 : vector<16xi32>
        %and3A_256 = arith.andi %lt3A_252, %lt3A_255 : vector<16xi1>
        %get3A_257 = arith.constant 0 : index
        %get3A_258 = tpu.vector_load %arg14[%get3A_257] {strides = array<i32>} : memref<16xi32, #tpu.memory_space<vmem>>, vector<16xi32>,
        tpu.vector_store_idx %arg12[%add3A_250], %get3A_258 masked %and3A_256 : memref<13696xi32, #tpu.memory_space<vmem>>[vector<16xi32>], vector<16xi32>, vector<16xi1>
        %get3A_259 = arith.constant 0 : index
        %get3A_260 = tpu.vector_load %arg13[%get3A_259] {strides = array<i32>} : memref<16xi32, #tpu.memory_space<vmem>>, vector<16xi32>,
        tpu.vector_store_idx %arg11[%add3A_250], %get3A_260 masked %and3A_256 : memref<13696xi32, #tpu.memory_space<vmem>>[vector<16xi32>], vector<16xi32>, vector<16xi1>
        %add3A_261 = arith.addi %add3A_230, %squeeze3A_248 : i32
        %get3A_262 = arith.index_cast %scan3A_112 : i32 to index
        %get3A_263 = arith.constant 80 : index
        %get3A_264 = tpu.vector_load %arg9[%get3A_262, %get3A_263] {strides = array<i32>} : memref<8x128xi32, #tpu.memory_space<vmem>>, vector<16xi32>,
        %get3A_265 = arith.index_cast %scan3A_112 : i32 to index
        %get3A_266 = arith.constant 80 : index
        %get3A_267 = tpu.vector_load %arg8[%get3A_265, %get3A_266] {strides = array<i32>} : memref<8x128xi32, #tpu.memory_space<vmem>>, vector<16xi32>,
        %ge3A_268 = vector.broadcast %mul3A_2 : i32 to vector<16xi32>
        %ge3A_269 = arith.cmpi sge, %get3A_264, %ge3A_268 : vector<16xi32>
        %lt3A_270 = vector.broadcast %add3A_4 : i32 to vector<16xi32>
        %lt3A_271 = arith.cmpi slt, %get3A_264, %lt3A_270 : vector<16xi32>
        %and3A_272 = arith.andi %ge3A_269, %lt3A_271 : vector<16xi1>
        %swap3A_273 = arith.constant 0 : index
        %swap3A_274 = tpu.vector_load %arg14[%swap3A_273] masked %and3A_272 {strides = array<i32>} : memref<16xi32, #tpu.memory_space<vmem>>, vector<16xi32>, vector<16xi1>
        tpu.vector_store %arg14[%swap3A_273], %get3A_264 masked %and3A_272 {strides = array<i32>} : memref<16xi32, #tpu.memory_space<vmem>>, vector<16xi32>, vector<16xi1>
        %swap3A_275 = arith.constant 0 : index
        %swap3A_276 = tpu.vector_load %arg13[%swap3A_275] masked %and3A_272 {strides = array<i32>} : memref<16xi32, #tpu.memory_space<vmem>>, vector<16xi32>, vector<16xi1>
        tpu.vector_store %arg13[%swap3A_275], %get3A_267 masked %and3A_272 {strides = array<i32>} : memref<16xi32, #tpu.memory_space<vmem>>, vector<16xi32>, vector<16xi1>
        %all_reduce_population_count3A_277 = tpu.all_reduce %and3A_272 {dim = 0 : i64, kind = #tpu.reduction_kind<sum>} : vector<16xi1> -> vector<16xi32>
        %slice3A_278 = vector.extract_strided_slice %all_reduce_population_count3A_277 {offsets = [0], sizes = [1], strides = [1]} : vector<16xi32> to vector<1xi32>
        %squeeze3A_279 = vector.extract %slice3A_278[0] : i32 from vector<1xi32>
        %broadcast_in_dim3A_280 = vector.broadcast %add3A_261 : i32 to vector<16xi32>
        %add3A_281 = arith.addi %broadcast_in_dim3A_280, %iota3A : vector<16xi32>
        %broadcast_in_dim3A_282 = vector.broadcast %squeeze3A_279 : i32 to vector<16xi32>
        %lt3A_283 = arith.cmpi slt, %iota3A, %broadcast_in_dim3A_282 : vector<16xi32>
        %broadcast_in_dim3A_284 = arith.constant 13568 : i32
        %broadcast_in_dim3A_285 = vector.broadcast %broadcast_in_dim3A_284 : i32 to vector<16xi32>
        %lt3A_286 = arith.cmpi slt, %add3A_281, %broadcast_in_dim3A_285 : vector<16xi32>
        %and3A_287 = arith.andi %lt3A_283, %lt3A_286 : vector<16xi1>
        %get3A_288 = arith.constant 0 : index
        %get3A_289 = tpu.vector_load %arg14[%get3A_288] {strides = array<i32>} : memref<16xi32, #tpu.memory_space<vmem>>, vector<16xi32>,
        tpu.vector_store_idx %arg12[%add3A_281], %get3A_289 masked %and3A_287 : memref<13696xi32, #tpu.memory_space<vmem>>[vector<16xi32>], vector<16xi32>, vector<16xi1>
        %get3A_290 = arith.constant 0 : index
        %get3A_291 = tpu.vector_load %arg13[%get3A_290] {strides = array<i32>} : memref<16xi32, #tpu.memory_space<vmem>>, vector<16xi32>,
        tpu.vector_store_idx %arg11[%add3A_281], %get3A_291 masked %and3A_287 : memref<13696xi32, #tpu.memory_space<vmem>>[vector<16xi32>], vector<16xi32>, vector<16xi1>
        %add3A_292 = arith.addi %add3A_261, %squeeze3A_279 : i32
        %get3A_293 = arith.index_cast %scan3A_112 : i32 to index
        %get3A_294 = arith.constant 96 : index
        %get3A_295 = tpu.vector_load %arg9[%get3A_293, %get3A_294] {strides = array<i32>} : memref<8x128xi32, #tpu.memory_space<vmem>>, vector<16xi32>,
        %get3A_296 = arith.index_cast %scan3A_112 : i32 to index
        %get3A_297 = arith.constant 96 : index
        %get3A_298 = tpu.vector_load %arg8[%get3A_296, %get3A_297] {strides = array<i32>} : memref<8x128xi32, #tpu.memory_space<vmem>>, vector<16xi32>,
        %ge3A_299 = vector.broadcast %mul3A_2 : i32 to vector<16xi32>
        %ge3A_300 = arith.cmpi sge, %get3A_295, %ge3A_299 : vector<16xi32>
        %lt3A_301 = vector.broadcast %add3A_4 : i32 to vector<16xi32>
        %lt3A_302 = arith.cmpi slt, %get3A_295, %lt3A_301 : vector<16xi32>
        %and3A_303 = arith.andi %ge3A_300, %lt3A_302 : vector<16xi1>
        %swap3A_304 = arith.constant 0 : index
        %swap3A_305 = tpu.vector_load %arg14[%swap3A_304] masked %and3A_303 {strides = array<i32>} : memref<16xi32, #tpu.memory_space<vmem>>, vector<16xi32>, vector<16xi1>
        tpu.vector_store %arg14[%swap3A_304], %get3A_295 masked %and3A_303 {strides = array<i32>} : memref<16xi32, #tpu.memory_space<vmem>>, vector<16xi32>, vector<16xi1>
        %swap3A_306 = arith.constant 0 : index
        %swap3A_307 = tpu.vector_load %arg13[%swap3A_306] masked %and3A_303 {strides = array<i32>} : memref<16xi32, #tpu.memory_space<vmem>>, vector<16xi32>, vector<16xi1>
        tpu.vector_store %arg13[%swap3A_306], %get3A_298 masked %and3A_303 {strides = array<i32>} : memref<16xi32, #tpu.memory_space<vmem>>, vector<16xi32>, vector<16xi1>
        %all_reduce_population_count3A_308 = tpu.all_reduce %and3A_303 {dim = 0 : i64, kind = #tpu.reduction_kind<sum>} : vector<16xi1> -> vector<16xi32>
        %slice3A_309 = vector.extract_strided_slice %all_reduce_population_count3A_308 {offsets = [0], sizes = [1], strides = [1]} : vector<16xi32> to vector<1xi32>
        %squeeze3A_310 = vector.extract %slice3A_309[0] : i32 from vector<1xi32>
        %broadcast_in_dim3A_311 = vector.broadcast %add3A_292 : i32 to vector<16xi32>
        %add3A_312 = arith.addi %broadcast_in_dim3A_311, %iota3A : vector<16xi32>
        %broadcast_in_dim3A_313 = vector.broadcast %squeeze3A_310 : i32 to vector<16xi32>
        %lt3A_314 = arith.cmpi slt, %iota3A, %broadcast_in_dim3A_313 : vector<16xi32>
        %broadcast_in_dim3A_315 = arith.constant 13568 : i32
        %broadcast_in_dim3A_316 = vector.broadcast %broadcast_in_dim3A_315 : i32 to vector<16xi32>
        %lt3A_317 = arith.cmpi slt, %add3A_312, %broadcast_in_dim3A_316 : vector<16xi32>
        %and3A_318 = arith.andi %lt3A_314, %lt3A_317 : vector<16xi1>
        %get3A_319 = arith.constant 0 : index
        %get3A_320 = tpu.vector_load %arg14[%get3A_319] {strides = array<i32>} : memref<16xi32, #tpu.memory_space<vmem>>, vector<16xi32>,
        tpu.vector_store_idx %arg12[%add3A_312], %get3A_320 masked %and3A_318 : memref<13696xi32, #tpu.memory_space<vmem>>[vector<16xi32>], vector<16xi32>, vector<16xi1>
        %get3A_321 = arith.constant 0 : index
        %get3A_322 = tpu.vector_load %arg13[%get3A_321] {strides = array<i32>} : memref<16xi32, #tpu.memory_space<vmem>>, vector<16xi32>,
        tpu.vector_store_idx %arg11[%add3A_312], %get3A_322 masked %and3A_318 : memref<13696xi32, #tpu.memory_space<vmem>>[vector<16xi32>], vector<16xi32>, vector<16xi1>
        %add3A_323 = arith.addi %add3A_292, %squeeze3A_310 : i32
        %get3A_324 = arith.index_cast %scan3A_112 : i32 to index
        %get3A_325 = arith.constant 112 : index
        %get3A_326 = tpu.vector_load %arg9[%get3A_324, %get3A_325] {strides = array<i32>} : memref<8x128xi32, #tpu.memory_space<vmem>>, vector<16xi32>,
        %get3A_327 = arith.index_cast %scan3A_112 : i32 to index
        %get3A_328 = arith.constant 112 : index
        %get3A_329 = tpu.vector_load %arg8[%get3A_327, %get3A_328] {strides = array<i32>} : memref<8x128xi32, #tpu.memory_space<vmem>>, vector<16xi32>,
        %ge3A_330 = vector.broadcast %mul3A_2 : i32 to vector<16xi32>
        %ge3A_331 = arith.cmpi sge, %get3A_326, %ge3A_330 : vector<16xi32>
        %lt3A_332 = vector.broadcast %add3A_4 : i32 to vector<16xi32>
        %lt3A_333 = arith.cmpi slt, %get3A_326, %lt3A_332 : vector<16xi32>
        %and3A_334 = arith.andi %ge3A_331, %lt3A_333 : vector<16xi1>
        %swap3A_335 = arith.constant 0 : index
        %swap3A_336 = tpu.vector_load %arg14[%swap3A_335] masked %and3A_334 {strides = array<i32>} : memref<16xi32, #tpu.memory_space<vmem>>, vector<16xi32>, vector<16xi1>
        tpu.vector_store %arg14[%swap3A_335], %get3A_326 masked %and3A_334 {strides = array<i32>} : memref<16xi32, #tpu.memory_space<vmem>>, vector<16xi32>, vector<16xi1>
        %swap3A_337 = arith.constant 0 : index
        %swap3A_338 = tpu.vector_load %arg13[%swap3A_337] masked %and3A_334 {strides = array<i32>} : memref<16xi32, #tpu.memory_space<vmem>>, vector<16xi32>, vector<16xi1>
        tpu.vector_store %arg13[%swap3A_337], %get3A_329 masked %and3A_334 {strides = array<i32>} : memref<16xi32, #tpu.memory_space<vmem>>, vector<16xi32>, vector<16xi1>
        %all_reduce_population_count3A_339 = tpu.all_reduce %and3A_334 {dim = 0 : i64, kind = #tpu.reduction_kind<sum>} : vector<16xi1> -> vector<16xi32>
        %slice3A_340 = vector.extract_strided_slice %all_reduce_population_count3A_339 {offsets = [0], sizes = [1], strides = [1]} : vector<16xi32> to vector<1xi32>
        %squeeze3A_341 = vector.extract %slice3A_340[0] : i32 from vector<1xi32>
        %broadcast_in_dim3A_342 = vector.broadcast %add3A_323 : i32 to vector<16xi32>
        %add3A_343 = arith.addi %broadcast_in_dim3A_342, %iota3A : vector<16xi32>
        %broadcast_in_dim3A_344 = vector.broadcast %squeeze3A_341 : i32 to vector<16xi32>
        %lt3A_345 = arith.cmpi slt, %iota3A, %broadcast_in_dim3A_344 : vector<16xi32>
        %broadcast_in_dim3A_346 = arith.constant 13568 : i32
        %broadcast_in_dim3A_347 = vector.broadcast %broadcast_in_dim3A_346 : i32 to vector<16xi32>
        %lt3A_348 = arith.cmpi slt, %add3A_343, %broadcast_in_dim3A_347 : vector<16xi32>
        %and3A_349 = arith.andi %lt3A_345, %lt3A_348 : vector<16xi1>
        %get3A_350 = arith.constant 0 : index
        %get3A_351 = tpu.vector_load %arg14[%get3A_350] {strides = array<i32>} : memref<16xi32, #tpu.memory_space<vmem>>, vector<16xi32>,
        tpu.vector_store_idx %arg12[%add3A_343], %get3A_351 masked %and3A_349 : memref<13696xi32, #tpu.memory_space<vmem>>[vector<16xi32>], vector<16xi32>, vector<16xi1>
        %get3A_352 = arith.constant 0 : index
        %get3A_353 = tpu.vector_load %arg13[%get3A_352] {strides = array<i32>} : memref<16xi32, #tpu.memory_space<vmem>>, vector<16xi32>,
        tpu.vector_store_idx %arg11[%add3A_343], %get3A_353 masked %and3A_349 : memref<13696xi32, #tpu.memory_space<vmem>>[vector<16xi32>], vector<16xi32>, vector<16xi1>
        %add3A_354 = arith.addi %add3A_323, %squeeze3A_341 : i32
        scf.yield %add3A_354 : i32
      }
      %scan3A_111 = arith.constant 8 : i32
      scf.yield %scan3A_110 : i32
    }
    %scan3A_22 = arith.constant 320 : i32
    %min3A = arith.constant 13568 : i32
    %min3A_23 = arith.minsi %scan3A_21, %min3A : i32
    %broadcast_in_dim3A_24 = vector.broadcast %add3A_4 : i32 to vector<16xi32>
    %broadcast_in_dim3A_25 = arith.constant 0 : i32
    %broadcast_in_dim3A_26 = vector.broadcast %broadcast_in_dim3A_25 : i32 to vector<16xi32>
    %broadcast_in_dim3A_27 = vector.broadcast %min3A_23 : i32 to vector<16xi32>
    %add3A_28 = arith.addi %broadcast_in_dim3A_27, %iota3A : vector<16xi32>
    %broadcast_in_dim3A_29 = arith.constant 0 : i32
    %broadcast_in_dim3A_30 = vector.broadcast %broadcast_in_dim3A_29 : i32 to vector<16xi32>
    %add3A_31 = arith.addi %add3A_28, %broadcast_in_dim3A_30 : vector<16xi32>
    tpu.vector_store_idx %arg12[%add3A_31], %broadcast_in_dim3A_24 : memref<13696xi32, #tpu.memory_space<vmem>>[vector<16xi32>], vector<16xi32>,
    tpu.vector_store_idx %arg11[%add3A_31], %broadcast_in_dim3A_26 : memref<13696xi32, #tpu.memory_space<vmem>>[vector<16xi32>], vector<16xi32>,
    %add3A_32 = arith.addi %broadcast_in_dim3A_27, %iota3A : vector<16xi32>
    %broadcast_in_dim3A_33 = arith.constant 16 : i32
    %broadcast_in_dim3A_34 = vector.broadcast %broadcast_in_dim3A_33 : i32 to vector<16xi32>
    %add3A_35 = arith.addi %add3A_32, %broadcast_in_dim3A_34 : vector<16xi32>
    tpu.vector_store_idx %arg12[%add3A_35], %broadcast_in_dim3A_24 : memref<13696xi32, #tpu.memory_space<vmem>>[vector<16xi32>], vector<16xi32>,
    tpu.vector_store_idx %arg11[%add3A_35], %broadcast_in_dim3A_26 : memref<13696xi32, #tpu.memory_space<vmem>>[vector<16xi32>], vector<16xi32>,
    %add3A_36 = arith.addi %broadcast_in_dim3A_27, %iota3A : vector<16xi32>
    %broadcast_in_dim3A_37 = arith.constant 32 : i32
    %broadcast_in_dim3A_38 = vector.broadcast %broadcast_in_dim3A_37 : i32 to vector<16xi32>
    %add3A_39 = arith.addi %add3A_36, %broadcast_in_dim3A_38 : vector<16xi32>
    tpu.vector_store_idx %arg12[%add3A_39], %broadcast_in_dim3A_24 : memref<13696xi32, #tpu.memory_space<vmem>>[vector<16xi32>], vector<16xi32>,
    tpu.vector_store_idx %arg11[%add3A_39], %broadcast_in_dim3A_26 : memref<13696xi32, #tpu.memory_space<vmem>>[vector<16xi32>], vector<16xi32>,
    %add3A_40 = arith.addi %broadcast_in_dim3A_27, %iota3A : vector<16xi32>
    %broadcast_in_dim3A_41 = arith.constant 48 : i32
    %broadcast_in_dim3A_42 = vector.broadcast %broadcast_in_dim3A_41 : i32 to vector<16xi32>
    %add3A_43 = arith.addi %add3A_40, %broadcast_in_dim3A_42 : vector<16xi32>
    tpu.vector_store_idx %arg12[%add3A_43], %broadcast_in_dim3A_24 : memref<13696xi32, #tpu.memory_space<vmem>>[vector<16xi32>], vector<16xi32>,
    tpu.vector_store_idx %arg11[%add3A_43], %broadcast_in_dim3A_26 : memref<13696xi32, #tpu.memory_space<vmem>>[vector<16xi32>], vector<16xi32>,
    %add3A_44 = arith.addi %broadcast_in_dim3A_27, %iota3A : vector<16xi32>
    %broadcast_in_dim3A_45 = arith.constant 64 : i32
    %broadcast_in_dim3A_46 = vector.broadcast %broadcast_in_dim3A_45 : i32 to vector<16xi32>
    %add3A_47 = arith.addi %add3A_44, %broadcast_in_dim3A_46 : vector<16xi32>
    tpu.vector_store_idx %arg12[%add3A_47], %broadcast_in_dim3A_24 : memref<13696xi32, #tpu.memory_space<vmem>>[vector<16xi32>], vector<16xi32>,
    tpu.vector_store_idx %arg11[%add3A_47], %broadcast_in_dim3A_26 : memref<13696xi32, #tpu.memory_space<vmem>>[vector<16xi32>], vector<16xi32>,
    %add3A_48 = arith.addi %broadcast_in_dim3A_27, %iota3A : vector<16xi32>
    %broadcast_in_dim3A_49 = arith.constant 80 : i32
    %broadcast_in_dim3A_50 = vector.broadcast %broadcast_in_dim3A_49 : i32 to vector<16xi32>
    %add3A_51 = arith.addi %add3A_48, %broadcast_in_dim3A_50 : vector<16xi32>
    tpu.vector_store_idx %arg12[%add3A_51], %broadcast_in_dim3A_24 : memref<13696xi32, #tpu.memory_space<vmem>>[vector<16xi32>], vector<16xi32>,
    tpu.vector_store_idx %arg11[%add3A_51], %broadcast_in_dim3A_26 : memref<13696xi32, #tpu.memory_space<vmem>>[vector<16xi32>], vector<16xi32>,
    %add3A_52 = arith.addi %broadcast_in_dim3A_27, %iota3A : vector<16xi32>
    %broadcast_in_dim3A_53 = arith.constant 96 : i32
    %broadcast_in_dim3A_54 = vector.broadcast %broadcast_in_dim3A_53 : i32 to vector<16xi32>
    %add3A_55 = arith.addi %add3A_52, %broadcast_in_dim3A_54 : vector<16xi32>
    tpu.vector_store_idx %arg12[%add3A_55], %broadcast_in_dim3A_24 : memref<13696xi32, #tpu.memory_space<vmem>>[vector<16xi32>], vector<16xi32>,
    tpu.vector_store_idx %arg11[%add3A_55], %broadcast_in_dim3A_26 : memref<13696xi32, #tpu.memory_space<vmem>>[vector<16xi32>], vector<16xi32>,
    %add3A_56 = arith.addi %broadcast_in_dim3A_27, %iota3A : vector<16xi32>
    %broadcast_in_dim3A_57 = arith.constant 112 : i32
    %broadcast_in_dim3A_58 = vector.broadcast %broadcast_in_dim3A_57 : i32 to vector<16xi32>
    %add3A_59 = arith.addi %add3A_56, %broadcast_in_dim3A_58 : vector<16xi32>
    tpu.vector_store_idx %arg12[%add3A_59], %broadcast_in_dim3A_24 : memref<13696xi32, #tpu.memory_space<vmem>>[vector<16xi32>], vector<16xi32>,
    tpu.vector_store_idx %arg11[%add3A_59], %broadcast_in_dim3A_26 : memref<13696xi32, #tpu.memory_space<vmem>>[vector<16xi32>], vector<16xi32>,
    %add3A_60 = arith.constant 64 : i32
    %add3A_61 = arith.addi %min3A_23, %add3A_60 : i32
    %sub3A = arith.constant 1 : i32
    %sub3A_62 = arith.subi %add3A_61, %sub3A : i32
    %jit3A_63 = arith.constant 64 : i32
    %div3A = arith.divsi %sub3A_62, %jit3A_63 : i32
    %sign3A = arith.constant 0 : i32
    %sign3A_64 = arith.cmpi sgt, %sub3A_62, %sign3A : i32
    %sign3A_65 = arith.extui %sign3A_64 : i1 to i32
    %sign3A_66 = arith.constant 0 : i32
    %sign3A_67 = arith.cmpi slt, %sub3A_62, %sign3A_66 : i32
    %sign3A_68 = arith.extui %sign3A_67 : i1 to i32
    %sign3A_69 = arith.subi %sign3A_65, %sign3A_68 : i32
    %sign3A_70 = arith.constant 0 : i32
    %sign3A_71 = arith.cmpi sgt, %jit3A_63, %sign3A_70 : i32
    %sign3A_72 = arith.extui %sign3A_71 : i1 to i32
    %sign3A_73 = arith.constant 0 : i32
    %sign3A_74 = arith.cmpi slt, %jit3A_63, %sign3A_73 : i32
    %sign3A_75 = arith.extui %sign3A_74 : i1 to i32
    %sign3A_76 = arith.subi %sign3A_72, %sign3A_75 : i32
    %ne3A = arith.cmpi ne, %sign3A_69, %sign3A_76 : i32
    %rem3A = arith.remsi %sub3A_62, %jit3A_63 : i32
    %ne3A_77 = arith.constant 0 : i32
    %ne3A_78 = arith.cmpi ne, %rem3A, %ne3A_77 : i32
    %and3A = arith.andi %ne3A, %ne3A_78 : i1
    %sub3A_79 = arith.constant 1 : i32
    %sub3A_80 = arith.subi %div3A, %sub3A_79 : i32
    %select_n3A_81 = arith.select %and3A, %sub3A_80, %div3A : i32
    %max3A = arith.constant 1 : i32
    %max3A_82 = arith.maxsi %select_n3A_81, %max3A : i32
    %multiple_of3A = arith.constant 0 : i32
    %multiple_of3A_83 = tpu.assume_multiple %multiple_of3A, 32 : i32
    %dma_start3A = tpu.memref_slice %arg12[%multiple_of3A_83] : memref<13696xi32, #tpu.memory_space<vmem>> -> memref<32xi32, #tpu.memory_space<vmem>>
    %dma_start3A_84 = arith.constant 0 : i32
    %dma_start3A_85 = arith.constant 0 : i32
    %dma_start3A_86 = tpu.memref_slice %arg2[%dma_start3A_84, %dma_start3A_85] : memref<10000x128xf32, #tpu.memory_space<hbm>> -> memref<10000x128xf32, #tpu.memory_space<hbm>>
    tpu.enqueue_indirect_dma source(%dma_start3A_86 : memref<10000x128xf32, #tpu.memory_space<hbm>>) target(%arg15 : memref<32x128xf32, #tpu.memory_space<vmem>>) offsets(%dma_start3A : memref<32xi32, #tpu.memory_space<vmem>>) semaphore(%arg19 : memref<!tpu.dma_semaphore, #tpu.memory_space<semaphore_mem>>)
    %dma_start3A_87 = tpu.memref_slice %arg11[%multiple_of3A_83] : memref<13696xi32, #tpu.memory_space<vmem>> -> memref<32xi32, #tpu.memory_space<vmem>>
    %dma_start3A_88 = arith.constant 0 : i32
    %dma_start3A_89 = arith.constant 0 : i32
    %dma_start3A_90 = tpu.memref_slice %arg3[%dma_start3A_88, %dma_start3A_89] : memref<10000x128xf32, #tpu.memory_space<hbm>> -> memref<10000x128xf32, #tpu.memory_space<hbm>>
    tpu.enqueue_indirect_dma source(%dma_start3A_90 : memref<10000x128xf32, #tpu.memory_space<hbm>>) target(%arg16 : memref<32x128xf32, #tpu.memory_space<vmem>>) offsets(%dma_start3A_87 : memref<32xi32, #tpu.memory_space<vmem>>) semaphore(%arg20 : memref<!tpu.dma_semaphore, #tpu.memory_space<semaphore_mem>>)
    %while3A = arith.constant 0 : i32
    %while3A_91 = arith.constant 0 : i32
    %while3A_92 = arith.subi %max3A_82, %while3A_91 : i32
    %while3A_93 = arith.addi %while3A_91, %while3A_92 : i32
    %while3A_94 = arith.constant 1 : i32
    %while3A_95 = arith.divsi %while3A_92, %while3A_94 : i32
    %while3A_96 = arith.muli %while3A_95, %while3A_94 : i32
    %while3A_97 = arith.addi %while3A_91, %while3A_96 : i32
    %while3A_98 = arith.constant 1 : i32
    scf.for %while3A_100 = %while3A_91 to %while3A_97 step %while3A_98  : i32 {
      %mul3A_101 = arith.constant 2 : i32
      %mul3A_102 = arith.muli %mul3A_101, %while3A_100 : i32
      %dma_wait3A = arith.constant 0 : i32
      %dma_wait3A_103 = arith.constant 0 : i32
      %dma_wait3A_104 = tpu.memref_slice %arg2[%dma_wait3A, %dma_wait3A_103] : memref<10000x128xf32, #tpu.memory_space<hbm>> -> memref<32x128xf32, #tpu.memory_space<hbm>>
      %dma_wait3A_105 = arith.constant 0 : i32
      %dma_wait3A_106 = arith.constant 0 : i32
      %dma_wait3A_107 = tpu.memref_slice %arg2[%dma_wait3A_105, %dma_wait3A_106] : memref<10000x128xf32, #tpu.memory_space<hbm>> -> memref<32x128xf32, #tpu.memory_space<hbm>>
      tpu.wait_dma2 semaphore(%arg19 : memref<!tpu.dma_semaphore, #tpu.memory_space<semaphore_mem>>) src(%dma_wait3A_107 : memref<32x128xf32, #tpu.memory_space<hbm>>) dst(%arg15 : memref<32x128xf32, #tpu.memory_space<vmem>>)
      %dma_wait3A_108 = arith.constant 0 : i32
      %dma_wait3A_109 = arith.constant 0 : i32
      %dma_wait3A_110 = tpu.memref_slice %arg3[%dma_wait3A_108, %dma_wait3A_109] : memref<10000x128xf32, #tpu.memory_space<hbm>> -> memref<32x128xf32, #tpu.memory_space<hbm>>
      %dma_wait3A_111 = arith.constant 0 : i32
      %dma_wait3A_112 = arith.constant 0 : i32
      %dma_wait3A_113 = tpu.memref_slice %arg3[%dma_wait3A_111, %dma_wait3A_112] : memref<10000x128xf32, #tpu.memory_space<hbm>> -> memref<32x128xf32, #tpu.memory_space<hbm>>
      tpu.wait_dma2 semaphore(%arg20 : memref<!tpu.dma_semaphore, #tpu.memory_space<semaphore_mem>>) src(%dma_wait3A_113 : memref<32x128xf32, #tpu.memory_space<hbm>>) dst(%arg16 : memref<32x128xf32, #tpu.memory_space<vmem>>)
      %add3A_114 = arith.constant 1 : i32
      %add3A_115 = arith.addi %mul3A_102, %add3A_114 : i32
      %mul3A_116 = arith.constant 32 : i32
      %mul3A_117 = arith.muli %add3A_115, %mul3A_116 : i32
      %multiple_of3A_118 = tpu.assume_multiple %mul3A_117, 32 : i32
      %dma_start3A_119 = tpu.memref_slice %arg12[%multiple_of3A_118] : memref<13696xi32, #tpu.memory_space<vmem>> -> memref<32xi32, #tpu.memory_space<vmem>>
      %dma_start3A_120 = arith.constant 0 : i32
      %dma_start3A_121 = arith.constant 0 : i32
      %dma_start3A_122 = tpu.memref_slice %arg2[%dma_start3A_120, %dma_start3A_121] : memref<10000x128xf32, #tpu.memory_space<hbm>> -> memref<10000x128xf32, #tpu.memory_space<hbm>>
      tpu.enqueue_indirect_dma source(%dma_start3A_122 : memref<10000x128xf32, #tpu.memory_space<hbm>>) target(%arg17 : memref<32x128xf32, #tpu.memory_space<vmem>>) offsets(%dma_start3A_119 : memref<32xi32, #tpu.memory_space<vmem>>) semaphore(%arg21 : memref<!tpu.dma_semaphore, #tpu.memory_space<semaphore_mem>>)
      %dma_start3A_123 = tpu.memref_slice %arg11[%multiple_of3A_118] : memref<13696xi32, #tpu.memory_space<vmem>> -> memref<32xi32, #tpu.memory_space<vmem>>
      %dma_start3A_124 = arith.constant 0 : i32
      %dma_start3A_125 = arith.constant 0 : i32
      %dma_start3A_126 = tpu.memref_slice %arg3[%dma_start3A_124, %dma_start3A_125] : memref<10000x128xf32, #tpu.memory_space<hbm>> -> memref<10000x128xf32, #tpu.memory_space<hbm>>
      tpu.enqueue_indirect_dma source(%dma_start3A_126 : memref<10000x128xf32, #tpu.memory_space<hbm>>) target(%arg18 : memref<32x128xf32, #tpu.memory_space<vmem>>) offsets(%dma_start3A_123 : memref<32xi32, #tpu.memory_space<vmem>>) semaphore(%arg22 : memref<!tpu.dma_semaphore, #tpu.memory_space<semaphore_mem>>)
      %mul3A_127 = arith.constant 32 : i32
      %mul3A_128 = arith.muli %mul3A_102, %mul3A_127 : i32
      %multiple_of3A_129 = tpu.assume_multiple %mul3A_128, 32 : i32
      %scan3A_130 = arith.constant 0 : i32
      %scan3A_131 = arith.constant 0 : i32
      %scan3A_132 = arith.constant 32 : i32
      %scan3A_133 = arith.addi %scan3A_131, %scan3A_132 : i32
      %scan3A_134 = arith.constant 1 : i32
      scf.for %scan3A_162 = %scan3A_131 to %scan3A_133 step %scan3A_134  : i32 {
        %add3A_163 = arith.addi %multiple_of3A_129, %scan3A_162 : i32
        %broadcast_in_dim3A_164 = vector.broadcast %add3A_163 : i32 to vector<16xi32>
        %gather3A = tpu.vector_load_idx %arg12[%broadcast_in_dim3A_164] : memref<13696xi32, #tpu.memory_space<vmem>>[vector<16xi32>], vector<16xi32>,
        %slice3A = vector.extract_strided_slice %gather3A {offsets = [0], sizes = [1], strides = [1]} : vector<16xi32> to vector<1xi32>
        %squeeze3A = vector.extract %slice3A[0] : i32 from vector<1xi32>
        %sub3A_165 = arith.subi %squeeze3A, %mul3A_2 : i32
        %get3A = arith.index_cast %scan3A_162 : i32 to index
        %get3A_166 = arith.constant 0 : index
        %get3A_167 = tpu.vector_load %arg15[%get3A, %get3A_166] {strides = array<i32>} : memref<32x128xf32, #tpu.memory_space<vmem>>, vector<16xf32>,
        %get3A_168 = arith.index_cast %scan3A_162 : i32 to index
        %get3A_169 = arith.constant 0 : index
        %get3A_170 = tpu.vector_load %arg16[%get3A_168, %get3A_169] {strides = array<i32>} : memref<32x128xf32, #tpu.memory_space<vmem>>, vector<16xf32>,
        %add3A_171 = arith.addf %get3A_167, %get3A_170 : vector<16xf32>
        %mul3A_172 = arith.constant 2.000000e-01 : f32
        %mul3A_173 = vector.broadcast %mul3A_172 : f32 to vector<16xf32>
        %mul3A_174 = arith.mulf %add3A_171, %mul3A_173 : vector<16xf32>
        %max3A_175 = arith.maximumf %add3A_171, %mul3A_174 : vector<16xf32>
        %get3A_176 = arith.constant 0 : i32
        %get3A_177 = arith.index_cast %get3A_176 : i32 to index
        %get3A_178 = arith.constant 0 : index
        %get3A_179 = tpu.vector_load %arg10[%get3A_177, %get3A_178] {strides = array<i32>} : memref<8x16xf32, #tpu.memory_space<vmem>>, vector<16xf32>,
        %mul3A_180 = arith.mulf %get3A_179, %max3A_175 : vector<16xf32>
        %add3A_181 = arith.addf %broadcast_in_dim3A_5, %mul3A_180 : vector<16xf32>
        %get3A_182 = arith.index_cast %scan3A_162 : i32 to index
        %get3A_183 = arith.constant 16 : index
        %get3A_184 = tpu.vector_load %arg15[%get3A_182, %get3A_183] {strides = array<i32>} : memref<32x128xf32, #tpu.memory_space<vmem>>, vector<16xf32>,
        %get3A_185 = arith.index_cast %scan3A_162 : i32 to index
        %get3A_186 = arith.constant 16 : index
        %get3A_187 = tpu.vector_load %arg16[%get3A_185, %get3A_186] {strides = array<i32>} : memref<32x128xf32, #tpu.memory_space<vmem>>, vector<16xf32>,
        %add3A_188 = arith.addf %get3A_184, %get3A_187 : vector<16xf32>
        %mul3A_189 = arith.constant 2.000000e-01 : f32
        %mul3A_190 = vector.broadcast %mul3A_189 : f32 to vector<16xf32>
        %mul3A_191 = arith.mulf %add3A_188, %mul3A_190 : vector<16xf32>
        %max3A_192 = arith.maximumf %add3A_188, %mul3A_191 : vector<16xf32>
        %get3A_193 = arith.constant 1 : i32
        %get3A_194 = arith.index_cast %get3A_193 : i32 to index
        %get3A_195 = arith.constant 0 : index
        %get3A_196 = tpu.vector_load %arg10[%get3A_194, %get3A_195] {strides = array<i32>} : memref<8x16xf32, #tpu.memory_space<vmem>>, vector<16xf32>,
        %mul3A_197 = arith.mulf %get3A_196, %max3A_192 : vector<16xf32>
        %add3A_198 = arith.addf %add3A_181, %mul3A_197 : vector<16xf32>
        %get3A_199 = arith.index_cast %scan3A_162 : i32 to index
        %get3A_200 = arith.constant 32 : index
        %get3A_201 = tpu.vector_load %arg15[%get3A_199, %get3A_200] {strides = array<i32>} : memref<32x128xf32, #tpu.memory_space<vmem>>, vector<16xf32>,
        %get3A_202 = arith.index_cast %scan3A_162 : i32 to index
        %get3A_203 = arith.constant 32 : index
        %get3A_204 = tpu.vector_load %arg16[%get3A_202, %get3A_203] {strides = array<i32>} : memref<32x128xf32, #tpu.memory_space<vmem>>, vector<16xf32>,
        %add3A_205 = arith.addf %get3A_201, %get3A_204 : vector<16xf32>
        %mul3A_206 = arith.constant 2.000000e-01 : f32
        %mul3A_207 = vector.broadcast %mul3A_206 : f32 to vector<16xf32>
        %mul3A_208 = arith.mulf %add3A_205, %mul3A_207 : vector<16xf32>
        %max3A_209 = arith.maximumf %add3A_205, %mul3A_208 : vector<16xf32>
        %get3A_210 = arith.constant 2 : i32
        %get3A_211 = arith.index_cast %get3A_210 : i32 to index
        %get3A_212 = arith.constant 0 : index
        %get3A_213 = tpu.vector_load %arg10[%get3A_211, %get3A_212] {strides = array<i32>} : memref<8x16xf32, #tpu.memory_space<vmem>>, vector<16xf32>,
        %mul3A_214 = arith.mulf %get3A_213, %max3A_209 : vector<16xf32>
        %add3A_215 = arith.addf %add3A_198, %mul3A_214 : vector<16xf32>
        %get3A_216 = arith.index_cast %scan3A_162 : i32 to index
        %get3A_217 = arith.constant 48 : index
        %get3A_218 = tpu.vector_load %arg15[%get3A_216, %get3A_217] {strides = array<i32>} : memref<32x128xf32, #tpu.memory_space<vmem>>, vector<16xf32>,
        %get3A_219 = arith.index_cast %scan3A_162 : i32 to index
        %get3A_220 = arith.constant 48 : index
        %get3A_221 = tpu.vector_load %arg16[%get3A_219, %get3A_220] {strides = array<i32>} : memref<32x128xf32, #tpu.memory_space<vmem>>, vector<16xf32>,
        %add3A_222 = arith.addf %get3A_218, %get3A_221 : vector<16xf32>
        %mul3A_223 = arith.constant 2.000000e-01 : f32
        %mul3A_224 = vector.broadcast %mul3A_223 : f32 to vector<16xf32>
        %mul3A_225 = arith.mulf %add3A_222, %mul3A_224 : vector<16xf32>
        %max3A_226 = arith.maximumf %add3A_222, %mul3A_225 : vector<16xf32>
        %get3A_227 = arith.constant 3 : i32
        %get3A_228 = arith.index_cast %get3A_227 : i32 to index
        %get3A_229 = arith.constant 0 : index
        %get3A_230 = tpu.vector_load %arg10[%get3A_228, %get3A_229] {strides = array<i32>} : memref<8x16xf32, #tpu.memory_space<vmem>>, vector<16xf32>,
        %mul3A_231 = arith.mulf %get3A_230, %max3A_226 : vector<16xf32>
        %add3A_232 = arith.addf %add3A_215, %mul3A_231 : vector<16xf32>
        %get3A_233 = arith.index_cast %scan3A_162 : i32 to index
        %get3A_234 = arith.constant 64 : index
        %get3A_235 = tpu.vector_load %arg15[%get3A_233, %get3A_234] {strides = array<i32>} : memref<32x128xf32, #tpu.memory_space<vmem>>, vector<16xf32>,
        %get3A_236 = arith.index_cast %scan3A_162 : i32 to index
        %get3A_237 = arith.constant 64 : index
        %get3A_238 = tpu.vector_load %arg16[%get3A_236, %get3A_237] {strides = array<i32>} : memref<32x128xf32, #tpu.memory_space<vmem>>, vector<16xf32>,
        %add3A_239 = arith.addf %get3A_235, %get3A_238 : vector<16xf32>
        %mul3A_240 = arith.constant 2.000000e-01 : f32
        %mul3A_241 = vector.broadcast %mul3A_240 : f32 to vector<16xf32>
        %mul3A_242 = arith.mulf %add3A_239, %mul3A_241 : vector<16xf32>
        %max3A_243 = arith.maximumf %add3A_239, %mul3A_242 : vector<16xf32>
        %get3A_244 = arith.constant 4 : i32
        %get3A_245 = arith.index_cast %get3A_244 : i32 to index
        %get3A_246 = arith.constant 0 : index
        %get3A_247 = tpu.vector_load %arg10[%get3A_245, %get3A_246] {strides = array<i32>} : memref<8x16xf32, #tpu.memory_space<vmem>>, vector<16xf32>,
        %mul3A_248 = arith.mulf %get3A_247, %max3A_243 : vector<16xf32>
        %add3A_249 = arith.addf %add3A_232, %mul3A_248 : vector<16xf32>
        %get3A_250 = arith.index_cast %scan3A_162 : i32 to index
        %get3A_251 = arith.constant 80 : index
        %get3A_252 = tpu.vector_load %arg15[%get3A_250, %get3A_251] {strides = array<i32>} : memref<32x128xf32, #tpu.memory_space<vmem>>, vector<16xf32>,
        %get3A_253 = arith.index_cast %scan3A_162 : i32 to index
        %get3A_254 = arith.constant 80 : index
        %get3A_255 = tpu.vector_load %arg16[%get3A_253, %get3A_254] {strides = array<i32>} : memref<32x128xf32, #tpu.memory_space<vmem>>, vector<16xf32>,
        %add3A_256 = arith.addf %get3A_252, %get3A_255 : vector<16xf32>
        %mul3A_257 = arith.constant 2.000000e-01 : f32
        %mul3A_258 = vector.broadcast %mul3A_257 : f32 to vector<16xf32>
        %mul3A_259 = arith.mulf %add3A_256, %mul3A_258 : vector<16xf32>
        %max3A_260 = arith.maximumf %add3A_256, %mul3A_259 : vector<16xf32>
        %get3A_261 = arith.constant 5 : i32
        %get3A_262 = arith.index_cast %get3A_261 : i32 to index
        %get3A_263 = arith.constant 0 : index
        %get3A_264 = tpu.vector_load %arg10[%get3A_262, %get3A_263] {strides = array<i32>} : memref<8x16xf32, #tpu.memory_space<vmem>>, vector<16xf32>,
        %mul3A_265 = arith.mulf %get3A_264, %max3A_260 : vector<16xf32>
        %add3A_266 = arith.addf %add3A_249, %mul3A_265 : vector<16xf32>
        %get3A_267 = arith.index_cast %scan3A_162 : i32 to index
        %get3A_268 = arith.constant 96 : index
        %get3A_269 = tpu.vector_load %arg15[%get3A_267, %get3A_268] {strides = array<i32>} : memref<32x128xf32, #tpu.memory_space<vmem>>, vector<16xf32>,
        %get3A_270 = arith.index_cast %scan3A_162 : i32 to index
        %get3A_271 = arith.constant 96 : index
        %get3A_272 = tpu.vector_load %arg16[%get3A_270, %get3A_271] {strides = array<i32>} : memref<32x128xf32, #tpu.memory_space<vmem>>, vector<16xf32>,
        %add3A_273 = arith.addf %get3A_269, %get3A_272 : vector<16xf32>
        %mul3A_274 = arith.constant 2.000000e-01 : f32
        %mul3A_275 = vector.broadcast %mul3A_274 : f32 to vector<16xf32>
        %mul3A_276 = arith.mulf %add3A_273, %mul3A_275 : vector<16xf32>
        %max3A_277 = arith.maximumf %add3A_273, %mul3A_276 : vector<16xf32>
        %get3A_278 = arith.constant 6 : i32
        %get3A_279 = arith.index_cast %get3A_278 : i32 to index
        %get3A_280 = arith.constant 0 : index
        %get3A_281 = tpu.vector_load %arg10[%get3A_279, %get3A_280] {strides = array<i32>} : memref<8x16xf32, #tpu.memory_space<vmem>>, vector<16xf32>,
        %mul3A_282 = arith.mulf %get3A_281, %max3A_277 : vector<16xf32>
        %add3A_283 = arith.addf %add3A_266, %mul3A_282 : vector<16xf32>
        %get3A_284 = arith.index_cast %scan3A_162 : i32 to index
        %get3A_285 = arith.constant 112 : index
        %get3A_286 = tpu.vector_load %arg15[%get3A_284, %get3A_285] {strides = array<i32>} : memref<32x128xf32, #tpu.memory_space<vmem>>, vector<16xf32>,
        %get3A_287 = arith.index_cast %scan3A_162 : i32 to index
        %get3A_288 = arith.constant 112 : index
        %get3A_289 = tpu.vector_load %arg16[%get3A_287, %get3A_288] {strides = array<i32>} : memref<32x128xf32, #tpu.memory_space<vmem>>, vector<16xf32>,
        %add3A_290 = arith.addf %get3A_286, %get3A_289 : vector<16xf32>
        %mul3A_291 = arith.constant 2.000000e-01 : f32
        %mul3A_292 = vector.broadcast %mul3A_291 : f32 to vector<16xf32>
        %mul3A_293 = arith.mulf %add3A_290, %mul3A_292 : vector<16xf32>
        %max3A_294 = arith.maximumf %add3A_290, %mul3A_293 : vector<16xf32>
        %get3A_295 = arith.constant 7 : i32
        %get3A_296 = arith.index_cast %get3A_295 : i32 to index
        %get3A_297 = arith.constant 0 : index
        %get3A_298 = tpu.vector_load %arg10[%get3A_296, %get3A_297] {strides = array<i32>} : memref<8x16xf32, #tpu.memory_space<vmem>>, vector<16xf32>,
        %mul3A_299 = arith.mulf %get3A_298, %max3A_294 : vector<16xf32>
        %add3A_300 = arith.addf %add3A_283, %mul3A_299 : vector<16xf32>
        %reduce_sum3A = arith.constant true
        %reduce_sum3A_301 = vector.broadcast %reduce_sum3A : i1 to vector<16xi1>
        %reduce_sum3A_302 = tpu.scan <sum>, %add3A_300 masked %reduce_sum3A_301 : vector<16xf32>, vector<16xi1> -> vector<16xf32>
        %reduce_sum3A_303 = vector.extract %reduce_sum3A_302[15] : f32 from vector<16xf32>
        %broadcast_in_dim3A_304 = vector.broadcast %reduce_sum3A_303 : f32 to vector<16xf32>
        %exp3A = math.exp %broadcast_in_dim3A_304 : vector<16xf32>
        %get3A_305 = arith.index_cast %sub3A_165 : i32 to index
        %get3A_306 = arith.constant 0 : index
        %get3A_307 = tpu.vector_load %arg23[%get3A_305, %get3A_306] {strides = array<i32>} : memref<328x144xf32, #tpu.memory_space<vmem>>, vector<16xf32>,
        %get3A_308 = arith.index_cast %scan3A_162 : i32 to index
        %get3A_309 = arith.constant 0 : index
        %get3A_310 = tpu.vector_load %arg16[%get3A_308, %get3A_309] {strides = array<i32>} : memref<32x128xf32, #tpu.memory_space<vmem>>, vector<16xf32>,
        %mul3A_311 = arith.mulf %get3A_310, %exp3A : vector<16xf32>
        %add3A_312 = arith.addf %get3A_307, %mul3A_311 : vector<16xf32>
        %swap3A = arith.index_cast %sub3A_165 : i32 to index
        %swap3A_313 = arith.constant 0 : index
        %swap3A_314 = tpu.vector_load %arg23[%swap3A, %swap3A_313] {strides = array<i32>} : memref<328x144xf32, #tpu.memory_space<vmem>>, vector<16xf32>,
        tpu.vector_store %arg23[%swap3A, %swap3A_313], %add3A_312 {strides = array<i32>} : memref<328x144xf32, #tpu.memory_space<vmem>>, vector<16xf32>,
        %get3A_315 = arith.index_cast %sub3A_165 : i32 to index
        %get3A_316 = arith.constant 16 : index
        %get3A_317 = tpu.vector_load %arg23[%get3A_315, %get3A_316] {strides = array<i32>} : memref<328x144xf32, #tpu.memory_space<vmem>>, vector<16xf32>,
        %get3A_318 = arith.index_cast %scan3A_162 : i32 to index
        %get3A_319 = arith.constant 16 : index
        %get3A_320 = tpu.vector_load %arg16[%get3A_318, %get3A_319] {strides = array<i32>} : memref<32x128xf32, #tpu.memory_space<vmem>>, vector<16xf32>,
        %mul3A_321 = arith.mulf %get3A_320, %exp3A : vector<16xf32>
        %add3A_322 = arith.addf %get3A_317, %mul3A_321 : vector<16xf32>
        %swap3A_323 = arith.index_cast %sub3A_165 : i32 to index
        %swap3A_324 = arith.constant 16 : index
        %swap3A_325 = tpu.vector_load %arg23[%swap3A_323, %swap3A_324] {strides = array<i32>} : memref<328x144xf32, #tpu.memory_space<vmem>>, vector<16xf32>,
        tpu.vector_store %arg23[%swap3A_323, %swap3A_324], %add3A_322 {strides = array<i32>} : memref<328x144xf32, #tpu.memory_space<vmem>>, vector<16xf32>,
        %get3A_326 = arith.index_cast %sub3A_165 : i32 to index
        %get3A_327 = arith.constant 32 : index
        %get3A_328 = tpu.vector_load %arg23[%get3A_326, %get3A_327] {strides = array<i32>} : memref<328x144xf32, #tpu.memory_space<vmem>>, vector<16xf32>,
        %get3A_329 = arith.index_cast %scan3A_162 : i32 to index
        %get3A_330 = arith.constant 32 : index
        %get3A_331 = tpu.vector_load %arg16[%get3A_329, %get3A_330] {strides = array<i32>} : memref<32x128xf32, #tpu.memory_space<vmem>>, vector<16xf32>,
        %mul3A_332 = arith.mulf %get3A_331, %exp3A : vector<16xf32>
        %add3A_333 = arith.addf %get3A_328, %mul3A_332 : vector<16xf32>
        %swap3A_334 = arith.index_cast %sub3A_165 : i32 to index
        %swap3A_335 = arith.constant 32 : index
        %swap3A_336 = tpu.vector_load %arg23[%swap3A_334, %swap3A_335] {strides = array<i32>} : memref<328x144xf32, #tpu.memory_space<vmem>>, vector<16xf32>,
        tpu.vector_store %arg23[%swap3A_334, %swap3A_335], %add3A_333 {strides = array<i32>} : memref<328x144xf32, #tpu.memory_space<vmem>>, vector<16xf32>,
        %get3A_337 = arith.index_cast %sub3A_165 : i32 to index
        %get3A_338 = arith.constant 48 : index
        %get3A_339 = tpu.vector_load %arg23[%get3A_337, %get3A_338] {strides = array<i32>} : memref<328x144xf32, #tpu.memory_space<vmem>>, vector<16xf32>,
        %get3A_340 = arith.index_cast %scan3A_162 : i32 to index
        %get3A_341 = arith.constant 48 : index
        %get3A_342 = tpu.vector_load %arg16[%get3A_340, %get3A_341] {strides = array<i32>} : memref<32x128xf32, #tpu.memory_space<vmem>>, vector<16xf32>,
        %mul3A_343 = arith.mulf %get3A_342, %exp3A : vector<16xf32>
        %add3A_344 = arith.addf %get3A_339, %mul3A_343 : vector<16xf32>
        %swap3A_345 = arith.index_cast %sub3A_165 : i32 to index
        %swap3A_346 = arith.constant 48 : index
        %swap3A_347 = tpu.vector_load %arg23[%swap3A_345, %swap3A_346] {strides = array<i32>} : memref<328x144xf32, #tpu.memory_space<vmem>>, vector<16xf32>,
        tpu.vector_store %arg23[%swap3A_345, %swap3A_346], %add3A_344 {strides = array<i32>} : memref<328x144xf32, #tpu.memory_space<vmem>>, vector<16xf32>,
        %get3A_348 = arith.index_cast %sub3A_165 : i32 to index
        %get3A_349 = arith.constant 64 : index
        %get3A_350 = tpu.vector_load %arg23[%get3A_348, %get3A_349] {strides = array<i32>} : memref<328x144xf32, #tpu.memory_space<vmem>>, vector<16xf32>,
        %get3A_351 = arith.index_cast %scan3A_162 : i32 to index
        %get3A_352 = arith.constant 64 : index
        %get3A_353 = tpu.vector_load %arg16[%get3A_351, %get3A_352] {strides = array<i32>} : memref<32x128xf32, #tpu.memory_space<vmem>>, vector<16xf32>,
        %mul3A_354 = arith.mulf %get3A_353, %exp3A : vector<16xf32>
        %add3A_355 = arith.addf %get3A_350, %mul3A_354 : vector<16xf32>
        %swap3A_356 = arith.index_cast %sub3A_165 : i32 to index
        %swap3A_357 = arith.constant 64 : index
        %swap3A_358 = tpu.vector_load %arg23[%swap3A_356, %swap3A_357] {strides = array<i32>} : memref<328x144xf32, #tpu.memory_space<vmem>>, vector<16xf32>,
        tpu.vector_store %arg23[%swap3A_356, %swap3A_357], %add3A_355 {strides = array<i32>} : memref<328x144xf32, #tpu.memory_space<vmem>>, vector<16xf32>,
        %get3A_359 = arith.index_cast %sub3A_165 : i32 to index
        %get3A_360 = arith.constant 80 : index
        %get3A_361 = tpu.vector_load %arg23[%get3A_359, %get3A_360] {strides = array<i32>} : memref<328x144xf32, #tpu.memory_space<vmem>>, vector<16xf32>,
        %get3A_362 = arith.index_cast %scan3A_162 : i32 to index
        %get3A_363 = arith.constant 80 : index
        %get3A_364 = tpu.vector_load %arg16[%get3A_362, %get3A_363] {strides = array<i32>} : memref<32x128xf32, #tpu.memory_space<vmem>>, vector<16xf32>,
        %mul3A_365 = arith.mulf %get3A_364, %exp3A : vector<16xf32>
        %add3A_366 = arith.addf %get3A_361, %mul3A_365 : vector<16xf32>
        %swap3A_367 = arith.index_cast %sub3A_165 : i32 to index
        %swap3A_368 = arith.constant 80 : index
        %swap3A_369 = tpu.vector_load %arg23[%swap3A_367, %swap3A_368] {strides = array<i32>} : memref<328x144xf32, #tpu.memory_space<vmem>>, vector<16xf32>,
        tpu.vector_store %arg23[%swap3A_367, %swap3A_368], %add3A_366 {strides = array<i32>} : memref<328x144xf32, #tpu.memory_space<vmem>>, vector<16xf32>,
        %get3A_370 = arith.index_cast %sub3A_165 : i32 to index
        %get3A_371 = arith.constant 96 : index
        %get3A_372 = tpu.vector_load %arg23[%get3A_370, %get3A_371] {strides = array<i32>} : memref<328x144xf32, #tpu.memory_space<vmem>>, vector<16xf32>,
        %get3A_373 = arith.index_cast %scan3A_162 : i32 to index
        %get3A_374 = arith.constant 96 : index
        %get3A_375 = tpu.vector_load %arg16[%get3A_373, %get3A_374] {strides = array<i32>} : memref<32x128xf32, #tpu.memory_space<vmem>>, vector<16xf32>,
        %mul3A_376 = arith.mulf %get3A_375, %exp3A : vector<16xf32>
        %add3A_377 = arith.addf %get3A_372, %mul3A_376 : vector<16xf32>
        %swap3A_378 = arith.index_cast %sub3A_165 : i32 to index
        %swap3A_379 = arith.constant 96 : index
        %swap3A_380 = tpu.vector_load %arg23[%swap3A_378, %swap3A_379] {strides = array<i32>} : memref<328x144xf32, #tpu.memory_space<vmem>>, vector<16xf32>,
        tpu.vector_store %arg23[%swap3A_378, %swap3A_379], %add3A_377 {strides = array<i32>} : memref<328x144xf32, #tpu.memory_space<vmem>>, vector<16xf32>,
        %get3A_381 = arith.index_cast %sub3A_165 : i32 to index
        %get3A_382 = arith.constant 112 : index
        %get3A_383 = tpu.vector_load %arg23[%get3A_381, %get3A_382] {strides = array<i32>} : memref<328x144xf32, #tpu.memory_space<vmem>>, vector<16xf32>,
        %get3A_384 = arith.index_cast %scan3A_162 : i32 to index
        %get3A_385 = arith.constant 112 : index
        %get3A_386 = tpu.vector_load %arg16[%get3A_384, %get3A_385] {strides = array<i32>} : memref<32x128xf32, #tpu.memory_space<vmem>>, vector<16xf32>,
        %mul3A_387 = arith.mulf %get3A_386, %exp3A : vector<16xf32>
        %add3A_388 = arith.addf %get3A_383, %mul3A_387 : vector<16xf32>
        %swap3A_389 = arith.index_cast %sub3A_165 : i32 to index
        %swap3A_390 = arith.constant 112 : index
        %swap3A_391 = tpu.vector_load %arg23[%swap3A_389, %swap3A_390] {strides = array<i32>} : memref<328x144xf32, #tpu.memory_space<vmem>>, vector<16xf32>,
        tpu.vector_store %arg23[%swap3A_389, %swap3A_390], %add3A_388 {strides = array<i32>} : memref<328x144xf32, #tpu.memory_space<vmem>>, vector<16xf32>,
        %get3A_392 = arith.index_cast %sub3A_165 : i32 to index
        %get3A_393 = arith.constant 128 : index
        %get3A_394 = tpu.vector_load %arg23[%get3A_392, %get3A_393] {strides = array<i32>} : memref<328x144xf32, #tpu.memory_space<vmem>>, vector<16xf32>,
        %mul3A_395 = arith.mulf %exp3A, %select_n3A : vector<16xf32>
        %add3A_396 = arith.addf %get3A_394, %mul3A_395 : vector<16xf32>
        %swap3A_397 = arith.index_cast %sub3A_165 : i32 to index
        %swap3A_398 = arith.constant 128 : index
        %swap3A_399 = tpu.vector_load %arg23[%swap3A_397, %swap3A_398] {strides = array<i32>} : memref<328x144xf32, #tpu.memory_space<vmem>>, vector<16xf32>,
        tpu.vector_store %arg23[%swap3A_397, %swap3A_398], %add3A_396 {strides = array<i32>} : memref<328x144xf32, #tpu.memory_space<vmem>>, vector<16xf32>,
      }
      %scan3A_135 = arith.constant 32 : i32
      %dma_wait3A_136 = arith.constant 0 : i32
      %dma_wait3A_137 = arith.constant 0 : i32
      %dma_wait3A_138 = tpu.memref_slice %arg2[%dma_wait3A_136, %dma_wait3A_137] : memref<10000x128xf32, #tpu.memory_space<hbm>> -> memref<32x128xf32, #tpu.memory_space<hbm>>
      %dma_wait3A_139 = arith.constant 0 : i32
      %dma_wait3A_140 = arith.constant 0 : i32
      %dma_wait3A_141 = tpu.memref_slice %arg2[%dma_wait3A_139, %dma_wait3A_140] : memref<10000x128xf32, #tpu.memory_space<hbm>> -> memref<32x128xf32, #tpu.memory_space<hbm>>
      tpu.wait_dma2 semaphore(%arg21 : memref<!tpu.dma_semaphore, #tpu.memory_space<semaphore_mem>>) src(%dma_wait3A_141 : memref<32x128xf32, #tpu.memory_space<hbm>>) dst(%arg17 : memref<32x128xf32, #tpu.memory_space<vmem>>)
      %dma_wait3A_142 = arith.constant 0 : i32
      %dma_wait3A_143 = arith.constant 0 : i32
      %dma_wait3A_144 = tpu.memref_slice %arg3[%dma_wait3A_142, %dma_wait3A_143] : memref<10000x128xf32, #tpu.memory_space<hbm>> -> memref<32x128xf32, #tpu.memory_space<hbm>>
      %dma_wait3A_145 = arith.constant 0 : i32
      %dma_wait3A_146 = arith.constant 0 : i32
      %dma_wait3A_147 = tpu.memref_slice %arg3[%dma_wait3A_145, %dma_wait3A_146] : memref<10000x128xf32, #tpu.memory_space<hbm>> -> memref<32x128xf32, #tpu.memory_space<hbm>>
      tpu.wait_dma2 semaphore(%arg22 : memref<!tpu.dma_semaphore, #tpu.memory_space<semaphore_mem>>) src(%dma_wait3A_147 : memref<32x128xf32, #tpu.memory_space<hbm>>) dst(%arg18 : memref<32x128xf32, #tpu.memory_space<vmem>>)
      %add3A_148 = arith.constant 1 : i32
      %add3A_149 = arith.addi %while3A_100, %add3A_148 : i32
      %lt3A = arith.cmpi slt, %add3A_149, %max3A_82 : i32
      %convert_element_type3A = arith.extui %lt3A : i1 to i32
      %cond3A = arith.constant 0 : i32
      %cond3A_150 = arith.cmpi ne, %convert_element_type3A, %cond3A : i32
      scf.if %cond3A_150 {
        %add3A_162 = arith.constant 2 : i32
        %add3A_163 = arith.addi %mul3A_102, %add3A_162 : i32
        %mul3A_164 = arith.constant 32 : i32
        %mul3A_165 = arith.muli %add3A_163, %mul3A_164 : i32
        %multiple_of3A_166 = tpu.assume_multiple %mul3A_165, 32 : i32
        %dma_start3A_167 = tpu.memref_slice %arg12[%multiple_of3A_166] : memref<13696xi32, #tpu.memory_space<vmem>> -> memref<32xi32, #tpu.memory_space<vmem>>
        %dma_start3A_168 = arith.constant 0 : i32
        %dma_start3A_169 = arith.constant 0 : i32
        %dma_start3A_170 = tpu.memref_slice %arg2[%dma_start3A_168, %dma_start3A_169] : memref<10000x128xf32, #tpu.memory_space<hbm>> -> memref<10000x128xf32, #tpu.memory_space<hbm>>
        tpu.enqueue_indirect_dma source(%dma_start3A_170 : memref<10000x128xf32, #tpu.memory_space<hbm>>) target(%arg15 : memref<32x128xf32, #tpu.memory_space<vmem>>) offsets(%dma_start3A_167 : memref<32xi32, #tpu.memory_space<vmem>>) semaphore(%arg19 : memref<!tpu.dma_semaphore, #tpu.memory_space<semaphore_mem>>)
        %dma_start3A_171 = tpu.memref_slice %arg11[%multiple_of3A_166] : memref<13696xi32, #tpu.memory_space<vmem>> -> memref<32xi32, #tpu.memory_space<vmem>>
        %dma_start3A_172 = arith.constant 0 : i32
        %dma_start3A_173 = arith.constant 0 : i32
        %dma_start3A_174 = tpu.memref_slice %arg3[%dma_start3A_172, %dma_start3A_173] : memref<10000x128xf32, #tpu.memory_space<hbm>> -> memref<10000x128xf32, #tpu.memory_space<hbm>>
        tpu.enqueue_indirect_dma source(%dma_start3A_174 : memref<10000x128xf32, #tpu.memory_space<hbm>>) target(%arg16 : memref<32x128xf32, #tpu.memory_space<vmem>>) offsets(%dma_start3A_171 : memref<32xi32, #tpu.memory_space<vmem>>) semaphore(%arg20 : memref<!tpu.dma_semaphore, #tpu.memory_space<semaphore_mem>>)
      } else {
      }
      %add3A_151 = arith.constant 1 : i32
      %add3A_152 = arith.addi %mul3A_102, %add3A_151 : i32
      %mul3A_153 = arith.constant 32 : i32
      %mul3A_154 = arith.muli %add3A_152, %mul3A_153 : i32
      %multiple_of3A_155 = tpu.assume_multiple %mul3A_154, 32 : i32
      %scan3A_156 = arith.constant 0 : i32
      %scan3A_157 = arith.constant 0 : i32
      %scan3A_158 = arith.constant 32 : i32
      %scan3A_159 = arith.addi %scan3A_157, %scan3A_158 : i32
      %scan3A_160 = arith.constant 1 : i32
      scf.for %scan3A_162 = %scan3A_157 to %scan3A_159 step %scan3A_160  : i32 {
        %add3A_163 = arith.addi %multiple_of3A_155, %scan3A_162 : i32
        %broadcast_in_dim3A_164 = vector.broadcast %add3A_163 : i32 to vector<16xi32>
        %gather3A = tpu.vector_load_idx %arg12[%broadcast_in_dim3A_164] : memref<13696xi32, #tpu.memory_space<vmem>>[vector<16xi32>], vector<16xi32>,
        %slice3A = vector.extract_strided_slice %gather3A {offsets = [0], sizes = [1], strides = [1]} : vector<16xi32> to vector<1xi32>
        %squeeze3A = vector.extract %slice3A[0] : i32 from vector<1xi32>
        %sub3A_165 = arith.subi %squeeze3A, %mul3A_2 : i32
        %get3A = arith.index_cast %scan3A_162 : i32 to index
        %get3A_166 = arith.constant 0 : index
        %get3A_167 = tpu.vector_load %arg17[%get3A, %get3A_166] {strides = array<i32>} : memref<32x128xf32, #tpu.memory_space<vmem>>, vector<16xf32>,
        %get3A_168 = arith.index_cast %scan3A_162 : i32 to index
        %get3A_169 = arith.constant 0 : index
        %get3A_170 = tpu.vector_load %arg18[%get3A_168, %get3A_169] {strides = array<i32>} : memref<32x128xf32, #tpu.memory_space<vmem>>, vector<16xf32>,
        %add3A_171 = arith.addf %get3A_167, %get3A_170 : vector<16xf32>
        %mul3A_172 = arith.constant 2.000000e-01 : f32
        %mul3A_173 = vector.broadcast %mul3A_172 : f32 to vector<16xf32>
        %mul3A_174 = arith.mulf %add3A_171, %mul3A_173 : vector<16xf32>
        %max3A_175 = arith.maximumf %add3A_171, %mul3A_174 : vector<16xf32>
        %get3A_176 = arith.constant 0 : i32
        %get3A_177 = arith.index_cast %get3A_176 : i32 to index
        %get3A_178 = arith.constant 0 : index
        %get3A_179 = tpu.vector_load %arg10[%get3A_177, %get3A_178] {strides = array<i32>} : memref<8x16xf32, #tpu.memory_space<vmem>>, vector<16xf32>,
        %mul3A_180 = arith.mulf %get3A_179, %max3A_175 : vector<16xf32>
        %add3A_181 = arith.addf %broadcast_in_dim3A_5, %mul3A_180 : vector<16xf32>
        %get3A_182 = arith.index_cast %scan3A_162 : i32 to index
        %get3A_183 = arith.constant 16 : index
        %get3A_184 = tpu.vector_load %arg17[%get3A_182, %get3A_183] {strides = array<i32>} : memref<32x128xf32, #tpu.memory_space<vmem>>, vector<16xf32>,
        %get3A_185 = arith.index_cast %scan3A_162 : i32 to index
        %get3A_186 = arith.constant 16 : index
        %get3A_187 = tpu.vector_load %arg18[%get3A_185, %get3A_186] {strides = array<i32>} : memref<32x128xf32, #tpu.memory_space<vmem>>, vector<16xf32>,
        %add3A_188 = arith.addf %get3A_184, %get3A_187 : vector<16xf32>
        %mul3A_189 = arith.constant 2.000000e-01 : f32
        %mul3A_190 = vector.broadcast %mul3A_189 : f32 to vector<16xf32>
        %mul3A_191 = arith.mulf %add3A_188, %mul3A_190 : vector<16xf32>
        %max3A_192 = arith.maximumf %add3A_188, %mul3A_191 : vector<16xf32>
        %get3A_193 = arith.constant 1 : i32
        %get3A_194 = arith.index_cast %get3A_193 : i32 to index
        %get3A_195 = arith.constant 0 : index
        %get3A_196 = tpu.vector_load %arg10[%get3A_194, %get3A_195] {strides = array<i32>} : memref<8x16xf32, #tpu.memory_space<vmem>>, vector<16xf32>,
        %mul3A_197 = arith.mulf %get3A_196, %max3A_192 : vector<16xf32>
        %add3A_198 = arith.addf %add3A_181, %mul3A_197 : vector<16xf32>
        %get3A_199 = arith.index_cast %scan3A_162 : i32 to index
        %get3A_200 = arith.constant 32 : index
        %get3A_201 = tpu.vector_load %arg17[%get3A_199, %get3A_200] {strides = array<i32>} : memref<32x128xf32, #tpu.memory_space<vmem>>, vector<16xf32>,
        %get3A_202 = arith.index_cast %scan3A_162 : i32 to index
        %get3A_203 = arith.constant 32 : index
        %get3A_204 = tpu.vector_load %arg18[%get3A_202, %get3A_203] {strides = array<i32>} : memref<32x128xf32, #tpu.memory_space<vmem>>, vector<16xf32>,
        %add3A_205 = arith.addf %get3A_201, %get3A_204 : vector<16xf32>
        %mul3A_206 = arith.constant 2.000000e-01 : f32
        %mul3A_207 = vector.broadcast %mul3A_206 : f32 to vector<16xf32>
        %mul3A_208 = arith.mulf %add3A_205, %mul3A_207 : vector<16xf32>
        %max3A_209 = arith.maximumf %add3A_205, %mul3A_208 : vector<16xf32>
        %get3A_210 = arith.constant 2 : i32
        %get3A_211 = arith.index_cast %get3A_210 : i32 to index
        %get3A_212 = arith.constant 0 : index
        %get3A_213 = tpu.vector_load %arg10[%get3A_211, %get3A_212] {strides = array<i32>} : memref<8x16xf32, #tpu.memory_space<vmem>>, vector<16xf32>,
        %mul3A_214 = arith.mulf %get3A_213, %max3A_209 : vector<16xf32>
        %add3A_215 = arith.addf %add3A_198, %mul3A_214 : vector<16xf32>
        %get3A_216 = arith.index_cast %scan3A_162 : i32 to index
        %get3A_217 = arith.constant 48 : index
        %get3A_218 = tpu.vector_load %arg17[%get3A_216, %get3A_217] {strides = array<i32>} : memref<32x128xf32, #tpu.memory_space<vmem>>, vector<16xf32>,
        %get3A_219 = arith.index_cast %scan3A_162 : i32 to index
        %get3A_220 = arith.constant 48 : index
        %get3A_221 = tpu.vector_load %arg18[%get3A_219, %get3A_220] {strides = array<i32>} : memref<32x128xf32, #tpu.memory_space<vmem>>, vector<16xf32>,
        %add3A_222 = arith.addf %get3A_218, %get3A_221 : vector<16xf32>
        %mul3A_223 = arith.constant 2.000000e-01 : f32
        %mul3A_224 = vector.broadcast %mul3A_223 : f32 to vector<16xf32>
        %mul3A_225 = arith.mulf %add3A_222, %mul3A_224 : vector<16xf32>
        %max3A_226 = arith.maximumf %add3A_222, %mul3A_225 : vector<16xf32>
        %get3A_227 = arith.constant 3 : i32
        %get3A_228 = arith.index_cast %get3A_227 : i32 to index
        %get3A_229 = arith.constant 0 : index
        %get3A_230 = tpu.vector_load %arg10[%get3A_228, %get3A_229] {strides = array<i32>} : memref<8x16xf32, #tpu.memory_space<vmem>>, vector<16xf32>,
        %mul3A_231 = arith.mulf %get3A_230, %max3A_226 : vector<16xf32>
        %add3A_232 = arith.addf %add3A_215, %mul3A_231 : vector<16xf32>
        %get3A_233 = arith.index_cast %scan3A_162 : i32 to index
        %get3A_234 = arith.constant 64 : index
        %get3A_235 = tpu.vector_load %arg17[%get3A_233, %get3A_234] {strides = array<i32>} : memref<32x128xf32, #tpu.memory_space<vmem>>, vector<16xf32>,
        %get3A_236 = arith.index_cast %scan3A_162 : i32 to index
        %get3A_237 = arith.constant 64 : index
        %get3A_238 = tpu.vector_load %arg18[%get3A_236, %get3A_237] {strides = array<i32>} : memref<32x128xf32, #tpu.memory_space<vmem>>, vector<16xf32>,
        %add3A_239 = arith.addf %get3A_235, %get3A_238 : vector<16xf32>
        %mul3A_240 = arith.constant 2.000000e-01 : f32
        %mul3A_241 = vector.broadcast %mul3A_240 : f32 to vector<16xf32>
        %mul3A_242 = arith.mulf %add3A_239, %mul3A_241 : vector<16xf32>
        %max3A_243 = arith.maximumf %add3A_239, %mul3A_242 : vector<16xf32>
        %get3A_244 = arith.constant 4 : i32
        %get3A_245 = arith.index_cast %get3A_244 : i32 to index
        %get3A_246 = arith.constant 0 : index
        %get3A_247 = tpu.vector_load %arg10[%get3A_245, %get3A_246] {strides = array<i32>} : memref<8x16xf32, #tpu.memory_space<vmem>>, vector<16xf32>,
        %mul3A_248 = arith.mulf %get3A_247, %max3A_243 : vector<16xf32>
        %add3A_249 = arith.addf %add3A_232, %mul3A_248 : vector<16xf32>
        %get3A_250 = arith.index_cast %scan3A_162 : i32 to index
        %get3A_251 = arith.constant 80 : index
        %get3A_252 = tpu.vector_load %arg17[%get3A_250, %get3A_251] {strides = array<i32>} : memref<32x128xf32, #tpu.memory_space<vmem>>, vector<16xf32>,
        %get3A_253 = arith.index_cast %scan3A_162 : i32 to index
        %get3A_254 = arith.constant 80 : index
        %get3A_255 = tpu.vector_load %arg18[%get3A_253, %get3A_254] {strides = array<i32>} : memref<32x128xf32, #tpu.memory_space<vmem>>, vector<16xf32>,
        %add3A_256 = arith.addf %get3A_252, %get3A_255 : vector<16xf32>
        %mul3A_257 = arith.constant 2.000000e-01 : f32
        %mul3A_258 = vector.broadcast %mul3A_257 : f32 to vector<16xf32>
        %mul3A_259 = arith.mulf %add3A_256, %mul3A_258 : vector<16xf32>
        %max3A_260 = arith.maximumf %add3A_256, %mul3A_259 : vector<16xf32>
        %get3A_261 = arith.constant 5 : i32
        %get3A_262 = arith.index_cast %get3A_261 : i32 to index
        %get3A_263 = arith.constant 0 : index
        %get3A_264 = tpu.vector_load %arg10[%get3A_262, %get3A_263] {strides = array<i32>} : memref<8x16xf32, #tpu.memory_space<vmem>>, vector<16xf32>,
        %mul3A_265 = arith.mulf %get3A_264, %max3A_260 : vector<16xf32>
        %add3A_266 = arith.addf %add3A_249, %mul3A_265 : vector<16xf32>
        %get3A_267 = arith.index_cast %scan3A_162 : i32 to index
        %get3A_268 = arith.constant 96 : index
        %get3A_269 = tpu.vector_load %arg17[%get3A_267, %get3A_268] {strides = array<i32>} : memref<32x128xf32, #tpu.memory_space<vmem>>, vector<16xf32>,
        %get3A_270 = arith.index_cast %scan3A_162 : i32 to index
        %get3A_271 = arith.constant 96 : index
        %get3A_272 = tpu.vector_load %arg18[%get3A_270, %get3A_271] {strides = array<i32>} : memref<32x128xf32, #tpu.memory_space<vmem>>, vector<16xf32>,
        %add3A_273 = arith.addf %get3A_269, %get3A_272 : vector<16xf32>
        %mul3A_274 = arith.constant 2.000000e-01 : f32
        %mul3A_275 = vector.broadcast %mul3A_274 : f32 to vector<16xf32>
        %mul3A_276 = arith.mulf %add3A_273, %mul3A_275 : vector<16xf32>
        %max3A_277 = arith.maximumf %add3A_273, %mul3A_276 : vector<16xf32>
        %get3A_278 = arith.constant 6 : i32
        %get3A_279 = arith.index_cast %get3A_278 : i32 to index
        %get3A_280 = arith.constant 0 : index
        %get3A_281 = tpu.vector_load %arg10[%get3A_279, %get3A_280] {strides = array<i32>} : memref<8x16xf32, #tpu.memory_space<vmem>>, vector<16xf32>,
        %mul3A_282 = arith.mulf %get3A_281, %max3A_277 : vector<16xf32>
        %add3A_283 = arith.addf %add3A_266, %mul3A_282 : vector<16xf32>
        %get3A_284 = arith.index_cast %scan3A_162 : i32 to index
        %get3A_285 = arith.constant 112 : index
        %get3A_286 = tpu.vector_load %arg17[%get3A_284, %get3A_285] {strides = array<i32>} : memref<32x128xf32, #tpu.memory_space<vmem>>, vector<16xf32>,
        %get3A_287 = arith.index_cast %scan3A_162 : i32 to index
        %get3A_288 = arith.constant 112 : index
        %get3A_289 = tpu.vector_load %arg18[%get3A_287, %get3A_288] {strides = array<i32>} : memref<32x128xf32, #tpu.memory_space<vmem>>, vector<16xf32>,
        %add3A_290 = arith.addf %get3A_286, %get3A_289 : vector<16xf32>
        %mul3A_291 = arith.constant 2.000000e-01 : f32
        %mul3A_292 = vector.broadcast %mul3A_291 : f32 to vector<16xf32>
        %mul3A_293 = arith.mulf %add3A_290, %mul3A_292 : vector<16xf32>
        %max3A_294 = arith.maximumf %add3A_290, %mul3A_293 : vector<16xf32>
        %get3A_295 = arith.constant 7 : i32
        %get3A_296 = arith.index_cast %get3A_295 : i32 to index
        %get3A_297 = arith.constant 0 : index
        %get3A_298 = tpu.vector_load %arg10[%get3A_296, %get3A_297] {strides = array<i32>} : memref<8x16xf32, #tpu.memory_space<vmem>>, vector<16xf32>,
        %mul3A_299 = arith.mulf %get3A_298, %max3A_294 : vector<16xf32>
        %add3A_300 = arith.addf %add3A_283, %mul3A_299 : vector<16xf32>
        %reduce_sum3A = arith.constant true
        %reduce_sum3A_301 = vector.broadcast %reduce_sum3A : i1 to vector<16xi1>
        %reduce_sum3A_302 = tpu.scan <sum>, %add3A_300 masked %reduce_sum3A_301 : vector<16xf32>, vector<16xi1> -> vector<16xf32>
        %reduce_sum3A_303 = vector.extract %reduce_sum3A_302[15] : f32 from vector<16xf32>
        %broadcast_in_dim3A_304 = vector.broadcast %reduce_sum3A_303 : f32 to vector<16xf32>
        %exp3A = math.exp %broadcast_in_dim3A_304 : vector<16xf32>
        %get3A_305 = arith.index_cast %sub3A_165 : i32 to index
        %get3A_306 = arith.constant 0 : index
        %get3A_307 = tpu.vector_load %arg23[%get3A_305, %get3A_306] {strides = array<i32>} : memref<328x144xf32, #tpu.memory_space<vmem>>, vector<16xf32>,
        %get3A_308 = arith.index_cast %scan3A_162 : i32 to index
        %get3A_309 = arith.constant 0 : index
        %get3A_310 = tpu.vector_load %arg18[%get3A_308, %get3A_309] {strides = array<i32>} : memref<32x128xf32, #tpu.memory_space<vmem>>, vector<16xf32>,
        %mul3A_311 = arith.mulf %get3A_310, %exp3A : vector<16xf32>
        %add3A_312 = arith.addf %get3A_307, %mul3A_311 : vector<16xf32>
        %swap3A = arith.index_cast %sub3A_165 : i32 to index
        %swap3A_313 = arith.constant 0 : index
        %swap3A_314 = tpu.vector_load %arg23[%swap3A, %swap3A_313] {strides = array<i32>} : memref<328x144xf32, #tpu.memory_space<vmem>>, vector<16xf32>,
        tpu.vector_store %arg23[%swap3A, %swap3A_313], %add3A_312 {strides = array<i32>} : memref<328x144xf32, #tpu.memory_space<vmem>>, vector<16xf32>,
        %get3A_315 = arith.index_cast %sub3A_165 : i32 to index
        %get3A_316 = arith.constant 16 : index
        %get3A_317 = tpu.vector_load %arg23[%get3A_315, %get3A_316] {strides = array<i32>} : memref<328x144xf32, #tpu.memory_space<vmem>>, vector<16xf32>,
        %get3A_318 = arith.index_cast %scan3A_162 : i32 to index
        %get3A_319 = arith.constant 16 : index
        %get3A_320 = tpu.vector_load %arg18[%get3A_318, %get3A_319] {strides = array<i32>} : memref<32x128xf32, #tpu.memory_space<vmem>>, vector<16xf32>,
        %mul3A_321 = arith.mulf %get3A_320, %exp3A : vector<16xf32>
        %add3A_322 = arith.addf %get3A_317, %mul3A_321 : vector<16xf32>
        %swap3A_323 = arith.index_cast %sub3A_165 : i32 to index
        %swap3A_324 = arith.constant 16 : index
        %swap3A_325 = tpu.vector_load %arg23[%swap3A_323, %swap3A_324] {strides = array<i32>} : memref<328x144xf32, #tpu.memory_space<vmem>>, vector<16xf32>,
        tpu.vector_store %arg23[%swap3A_323, %swap3A_324], %add3A_322 {strides = array<i32>} : memref<328x144xf32, #tpu.memory_space<vmem>>, vector<16xf32>,
        %get3A_326 = arith.index_cast %sub3A_165 : i32 to index
        %get3A_327 = arith.constant 32 : index
        %get3A_328 = tpu.vector_load %arg23[%get3A_326, %get3A_327] {strides = array<i32>} : memref<328x144xf32, #tpu.memory_space<vmem>>, vector<16xf32>,
        %get3A_329 = arith.index_cast %scan3A_162 : i32 to index
        %get3A_330 = arith.constant 32 : index
        %get3A_331 = tpu.vector_load %arg18[%get3A_329, %get3A_330] {strides = array<i32>} : memref<32x128xf32, #tpu.memory_space<vmem>>, vector<16xf32>,
        %mul3A_332 = arith.mulf %get3A_331, %exp3A : vector<16xf32>
        %add3A_333 = arith.addf %get3A_328, %mul3A_332 : vector<16xf32>
        %swap3A_334 = arith.index_cast %sub3A_165 : i32 to index
        %swap3A_335 = arith.constant 32 : index
        %swap3A_336 = tpu.vector_load %arg23[%swap3A_334, %swap3A_335] {strides = array<i32>} : memref<328x144xf32, #tpu.memory_space<vmem>>, vector<16xf32>,
        tpu.vector_store %arg23[%swap3A_334, %swap3A_335], %add3A_333 {strides = array<i32>} : memref<328x144xf32, #tpu.memory_space<vmem>>, vector<16xf32>,
        %get3A_337 = arith.index_cast %sub3A_165 : i32 to index
        %get3A_338 = arith.constant 48 : index
        %get3A_339 = tpu.vector_load %arg23[%get3A_337, %get3A_338] {strides = array<i32>} : memref<328x144xf32, #tpu.memory_space<vmem>>, vector<16xf32>,
        %get3A_340 = arith.index_cast %scan3A_162 : i32 to index
        %get3A_341 = arith.constant 48 : index
        %get3A_342 = tpu.vector_load %arg18[%get3A_340, %get3A_341] {strides = array<i32>} : memref<32x128xf32, #tpu.memory_space<vmem>>, vector<16xf32>,
        %mul3A_343 = arith.mulf %get3A_342, %exp3A : vector<16xf32>
        %add3A_344 = arith.addf %get3A_339, %mul3A_343 : vector<16xf32>
        %swap3A_345 = arith.index_cast %sub3A_165 : i32 to index
        %swap3A_346 = arith.constant 48 : index
        %swap3A_347 = tpu.vector_load %arg23[%swap3A_345, %swap3A_346] {strides = array<i32>} : memref<328x144xf32, #tpu.memory_space<vmem>>, vector<16xf32>,
        tpu.vector_store %arg23[%swap3A_345, %swap3A_346], %add3A_344 {strides = array<i32>} : memref<328x144xf32, #tpu.memory_space<vmem>>, vector<16xf32>,
        %get3A_348 = arith.index_cast %sub3A_165 : i32 to index
        %get3A_349 = arith.constant 64 : index
        %get3A_350 = tpu.vector_load %arg23[%get3A_348, %get3A_349] {strides = array<i32>} : memref<328x144xf32, #tpu.memory_space<vmem>>, vector<16xf32>,
        %get3A_351 = arith.index_cast %scan3A_162 : i32 to index
        %get3A_352 = arith.constant 64 : index
        %get3A_353 = tpu.vector_load %arg18[%get3A_351, %get3A_352] {strides = array<i32>} : memref<32x128xf32, #tpu.memory_space<vmem>>, vector<16xf32>,
        %mul3A_354 = arith.mulf %get3A_353, %exp3A : vector<16xf32>
        %add3A_355 = arith.addf %get3A_350, %mul3A_354 : vector<16xf32>
        %swap3A_356 = arith.index_cast %sub3A_165 : i32 to index
        %swap3A_357 = arith.constant 64 : index
        %swap3A_358 = tpu.vector_load %arg23[%swap3A_356, %swap3A_357] {strides = array<i32>} : memref<328x144xf32, #tpu.memory_space<vmem>>, vector<16xf32>,
        tpu.vector_store %arg23[%swap3A_356, %swap3A_357], %add3A_355 {strides = array<i32>} : memref<328x144xf32, #tpu.memory_space<vmem>>, vector<16xf32>,
        %get3A_359 = arith.index_cast %sub3A_165 : i32 to index
        %get3A_360 = arith.constant 80 : index
        %get3A_361 = tpu.vector_load %arg23[%get3A_359, %get3A_360] {strides = array<i32>} : memref<328x144xf32, #tpu.memory_space<vmem>>, vector<16xf32>,
        %get3A_362 = arith.index_cast %scan3A_162 : i32 to index
        %get3A_363 = arith.constant 80 : index
        %get3A_364 = tpu.vector_load %arg18[%get3A_362, %get3A_363] {strides = array<i32>} : memref<32x128xf32, #tpu.memory_space<vmem>>, vector<16xf32>,
        %mul3A_365 = arith.mulf %get3A_364, %exp3A : vector<16xf32>
        %add3A_366 = arith.addf %get3A_361, %mul3A_365 : vector<16xf32>
        %swap3A_367 = arith.index_cast %sub3A_165 : i32 to index
        %swap3A_368 = arith.constant 80 : index
        %swap3A_369 = tpu.vector_load %arg23[%swap3A_367, %swap3A_368] {strides = array<i32>} : memref<328x144xf32, #tpu.memory_space<vmem>>, vector<16xf32>,
        tpu.vector_store %arg23[%swap3A_367, %swap3A_368], %add3A_366 {strides = array<i32>} : memref<328x144xf32, #tpu.memory_space<vmem>>, vector<16xf32>,
        %get3A_370 = arith.index_cast %sub3A_165 : i32 to index
        %get3A_371 = arith.constant 96 : index
        %get3A_372 = tpu.vector_load %arg23[%get3A_370, %get3A_371] {strides = array<i32>} : memref<328x144xf32, #tpu.memory_space<vmem>>, vector<16xf32>,
        %get3A_373 = arith.index_cast %scan3A_162 : i32 to index
        %get3A_374 = arith.constant 96 : index
        %get3A_375 = tpu.vector_load %arg18[%get3A_373, %get3A_374] {strides = array<i32>} : memref<32x128xf32, #tpu.memory_space<vmem>>, vector<16xf32>,
        %mul3A_376 = arith.mulf %get3A_375, %exp3A : vector<16xf32>
        %add3A_377 = arith.addf %get3A_372, %mul3A_376 : vector<16xf32>
        %swap3A_378 = arith.index_cast %sub3A_165 : i32 to index
        %swap3A_379 = arith.constant 96 : index
        %swap3A_380 = tpu.vector_load %arg23[%swap3A_378, %swap3A_379] {strides = array<i32>} : memref<328x144xf32, #tpu.memory_space<vmem>>, vector<16xf32>,
        tpu.vector_store %arg23[%swap3A_378, %swap3A_379], %add3A_377 {strides = array<i32>} : memref<328x144xf32, #tpu.memory_space<vmem>>, vector<16xf32>,
        %get3A_381 = arith.index_cast %sub3A_165 : i32 to index
        %get3A_382 = arith.constant 112 : index
        %get3A_383 = tpu.vector_load %arg23[%get3A_381, %get3A_382] {strides = array<i32>} : memref<328x144xf32, #tpu.memory_space<vmem>>, vector<16xf32>,
        %get3A_384 = arith.index_cast %scan3A_162 : i32 to index
        %get3A_385 = arith.constant 112 : index
        %get3A_386 = tpu.vector_load %arg18[%get3A_384, %get3A_385] {strides = array<i32>} : memref<32x128xf32, #tpu.memory_space<vmem>>, vector<16xf32>,
        %mul3A_387 = arith.mulf %get3A_386, %exp3A : vector<16xf32>
        %add3A_388 = arith.addf %get3A_383, %mul3A_387 : vector<16xf32>
        %swap3A_389 = arith.index_cast %sub3A_165 : i32 to index
        %swap3A_390 = arith.constant 112 : index
        %swap3A_391 = tpu.vector_load %arg23[%swap3A_389, %swap3A_390] {strides = array<i32>} : memref<328x144xf32, #tpu.memory_space<vmem>>, vector<16xf32>,
        tpu.vector_store %arg23[%swap3A_389, %swap3A_390], %add3A_388 {strides = array<i32>} : memref<328x144xf32, #tpu.memory_space<vmem>>, vector<16xf32>,
        %get3A_392 = arith.index_cast %sub3A_165 : i32 to index
        %get3A_393 = arith.constant 128 : index
        %get3A_394 = tpu.vector_load %arg23[%get3A_392, %get3A_393] {strides = array<i32>} : memref<328x144xf32, #tpu.memory_space<vmem>>, vector<16xf32>,
        %mul3A_395 = arith.mulf %exp3A, %select_n3A : vector<16xf32>
        %add3A_396 = arith.addf %get3A_394, %mul3A_395 : vector<16xf32>
        %swap3A_397 = arith.index_cast %sub3A_165 : i32 to index
        %swap3A_398 = arith.constant 128 : index
        %swap3A_399 = tpu.vector_load %arg23[%swap3A_397, %swap3A_398] {strides = array<i32>} : memref<328x144xf32, #tpu.memory_space<vmem>>, vector<16xf32>,
        tpu.vector_store %arg23[%swap3A_397, %swap3A_398], %add3A_396 {strides = array<i32>} : memref<328x144xf32, #tpu.memory_space<vmem>>, vector<16xf32>,
      }
      %scan3A_161 = arith.constant 32 : i32
    }
    %while3A_99 = arith.constant 1 : i32
    scf.for %while3A_100 = %while3A_97 to %while3A_93 step %while3A_99  : i32 {
      %mul3A_101 = arith.constant 2 : i32
      %mul3A_102 = arith.muli %mul3A_101, %while3A_100 : i32
      %dma_wait3A = arith.constant 0 : i32
      %dma_wait3A_103 = arith.constant 0 : i32
      %dma_wait3A_104 = tpu.memref_slice %arg2[%dma_wait3A, %dma_wait3A_103] : memref<10000x128xf32, #tpu.memory_space<hbm>> -> memref<32x128xf32, #tpu.memory_space<hbm>>
      %dma_wait3A_105 = arith.constant 0 : i32
      %dma_wait3A_106 = arith.constant 0 : i32
      %dma_wait3A_107 = tpu.memref_slice %arg2[%dma_wait3A_105, %dma_wait3A_106] : memref<10000x128xf32, #tpu.memory_space<hbm>> -> memref<32x128xf32, #tpu.memory_space<hbm>>
      tpu.wait_dma2 semaphore(%arg19 : memref<!tpu.dma_semaphore, #tpu.memory_space<semaphore_mem>>) src(%dma_wait3A_107 : memref<32x128xf32, #tpu.memory_space<hbm>>) dst(%arg15 : memref<32x128xf32, #tpu.memory_space<vmem>>)
      %dma_wait3A_108 = arith.constant 0 : i32
      %dma_wait3A_109 = arith.constant 0 : i32
      %dma_wait3A_110 = tpu.memref_slice %arg3[%dma_wait3A_108, %dma_wait3A_109] : memref<10000x128xf32, #tpu.memory_space<hbm>> -> memref<32x128xf32, #tpu.memory_space<hbm>>
      %dma_wait3A_111 = arith.constant 0 : i32
      %dma_wait3A_112 = arith.constant 0 : i32
      %dma_wait3A_113 = tpu.memref_slice %arg3[%dma_wait3A_111, %dma_wait3A_112] : memref<10000x128xf32, #tpu.memory_space<hbm>> -> memref<32x128xf32, #tpu.memory_space<hbm>>
      tpu.wait_dma2 semaphore(%arg20 : memref<!tpu.dma_semaphore, #tpu.memory_space<semaphore_mem>>) src(%dma_wait3A_113 : memref<32x128xf32, #tpu.memory_space<hbm>>) dst(%arg16 : memref<32x128xf32, #tpu.memory_space<vmem>>)
      %add3A_114 = arith.constant 1 : i32
      %add3A_115 = arith.addi %mul3A_102, %add3A_114 : i32
      %mul3A_116 = arith.constant 32 : i32
      %mul3A_117 = arith.muli %add3A_115, %mul3A_116 : i32
      %multiple_of3A_118 = tpu.assume_multiple %mul3A_117, 32 : i32
      %dma_start3A_119 = tpu.memref_slice %arg12[%multiple_of3A_118] : memref<13696xi32, #tpu.memory_space<vmem>> -> memref<32xi32, #tpu.memory_space<vmem>>
      %dma_start3A_120 = arith.constant 0 : i32
      %dma_start3A_121 = arith.constant 0 : i32
      %dma_start3A_122 = tpu.memref_slice %arg2[%dma_start3A_120, %dma_start3A_121] : memref<10000x128xf32, #tpu.memory_space<hbm>> -> memref<10000x128xf32, #tpu.memory_space<hbm>>
      tpu.enqueue_indirect_dma source(%dma_start3A_122 : memref<10000x128xf32, #tpu.memory_space<hbm>>) target(%arg17 : memref<32x128xf32, #tpu.memory_space<vmem>>) offsets(%dma_start3A_119 : memref<32xi32, #tpu.memory_space<vmem>>) semaphore(%arg21 : memref<!tpu.dma_semaphore, #tpu.memory_space<semaphore_mem>>)
      %dma_start3A_123 = tpu.memref_slice %arg11[%multiple_of3A_118] : memref<13696xi32, #tpu.memory_space<vmem>> -> memref<32xi32, #tpu.memory_space<vmem>>
      %dma_start3A_124 = arith.constant 0 : i32
      %dma_start3A_125 = arith.constant 0 : i32
      %dma_start3A_126 = tpu.memref_slice %arg3[%dma_start3A_124, %dma_start3A_125] : memref<10000x128xf32, #tpu.memory_space<hbm>> -> memref<10000x128xf32, #tpu.memory_space<hbm>>
      tpu.enqueue_indirect_dma source(%dma_start3A_126 : memref<10000x128xf32, #tpu.memory_space<hbm>>) target(%arg18 : memref<32x128xf32, #tpu.memory_space<vmem>>) offsets(%dma_start3A_123 : memref<32xi32, #tpu.memory_space<vmem>>) semaphore(%arg22 : memref<!tpu.dma_semaphore, #tpu.memory_space<semaphore_mem>>)
      %mul3A_127 = arith.constant 32 : i32
      %mul3A_128 = arith.muli %mul3A_102, %mul3A_127 : i32
      %multiple_of3A_129 = tpu.assume_multiple %mul3A_128, 32 : i32
      %scan3A_130 = arith.constant 0 : i32
      %scan3A_131 = arith.constant 0 : i32
      %scan3A_132 = arith.constant 32 : i32
      %scan3A_133 = arith.addi %scan3A_131, %scan3A_132 : i32
      %scan3A_134 = arith.constant 1 : i32
      scf.for %scan3A_162 = %scan3A_131 to %scan3A_133 step %scan3A_134  : i32 {
        %add3A_163 = arith.addi %multiple_of3A_129, %scan3A_162 : i32
        %broadcast_in_dim3A_164 = vector.broadcast %add3A_163 : i32 to vector<16xi32>
        %gather3A = tpu.vector_load_idx %arg12[%broadcast_in_dim3A_164] : memref<13696xi32, #tpu.memory_space<vmem>>[vector<16xi32>], vector<16xi32>,
        %slice3A = vector.extract_strided_slice %gather3A {offsets = [0], sizes = [1], strides = [1]} : vector<16xi32> to vector<1xi32>
        %squeeze3A = vector.extract %slice3A[0] : i32 from vector<1xi32>
        %sub3A_165 = arith.subi %squeeze3A, %mul3A_2 : i32
        %get3A = arith.index_cast %scan3A_162 : i32 to index
        %get3A_166 = arith.constant 0 : index
        %get3A_167 = tpu.vector_load %arg15[%get3A, %get3A_166] {strides = array<i32>} : memref<32x128xf32, #tpu.memory_space<vmem>>, vector<16xf32>,
        %get3A_168 = arith.index_cast %scan3A_162 : i32 to index
        %get3A_169 = arith.constant 0 : index
        %get3A_170 = tpu.vector_load %arg16[%get3A_168, %get3A_169] {strides = array<i32>} : memref<32x128xf32, #tpu.memory_space<vmem>>, vector<16xf32>,
        %add3A_171 = arith.addf %get3A_167, %get3A_170 : vector<16xf32>
        %mul3A_172 = arith.constant 2.000000e-01 : f32
        %mul3A_173 = vector.broadcast %mul3A_172 : f32 to vector<16xf32>
        %mul3A_174 = arith.mulf %add3A_171, %mul3A_173 : vector<16xf32>
        %max3A_175 = arith.maximumf %add3A_171, %mul3A_174 : vector<16xf32>
        %get3A_176 = arith.constant 0 : i32
        %get3A_177 = arith.index_cast %get3A_176 : i32 to index
        %get3A_178 = arith.constant 0 : index
        %get3A_179 = tpu.vector_load %arg10[%get3A_177, %get3A_178] {strides = array<i32>} : memref<8x16xf32, #tpu.memory_space<vmem>>, vector<16xf32>,
        %mul3A_180 = arith.mulf %get3A_179, %max3A_175 : vector<16xf32>
        %add3A_181 = arith.addf %broadcast_in_dim3A_5, %mul3A_180 : vector<16xf32>
        %get3A_182 = arith.index_cast %scan3A_162 : i32 to index
        %get3A_183 = arith.constant 16 : index
        %get3A_184 = tpu.vector_load %arg15[%get3A_182, %get3A_183] {strides = array<i32>} : memref<32x128xf32, #tpu.memory_space<vmem>>, vector<16xf32>,
        %get3A_185 = arith.index_cast %scan3A_162 : i32 to index
        %get3A_186 = arith.constant 16 : index
        %get3A_187 = tpu.vector_load %arg16[%get3A_185, %get3A_186] {strides = array<i32>} : memref<32x128xf32, #tpu.memory_space<vmem>>, vector<16xf32>,
        %add3A_188 = arith.addf %get3A_184, %get3A_187 : vector<16xf32>
        %mul3A_189 = arith.constant 2.000000e-01 : f32
        %mul3A_190 = vector.broadcast %mul3A_189 : f32 to vector<16xf32>
        %mul3A_191 = arith.mulf %add3A_188, %mul3A_190 : vector<16xf32>
        %max3A_192 = arith.maximumf %add3A_188, %mul3A_191 : vector<16xf32>
        %get3A_193 = arith.constant 1 : i32
        %get3A_194 = arith.index_cast %get3A_193 : i32 to index
        %get3A_195 = arith.constant 0 : index
        %get3A_196 = tpu.vector_load %arg10[%get3A_194, %get3A_195] {strides = array<i32>} : memref<8x16xf32, #tpu.memory_space<vmem>>, vector<16xf32>,
        %mul3A_197 = arith.mulf %get3A_196, %max3A_192 : vector<16xf32>
        %add3A_198 = arith.addf %add3A_181, %mul3A_197 : vector<16xf32>
        %get3A_199 = arith.index_cast %scan3A_162 : i32 to index
        %get3A_200 = arith.constant 32 : index
        %get3A_201 = tpu.vector_load %arg15[%get3A_199, %get3A_200] {strides = array<i32>} : memref<32x128xf32, #tpu.memory_space<vmem>>, vector<16xf32>,
        %get3A_202 = arith.index_cast %scan3A_162 : i32 to index
        %get3A_203 = arith.constant 32 : index
        %get3A_204 = tpu.vector_load %arg16[%get3A_202, %get3A_203] {strides = array<i32>} : memref<32x128xf32, #tpu.memory_space<vmem>>, vector<16xf32>,
        %add3A_205 = arith.addf %get3A_201, %get3A_204 : vector<16xf32>
        %mul3A_206 = arith.constant 2.000000e-01 : f32
        %mul3A_207 = vector.broadcast %mul3A_206 : f32 to vector<16xf32>
        %mul3A_208 = arith.mulf %add3A_205, %mul3A_207 : vector<16xf32>
        %max3A_209 = arith.maximumf %add3A_205, %mul3A_208 : vector<16xf32>
        %get3A_210 = arith.constant 2 : i32
        %get3A_211 = arith.index_cast %get3A_210 : i32 to index
        %get3A_212 = arith.constant 0 : index
        %get3A_213 = tpu.vector_load %arg10[%get3A_211, %get3A_212] {strides = array<i32>} : memref<8x16xf32, #tpu.memory_space<vmem>>, vector<16xf32>,
        %mul3A_214 = arith.mulf %get3A_213, %max3A_209 : vector<16xf32>
        %add3A_215 = arith.addf %add3A_198, %mul3A_214 : vector<16xf32>
        %get3A_216 = arith.index_cast %scan3A_162 : i32 to index
        %get3A_217 = arith.constant 48 : index
        %get3A_218 = tpu.vector_load %arg15[%get3A_216, %get3A_217] {strides = array<i32>} : memref<32x128xf32, #tpu.memory_space<vmem>>, vector<16xf32>,
        %get3A_219 = arith.index_cast %scan3A_162 : i32 to index
        %get3A_220 = arith.constant 48 : index
        %get3A_221 = tpu.vector_load %arg16[%get3A_219, %get3A_220] {strides = array<i32>} : memref<32x128xf32, #tpu.memory_space<vmem>>, vector<16xf32>,
        %add3A_222 = arith.addf %get3A_218, %get3A_221 : vector<16xf32>
        %mul3A_223 = arith.constant 2.000000e-01 : f32
        %mul3A_224 = vector.broadcast %mul3A_223 : f32 to vector<16xf32>
        %mul3A_225 = arith.mulf %add3A_222, %mul3A_224 : vector<16xf32>
        %max3A_226 = arith.maximumf %add3A_222, %mul3A_225 : vector<16xf32>
        %get3A_227 = arith.constant 3 : i32
        %get3A_228 = arith.index_cast %get3A_227 : i32 to index
        %get3A_229 = arith.constant 0 : index
        %get3A_230 = tpu.vector_load %arg10[%get3A_228, %get3A_229] {strides = array<i32>} : memref<8x16xf32, #tpu.memory_space<vmem>>, vector<16xf32>,
        %mul3A_231 = arith.mulf %get3A_230, %max3A_226 : vector<16xf32>
        %add3A_232 = arith.addf %add3A_215, %mul3A_231 : vector<16xf32>
        %get3A_233 = arith.index_cast %scan3A_162 : i32 to index
        %get3A_234 = arith.constant 64 : index
        %get3A_235 = tpu.vector_load %arg15[%get3A_233, %get3A_234] {strides = array<i32>} : memref<32x128xf32, #tpu.memory_space<vmem>>, vector<16xf32>,
        %get3A_236 = arith.index_cast %scan3A_162 : i32 to index
        %get3A_237 = arith.constant 64 : index
        %get3A_238 = tpu.vector_load %arg16[%get3A_236, %get3A_237] {strides = array<i32>} : memref<32x128xf32, #tpu.memory_space<vmem>>, vector<16xf32>,
        %add3A_239 = arith.addf %get3A_235, %get3A_238 : vector<16xf32>
        %mul3A_240 = arith.constant 2.000000e-01 : f32
        %mul3A_241 = vector.broadcast %mul3A_240 : f32 to vector<16xf32>
        %mul3A_242 = arith.mulf %add3A_239, %mul3A_241 : vector<16xf32>
        %max3A_243 = arith.maximumf %add3A_239, %mul3A_242 : vector<16xf32>
        %get3A_244 = arith.constant 4 : i32
        %get3A_245 = arith.index_cast %get3A_244 : i32 to index
        %get3A_246 = arith.constant 0 : index
        %get3A_247 = tpu.vector_load %arg10[%get3A_245, %get3A_246] {strides = array<i32>} : memref<8x16xf32, #tpu.memory_space<vmem>>, vector<16xf32>,
        %mul3A_248 = arith.mulf %get3A_247, %max3A_243 : vector<16xf32>
        %add3A_249 = arith.addf %add3A_232, %mul3A_248 : vector<16xf32>
        %get3A_250 = arith.index_cast %scan3A_162 : i32 to index
        %get3A_251 = arith.constant 80 : index
        %get3A_252 = tpu.vector_load %arg15[%get3A_250, %get3A_251] {strides = array<i32>} : memref<32x128xf32, #tpu.memory_space<vmem>>, vector<16xf32>,
        %get3A_253 = arith.index_cast %scan3A_162 : i32 to index
        %get3A_254 = arith.constant 80 : index
        %get3A_255 = tpu.vector_load %arg16[%get3A_253, %get3A_254] {strides = array<i32>} : memref<32x128xf32, #tpu.memory_space<vmem>>, vector<16xf32>,
        %add3A_256 = arith.addf %get3A_252, %get3A_255 : vector<16xf32>
        %mul3A_257 = arith.constant 2.000000e-01 : f32
        %mul3A_258 = vector.broadcast %mul3A_257 : f32 to vector<16xf32>
        %mul3A_259 = arith.mulf %add3A_256, %mul3A_258 : vector<16xf32>
        %max3A_260 = arith.maximumf %add3A_256, %mul3A_259 : vector<16xf32>
        %get3A_261 = arith.constant 5 : i32
        %get3A_262 = arith.index_cast %get3A_261 : i32 to index
        %get3A_263 = arith.constant 0 : index
        %get3A_264 = tpu.vector_load %arg10[%get3A_262, %get3A_263] {strides = array<i32>} : memref<8x16xf32, #tpu.memory_space<vmem>>, vector<16xf32>,
        %mul3A_265 = arith.mulf %get3A_264, %max3A_260 : vector<16xf32>
        %add3A_266 = arith.addf %add3A_249, %mul3A_265 : vector<16xf32>
        %get3A_267 = arith.index_cast %scan3A_162 : i32 to index
        %get3A_268 = arith.constant 96 : index
        %get3A_269 = tpu.vector_load %arg15[%get3A_267, %get3A_268] {strides = array<i32>} : memref<32x128xf32, #tpu.memory_space<vmem>>, vector<16xf32>,
        %get3A_270 = arith.index_cast %scan3A_162 : i32 to index
        %get3A_271 = arith.constant 96 : index
        %get3A_272 = tpu.vector_load %arg16[%get3A_270, %get3A_271] {strides = array<i32>} : memref<32x128xf32, #tpu.memory_space<vmem>>, vector<16xf32>,
        %add3A_273 = arith.addf %get3A_269, %get3A_272 : vector<16xf32>
        %mul3A_274 = arith.constant 2.000000e-01 : f32
        %mul3A_275 = vector.broadcast %mul3A_274 : f32 to vector<16xf32>
        %mul3A_276 = arith.mulf %add3A_273, %mul3A_275 : vector<16xf32>
        %max3A_277 = arith.maximumf %add3A_273, %mul3A_276 : vector<16xf32>
        %get3A_278 = arith.constant 6 : i32
        %get3A_279 = arith.index_cast %get3A_278 : i32 to index
        %get3A_280 = arith.constant 0 : index
        %get3A_281 = tpu.vector_load %arg10[%get3A_279, %get3A_280] {strides = array<i32>} : memref<8x16xf32, #tpu.memory_space<vmem>>, vector<16xf32>,
        %mul3A_282 = arith.mulf %get3A_281, %max3A_277 : vector<16xf32>
        %add3A_283 = arith.addf %add3A_266, %mul3A_282 : vector<16xf32>
        %get3A_284 = arith.index_cast %scan3A_162 : i32 to index
        %get3A_285 = arith.constant 112 : index
        %get3A_286 = tpu.vector_load %arg15[%get3A_284, %get3A_285] {strides = array<i32>} : memref<32x128xf32, #tpu.memory_space<vmem>>, vector<16xf32>,
        %get3A_287 = arith.index_cast %scan3A_162 : i32 to index
        %get3A_288 = arith.constant 112 : index
        %get3A_289 = tpu.vector_load %arg16[%get3A_287, %get3A_288] {strides = array<i32>} : memref<32x128xf32, #tpu.memory_space<vmem>>, vector<16xf32>,
        %add3A_290 = arith.addf %get3A_286, %get3A_289 : vector<16xf32>
        %mul3A_291 = arith.constant 2.000000e-01 : f32
        %mul3A_292 = vector.broadcast %mul3A_291 : f32 to vector<16xf32>
        %mul3A_293 = arith.mulf %add3A_290, %mul3A_292 : vector<16xf32>
        %max3A_294 = arith.maximumf %add3A_290, %mul3A_293 : vector<16xf32>
        %get3A_295 = arith.constant 7 : i32
        %get3A_296 = arith.index_cast %get3A_295 : i32 to index
        %get3A_297 = arith.constant 0 : index
        %get3A_298 = tpu.vector_load %arg10[%get3A_296, %get3A_297] {strides = array<i32>} : memref<8x16xf32, #tpu.memory_space<vmem>>, vector<16xf32>,
        %mul3A_299 = arith.mulf %get3A_298, %max3A_294 : vector<16xf32>
        %add3A_300 = arith.addf %add3A_283, %mul3A_299 : vector<16xf32>
        %reduce_sum3A = arith.constant true
        %reduce_sum3A_301 = vector.broadcast %reduce_sum3A : i1 to vector<16xi1>
        %reduce_sum3A_302 = tpu.scan <sum>, %add3A_300 masked %reduce_sum3A_301 : vector<16xf32>, vector<16xi1> -> vector<16xf32>
        %reduce_sum3A_303 = vector.extract %reduce_sum3A_302[15] : f32 from vector<16xf32>
        %broadcast_in_dim3A_304 = vector.broadcast %reduce_sum3A_303 : f32 to vector<16xf32>
        %exp3A = math.exp %broadcast_in_dim3A_304 : vector<16xf32>
        %get3A_305 = arith.index_cast %sub3A_165 : i32 to index
        %get3A_306 = arith.constant 0 : index
        %get3A_307 = tpu.vector_load %arg23[%get3A_305, %get3A_306] {strides = array<i32>} : memref<328x144xf32, #tpu.memory_space<vmem>>, vector<16xf32>,
        %get3A_308 = arith.index_cast %scan3A_162 : i32 to index
        %get3A_309 = arith.constant 0 : index
        %get3A_310 = tpu.vector_load %arg16[%get3A_308, %get3A_309] {strides = array<i32>} : memref<32x128xf32, #tpu.memory_space<vmem>>, vector<16xf32>,
        %mul3A_311 = arith.mulf %get3A_310, %exp3A : vector<16xf32>
        %add3A_312 = arith.addf %get3A_307, %mul3A_311 : vector<16xf32>
        %swap3A = arith.index_cast %sub3A_165 : i32 to index
        %swap3A_313 = arith.constant 0 : index
        %swap3A_314 = tpu.vector_load %arg23[%swap3A, %swap3A_313] {strides = array<i32>} : memref<328x144xf32, #tpu.memory_space<vmem>>, vector<16xf32>,
        tpu.vector_store %arg23[%swap3A, %swap3A_313], %add3A_312 {strides = array<i32>} : memref<328x144xf32, #tpu.memory_space<vmem>>, vector<16xf32>,
        %get3A_315 = arith.index_cast %sub3A_165 : i32 to index
        %get3A_316 = arith.constant 16 : index
        %get3A_317 = tpu.vector_load %arg23[%get3A_315, %get3A_316] {strides = array<i32>} : memref<328x144xf32, #tpu.memory_space<vmem>>, vector<16xf32>,
        %get3A_318 = arith.index_cast %scan3A_162 : i32 to index
        %get3A_319 = arith.constant 16 : index
        %get3A_320 = tpu.vector_load %arg16[%get3A_318, %get3A_319] {strides = array<i32>} : memref<32x128xf32, #tpu.memory_space<vmem>>, vector<16xf32>,
        %mul3A_321 = arith.mulf %get3A_320, %exp3A : vector<16xf32>
        %add3A_322 = arith.addf %get3A_317, %mul3A_321 : vector<16xf32>
        %swap3A_323 = arith.index_cast %sub3A_165 : i32 to index
        %swap3A_324 = arith.constant 16 : index
        %swap3A_325 = tpu.vector_load %arg23[%swap3A_323, %swap3A_324] {strides = array<i32>} : memref<328x144xf32, #tpu.memory_space<vmem>>, vector<16xf32>,
        tpu.vector_store %arg23[%swap3A_323, %swap3A_324], %add3A_322 {strides = array<i32>} : memref<328x144xf32, #tpu.memory_space<vmem>>, vector<16xf32>,
        %get3A_326 = arith.index_cast %sub3A_165 : i32 to index
        %get3A_327 = arith.constant 32 : index
        %get3A_328 = tpu.vector_load %arg23[%get3A_326, %get3A_327] {strides = array<i32>} : memref<328x144xf32, #tpu.memory_space<vmem>>, vector<16xf32>,
        %get3A_329 = arith.index_cast %scan3A_162 : i32 to index
        %get3A_330 = arith.constant 32 : index
        %get3A_331 = tpu.vector_load %arg16[%get3A_329, %get3A_330] {strides = array<i32>} : memref<32x128xf32, #tpu.memory_space<vmem>>, vector<16xf32>,
        %mul3A_332 = arith.mulf %get3A_331, %exp3A : vector<16xf32>
        %add3A_333 = arith.addf %get3A_328, %mul3A_332 : vector<16xf32>
        %swap3A_334 = arith.index_cast %sub3A_165 : i32 to index
        %swap3A_335 = arith.constant 32 : index
        %swap3A_336 = tpu.vector_load %arg23[%swap3A_334, %swap3A_335] {strides = array<i32>} : memref<328x144xf32, #tpu.memory_space<vmem>>, vector<16xf32>,
        tpu.vector_store %arg23[%swap3A_334, %swap3A_335], %add3A_333 {strides = array<i32>} : memref<328x144xf32, #tpu.memory_space<vmem>>, vector<16xf32>,
        %get3A_337 = arith.index_cast %sub3A_165 : i32 to index
        %get3A_338 = arith.constant 48 : index
        %get3A_339 = tpu.vector_load %arg23[%get3A_337, %get3A_338] {strides = array<i32>} : memref<328x144xf32, #tpu.memory_space<vmem>>, vector<16xf32>,
        %get3A_340 = arith.index_cast %scan3A_162 : i32 to index
        %get3A_341 = arith.constant 48 : index
        %get3A_342 = tpu.vector_load %arg16[%get3A_340, %get3A_341] {strides = array<i32>} : memref<32x128xf32, #tpu.memory_space<vmem>>, vector<16xf32>,
        %mul3A_343 = arith.mulf %get3A_342, %exp3A : vector<16xf32>
        %add3A_344 = arith.addf %get3A_339, %mul3A_343 : vector<16xf32>
        %swap3A_345 = arith.index_cast %sub3A_165 : i32 to index
        %swap3A_346 = arith.constant 48 : index
        %swap3A_347 = tpu.vector_load %arg23[%swap3A_345, %swap3A_346] {strides = array<i32>} : memref<328x144xf32, #tpu.memory_space<vmem>>, vector<16xf32>,
        tpu.vector_store %arg23[%swap3A_345, %swap3A_346], %add3A_344 {strides = array<i32>} : memref<328x144xf32, #tpu.memory_space<vmem>>, vector<16xf32>,
        %get3A_348 = arith.index_cast %sub3A_165 : i32 to index
        %get3A_349 = arith.constant 64 : index
        %get3A_350 = tpu.vector_load %arg23[%get3A_348, %get3A_349] {strides = array<i32>} : memref<328x144xf32, #tpu.memory_space<vmem>>, vector<16xf32>,
        %get3A_351 = arith.index_cast %scan3A_162 : i32 to index
        %get3A_352 = arith.constant 64 : index
        %get3A_353 = tpu.vector_load %arg16[%get3A_351, %get3A_352] {strides = array<i32>} : memref<32x128xf32, #tpu.memory_space<vmem>>, vector<16xf32>,
        %mul3A_354 = arith.mulf %get3A_353, %exp3A : vector<16xf32>
        %add3A_355 = arith.addf %get3A_350, %mul3A_354 : vector<16xf32>
        %swap3A_356 = arith.index_cast %sub3A_165 : i32 to index
        %swap3A_357 = arith.constant 64 : index
        %swap3A_358 = tpu.vector_load %arg23[%swap3A_356, %swap3A_357] {strides = array<i32>} : memref<328x144xf32, #tpu.memory_space<vmem>>, vector<16xf32>,
        tpu.vector_store %arg23[%swap3A_356, %swap3A_357], %add3A_355 {strides = array<i32>} : memref<328x144xf32, #tpu.memory_space<vmem>>, vector<16xf32>,
        %get3A_359 = arith.index_cast %sub3A_165 : i32 to index
        %get3A_360 = arith.constant 80 : index
        %get3A_361 = tpu.vector_load %arg23[%get3A_359, %get3A_360] {strides = array<i32>} : memref<328x144xf32, #tpu.memory_space<vmem>>, vector<16xf32>,
        %get3A_362 = arith.index_cast %scan3A_162 : i32 to index
        %get3A_363 = arith.constant 80 : index
        %get3A_364 = tpu.vector_load %arg16[%get3A_362, %get3A_363] {strides = array<i32>} : memref<32x128xf32, #tpu.memory_space<vmem>>, vector<16xf32>,
        %mul3A_365 = arith.mulf %get3A_364, %exp3A : vector<16xf32>
        %add3A_366 = arith.addf %get3A_361, %mul3A_365 : vector<16xf32>
        %swap3A_367 = arith.index_cast %sub3A_165 : i32 to index
        %swap3A_368 = arith.constant 80 : index
        %swap3A_369 = tpu.vector_load %arg23[%swap3A_367, %swap3A_368] {strides = array<i32>} : memref<328x144xf32, #tpu.memory_space<vmem>>, vector<16xf32>,
        tpu.vector_store %arg23[%swap3A_367, %swap3A_368], %add3A_366 {strides = array<i32>} : memref<328x144xf32, #tpu.memory_space<vmem>>, vector<16xf32>,
        %get3A_370 = arith.index_cast %sub3A_165 : i32 to index
        %get3A_371 = arith.constant 96 : index
        %get3A_372 = tpu.vector_load %arg23[%get3A_370, %get3A_371] {strides = array<i32>} : memref<328x144xf32, #tpu.memory_space<vmem>>, vector<16xf32>,
        %get3A_373 = arith.index_cast %scan3A_162 : i32 to index
        %get3A_374 = arith.constant 96 : index
        %get3A_375 = tpu.vector_load %arg16[%get3A_373, %get3A_374] {strides = array<i32>} : memref<32x128xf32, #tpu.memory_space<vmem>>, vector<16xf32>,
        %mul3A_376 = arith.mulf %get3A_375, %exp3A : vector<16xf32>
        %add3A_377 = arith.addf %get3A_372, %mul3A_376 : vector<16xf32>
        %swap3A_378 = arith.index_cast %sub3A_165 : i32 to index
        %swap3A_379 = arith.constant 96 : index
        %swap3A_380 = tpu.vector_load %arg23[%swap3A_378, %swap3A_379] {strides = array<i32>} : memref<328x144xf32, #tpu.memory_space<vmem>>, vector<16xf32>,
        tpu.vector_store %arg23[%swap3A_378, %swap3A_379], %add3A_377 {strides = array<i32>} : memref<328x144xf32, #tpu.memory_space<vmem>>, vector<16xf32>,
        %get3A_381 = arith.index_cast %sub3A_165 : i32 to index
        %get3A_382 = arith.constant 112 : index
        %get3A_383 = tpu.vector_load %arg23[%get3A_381, %get3A_382] {strides = array<i32>} : memref<328x144xf32, #tpu.memory_space<vmem>>, vector<16xf32>,
        %get3A_384 = arith.index_cast %scan3A_162 : i32 to index
        %get3A_385 = arith.constant 112 : index
        %get3A_386 = tpu.vector_load %arg16[%get3A_384, %get3A_385] {strides = array<i32>} : memref<32x128xf32, #tpu.memory_space<vmem>>, vector<16xf32>,
        %mul3A_387 = arith.mulf %get3A_386, %exp3A : vector<16xf32>
        %add3A_388 = arith.addf %get3A_383, %mul3A_387 : vector<16xf32>
        %swap3A_389 = arith.index_cast %sub3A_165 : i32 to index
        %swap3A_390 = arith.constant 112 : index
        %swap3A_391 = tpu.vector_load %arg23[%swap3A_389, %swap3A_390] {strides = array<i32>} : memref<328x144xf32, #tpu.memory_space<vmem>>, vector<16xf32>,
        tpu.vector_store %arg23[%swap3A_389, %swap3A_390], %add3A_388 {strides = array<i32>} : memref<328x144xf32, #tpu.memory_space<vmem>>, vector<16xf32>,
        %get3A_392 = arith.index_cast %sub3A_165 : i32 to index
        %get3A_393 = arith.constant 128 : index
        %get3A_394 = tpu.vector_load %arg23[%get3A_392, %get3A_393] {strides = array<i32>} : memref<328x144xf32, #tpu.memory_space<vmem>>, vector<16xf32>,
        %mul3A_395 = arith.mulf %exp3A, %select_n3A : vector<16xf32>
        %add3A_396 = arith.addf %get3A_394, %mul3A_395 : vector<16xf32>
        %swap3A_397 = arith.index_cast %sub3A_165 : i32 to index
        %swap3A_398 = arith.constant 128 : index
        %swap3A_399 = tpu.vector_load %arg23[%swap3A_397, %swap3A_398] {strides = array<i32>} : memref<328x144xf32, #tpu.memory_space<vmem>>, vector<16xf32>,
        tpu.vector_store %arg23[%swap3A_397, %swap3A_398], %add3A_396 {strides = array<i32>} : memref<328x144xf32, #tpu.memory_space<vmem>>, vector<16xf32>,
      }
      %scan3A_135 = arith.constant 32 : i32
      %dma_wait3A_136 = arith.constant 0 : i32
      %dma_wait3A_137 = arith.constant 0 : i32
      %dma_wait3A_138 = tpu.memref_slice %arg2[%dma_wait3A_136, %dma_wait3A_137] : memref<10000x128xf32, #tpu.memory_space<hbm>> -> memref<32x128xf32, #tpu.memory_space<hbm>>
      %dma_wait3A_139 = arith.constant 0 : i32
      %dma_wait3A_140 = arith.constant 0 : i32
      %dma_wait3A_141 = tpu.memref_slice %arg2[%dma_wait3A_139, %dma_wait3A_140] : memref<10000x128xf32, #tpu.memory_space<hbm>> -> memref<32x128xf32, #tpu.memory_space<hbm>>
      tpu.wait_dma2 semaphore(%arg21 : memref<!tpu.dma_semaphore, #tpu.memory_space<semaphore_mem>>) src(%dma_wait3A_141 : memref<32x128xf32, #tpu.memory_space<hbm>>) dst(%arg17 : memref<32x128xf32, #tpu.memory_space<vmem>>)
      %dma_wait3A_142 = arith.constant 0 : i32
      %dma_wait3A_143 = arith.constant 0 : i32
      %dma_wait3A_144 = tpu.memref_slice %arg3[%dma_wait3A_142, %dma_wait3A_143] : memref<10000x128xf32, #tpu.memory_space<hbm>> -> memref<32x128xf32, #tpu.memory_space<hbm>>
      %dma_wait3A_145 = arith.constant 0 : i32
      %dma_wait3A_146 = arith.constant 0 : i32
      %dma_wait3A_147 = tpu.memref_slice %arg3[%dma_wait3A_145, %dma_wait3A_146] : memref<10000x128xf32, #tpu.memory_space<hbm>> -> memref<32x128xf32, #tpu.memory_space<hbm>>
      tpu.wait_dma2 semaphore(%arg22 : memref<!tpu.dma_semaphore, #tpu.memory_space<semaphore_mem>>) src(%dma_wait3A_147 : memref<32x128xf32, #tpu.memory_space<hbm>>) dst(%arg18 : memref<32x128xf32, #tpu.memory_space<vmem>>)
      %add3A_148 = arith.constant 1 : i32
      %add3A_149 = arith.addi %while3A_100, %add3A_148 : i32
      %lt3A = arith.cmpi slt, %add3A_149, %max3A_82 : i32
      %convert_element_type3A = arith.extui %lt3A : i1 to i32
      %cond3A = arith.constant 0 : i32
      %cond3A_150 = arith.cmpi ne, %convert_element_type3A, %cond3A : i32
      scf.if %cond3A_150 {
        %add3A_162 = arith.constant 2 : i32
        %add3A_163 = arith.addi %mul3A_102, %add3A_162 : i32
        %mul3A_164 = arith.constant 32 : i32
        %mul3A_165 = arith.muli %add3A_163, %mul3A_164 : i32
        %multiple_of3A_166 = tpu.assume_multiple %mul3A_165, 32 : i32
        %dma_start3A_167 = tpu.memref_slice %arg12[%multiple_of3A_166] : memref<13696xi32, #tpu.memory_space<vmem>> -> memref<32xi32, #tpu.memory_space<vmem>>
        %dma_start3A_168 = arith.constant 0 : i32
        %dma_start3A_169 = arith.constant 0 : i32
        %dma_start3A_170 = tpu.memref_slice %arg2[%dma_start3A_168, %dma_start3A_169] : memref<10000x128xf32, #tpu.memory_space<hbm>> -> memref<10000x128xf32, #tpu.memory_space<hbm>>
        tpu.enqueue_indirect_dma source(%dma_start3A_170 : memref<10000x128xf32, #tpu.memory_space<hbm>>) target(%arg15 : memref<32x128xf32, #tpu.memory_space<vmem>>) offsets(%dma_start3A_167 : memref<32xi32, #tpu.memory_space<vmem>>) semaphore(%arg19 : memref<!tpu.dma_semaphore, #tpu.memory_space<semaphore_mem>>)
        %dma_start3A_171 = tpu.memref_slice %arg11[%multiple_of3A_166] : memref<13696xi32, #tpu.memory_space<vmem>> -> memref<32xi32, #tpu.memory_space<vmem>>
        %dma_start3A_172 = arith.constant 0 : i32
        %dma_start3A_173 = arith.constant 0 : i32
        %dma_start3A_174 = tpu.memref_slice %arg3[%dma_start3A_172, %dma_start3A_173] : memref<10000x128xf32, #tpu.memory_space<hbm>> -> memref<10000x128xf32, #tpu.memory_space<hbm>>
        tpu.enqueue_indirect_dma source(%dma_start3A_174 : memref<10000x128xf32, #tpu.memory_space<hbm>>) target(%arg16 : memref<32x128xf32, #tpu.memory_space<vmem>>) offsets(%dma_start3A_171 : memref<32xi32, #tpu.memory_space<vmem>>) semaphore(%arg20 : memref<!tpu.dma_semaphore, #tpu.memory_space<semaphore_mem>>)
      } else {
      }
      %add3A_151 = arith.constant 1 : i32
      %add3A_152 = arith.addi %mul3A_102, %add3A_151 : i32
      %mul3A_153 = arith.constant 32 : i32
      %mul3A_154 = arith.muli %add3A_152, %mul3A_153 : i32
      %multiple_of3A_155 = tpu.assume_multiple %mul3A_154, 32 : i32
      %scan3A_156 = arith.constant 0 : i32
      %scan3A_157 = arith.constant 0 : i32
      %scan3A_158 = arith.constant 32 : i32
      %scan3A_159 = arith.addi %scan3A_157, %scan3A_158 : i32
      %scan3A_160 = arith.constant 1 : i32
      scf.for %scan3A_162 = %scan3A_157 to %scan3A_159 step %scan3A_160  : i32 {
        %add3A_163 = arith.addi %multiple_of3A_155, %scan3A_162 : i32
        %broadcast_in_dim3A_164 = vector.broadcast %add3A_163 : i32 to vector<16xi32>
        %gather3A = tpu.vector_load_idx %arg12[%broadcast_in_dim3A_164] : memref<13696xi32, #tpu.memory_space<vmem>>[vector<16xi32>], vector<16xi32>,
        %slice3A = vector.extract_strided_slice %gather3A {offsets = [0], sizes = [1], strides = [1]} : vector<16xi32> to vector<1xi32>
        %squeeze3A = vector.extract %slice3A[0] : i32 from vector<1xi32>
        %sub3A_165 = arith.subi %squeeze3A, %mul3A_2 : i32
        %get3A = arith.index_cast %scan3A_162 : i32 to index
        %get3A_166 = arith.constant 0 : index
        %get3A_167 = tpu.vector_load %arg17[%get3A, %get3A_166] {strides = array<i32>} : memref<32x128xf32, #tpu.memory_space<vmem>>, vector<16xf32>,
        %get3A_168 = arith.index_cast %scan3A_162 : i32 to index
        %get3A_169 = arith.constant 0 : index
        %get3A_170 = tpu.vector_load %arg18[%get3A_168, %get3A_169] {strides = array<i32>} : memref<32x128xf32, #tpu.memory_space<vmem>>, vector<16xf32>,
        %add3A_171 = arith.addf %get3A_167, %get3A_170 : vector<16xf32>
        %mul3A_172 = arith.constant 2.000000e-01 : f32
        %mul3A_173 = vector.broadcast %mul3A_172 : f32 to vector<16xf32>
        %mul3A_174 = arith.mulf %add3A_171, %mul3A_173 : vector<16xf32>
        %max3A_175 = arith.maximumf %add3A_171, %mul3A_174 : vector<16xf32>
        %get3A_176 = arith.constant 0 : i32
        %get3A_177 = arith.index_cast %get3A_176 : i32 to index
        %get3A_178 = arith.constant 0 : index
        %get3A_179 = tpu.vector_load %arg10[%get3A_177, %get3A_178] {strides = array<i32>} : memref<8x16xf32, #tpu.memory_space<vmem>>, vector<16xf32>,
        %mul3A_180 = arith.mulf %get3A_179, %max3A_175 : vector<16xf32>
        %add3A_181 = arith.addf %broadcast_in_dim3A_5, %mul3A_180 : vector<16xf32>
        %get3A_182 = arith.index_cast %scan3A_162 : i32 to index
        %get3A_183 = arith.constant 16 : index
        %get3A_184 = tpu.vector_load %arg17[%get3A_182, %get3A_183] {strides = array<i32>} : memref<32x128xf32, #tpu.memory_space<vmem>>, vector<16xf32>,
        %get3A_185 = arith.index_cast %scan3A_162 : i32 to index
        %get3A_186 = arith.constant 16 : index
        %get3A_187 = tpu.vector_load %arg18[%get3A_185, %get3A_186] {strides = array<i32>} : memref<32x128xf32, #tpu.memory_space<vmem>>, vector<16xf32>,
        %add3A_188 = arith.addf %get3A_184, %get3A_187 : vector<16xf32>
        %mul3A_189 = arith.constant 2.000000e-01 : f32
        %mul3A_190 = vector.broadcast %mul3A_189 : f32 to vector<16xf32>
        %mul3A_191 = arith.mulf %add3A_188, %mul3A_190 : vector<16xf32>
        %max3A_192 = arith.maximumf %add3A_188, %mul3A_191 : vector<16xf32>
        %get3A_193 = arith.constant 1 : i32
        %get3A_194 = arith.index_cast %get3A_193 : i32 to index
        %get3A_195 = arith.constant 0 : index
        %get3A_196 = tpu.vector_load %arg10[%get3A_194, %get3A_195] {strides = array<i32>} : memref<8x16xf32, #tpu.memory_space<vmem>>, vector<16xf32>,
        %mul3A_197 = arith.mulf %get3A_196, %max3A_192 : vector<16xf32>
        %add3A_198 = arith.addf %add3A_181, %mul3A_197 : vector<16xf32>
        %get3A_199 = arith.index_cast %scan3A_162 : i32 to index
        %get3A_200 = arith.constant 32 : index
        %get3A_201 = tpu.vector_load %arg17[%get3A_199, %get3A_200] {strides = array<i32>} : memref<32x128xf32, #tpu.memory_space<vmem>>, vector<16xf32>,
        %get3A_202 = arith.index_cast %scan3A_162 : i32 to index
        %get3A_203 = arith.constant 32 : index
        %get3A_204 = tpu.vector_load %arg18[%get3A_202, %get3A_203] {strides = array<i32>} : memref<32x128xf32, #tpu.memory_space<vmem>>, vector<16xf32>,
        %add3A_205 = arith.addf %get3A_201, %get3A_204 : vector<16xf32>
        %mul3A_206 = arith.constant 2.000000e-01 : f32
        %mul3A_207 = vector.broadcast %mul3A_206 : f32 to vector<16xf32>
        %mul3A_208 = arith.mulf %add3A_205, %mul3A_207 : vector<16xf32>
        %max3A_209 = arith.maximumf %add3A_205, %mul3A_208 : vector<16xf32>
        %get3A_210 = arith.constant 2 : i32
        %get3A_211 = arith.index_cast %get3A_210 : i32 to index
        %get3A_212 = arith.constant 0 : index
        %get3A_213 = tpu.vector_load %arg10[%get3A_211, %get3A_212] {strides = array<i32>} : memref<8x16xf32, #tpu.memory_space<vmem>>, vector<16xf32>,
        %mul3A_214 = arith.mulf %get3A_213, %max3A_209 : vector<16xf32>
        %add3A_215 = arith.addf %add3A_198, %mul3A_214 : vector<16xf32>
        %get3A_216 = arith.index_cast %scan3A_162 : i32 to index
        %get3A_217 = arith.constant 48 : index
        %get3A_218 = tpu.vector_load %arg17[%get3A_216, %get3A_217] {strides = array<i32>} : memref<32x128xf32, #tpu.memory_space<vmem>>, vector<16xf32>,
        %get3A_219 = arith.index_cast %scan3A_162 : i32 to index
        %get3A_220 = arith.constant 48 : index
        %get3A_221 = tpu.vector_load %arg18[%get3A_219, %get3A_220] {strides = array<i32>} : memref<32x128xf32, #tpu.memory_space<vmem>>, vector<16xf32>,
        %add3A_222 = arith.addf %get3A_218, %get3A_221 : vector<16xf32>
        %mul3A_223 = arith.constant 2.000000e-01 : f32
        %mul3A_224 = vector.broadcast %mul3A_223 : f32 to vector<16xf32>
        %mul3A_225 = arith.mulf %add3A_222, %mul3A_224 : vector<16xf32>
        %max3A_226 = arith.maximumf %add3A_222, %mul3A_225 : vector<16xf32>
        %get3A_227 = arith.constant 3 : i32
        %get3A_228 = arith.index_cast %get3A_227 : i32 to index
        %get3A_229 = arith.constant 0 : index
        %get3A_230 = tpu.vector_load %arg10[%get3A_228, %get3A_229] {strides = array<i32>} : memref<8x16xf32, #tpu.memory_space<vmem>>, vector<16xf32>,
        %mul3A_231 = arith.mulf %get3A_230, %max3A_226 : vector<16xf32>
        %add3A_232 = arith.addf %add3A_215, %mul3A_231 : vector<16xf32>
        %get3A_233 = arith.index_cast %scan3A_162 : i32 to index
        %get3A_234 = arith.constant 64 : index
        %get3A_235 = tpu.vector_load %arg17[%get3A_233, %get3A_234] {strides = array<i32>} : memref<32x128xf32, #tpu.memory_space<vmem>>, vector<16xf32>,
        %get3A_236 = arith.index_cast %scan3A_162 : i32 to index
        %get3A_237 = arith.constant 64 : index
        %get3A_238 = tpu.vector_load %arg18[%get3A_236, %get3A_237] {strides = array<i32>} : memref<32x128xf32, #tpu.memory_space<vmem>>, vector<16xf32>,
        %add3A_239 = arith.addf %get3A_235, %get3A_238 : vector<16xf32>
        %mul3A_240 = arith.constant 2.000000e-01 : f32
        %mul3A_241 = vector.broadcast %mul3A_240 : f32 to vector<16xf32>
        %mul3A_242 = arith.mulf %add3A_239, %mul3A_241 : vector<16xf32>
        %max3A_243 = arith.maximumf %add3A_239, %mul3A_242 : vector<16xf32>
        %get3A_244 = arith.constant 4 : i32
        %get3A_245 = arith.index_cast %get3A_244 : i32 to index
        %get3A_246 = arith.constant 0 : index
        %get3A_247 = tpu.vector_load %arg10[%get3A_245, %get3A_246] {strides = array<i32>} : memref<8x16xf32, #tpu.memory_space<vmem>>, vector<16xf32>,
        %mul3A_248 = arith.mulf %get3A_247, %max3A_243 : vector<16xf32>
        %add3A_249 = arith.addf %add3A_232, %mul3A_248 : vector<16xf32>
        %get3A_250 = arith.index_cast %scan3A_162 : i32 to index
        %get3A_251 = arith.constant 80 : index
        %get3A_252 = tpu.vector_load %arg17[%get3A_250, %get3A_251] {strides = array<i32>} : memref<32x128xf32, #tpu.memory_space<vmem>>, vector<16xf32>,
        %get3A_253 = arith.index_cast %scan3A_162 : i32 to index
        %get3A_254 = arith.constant 80 : index
        %get3A_255 = tpu.vector_load %arg18[%get3A_253, %get3A_254] {strides = array<i32>} : memref<32x128xf32, #tpu.memory_space<vmem>>, vector<16xf32>,
        %add3A_256 = arith.addf %get3A_252, %get3A_255 : vector<16xf32>
        %mul3A_257 = arith.constant 2.000000e-01 : f32
        %mul3A_258 = vector.broadcast %mul3A_257 : f32 to vector<16xf32>
        %mul3A_259 = arith.mulf %add3A_256, %mul3A_258 : vector<16xf32>
        %max3A_260 = arith.maximumf %add3A_256, %mul3A_259 : vector<16xf32>
        %get3A_261 = arith.constant 5 : i32
        %get3A_262 = arith.index_cast %get3A_261 : i32 to index
        %get3A_263 = arith.constant 0 : index
        %get3A_264 = tpu.vector_load %arg10[%get3A_262, %get3A_263] {strides = array<i32>} : memref<8x16xf32, #tpu.memory_space<vmem>>, vector<16xf32>,
        %mul3A_265 = arith.mulf %get3A_264, %max3A_260 : vector<16xf32>
        %add3A_266 = arith.addf %add3A_249, %mul3A_265 : vector<16xf32>
        %get3A_267 = arith.index_cast %scan3A_162 : i32 to index
        %get3A_268 = arith.constant 96 : index
        %get3A_269 = tpu.vector_load %arg17[%get3A_267, %get3A_268] {strides = array<i32>} : memref<32x128xf32, #tpu.memory_space<vmem>>, vector<16xf32>,
        %get3A_270 = arith.index_cast %scan3A_162 : i32 to index
        %get3A_271 = arith.constant 96 : index
        %get3A_272 = tpu.vector_load %arg18[%get3A_270, %get3A_271] {strides = array<i32>} : memref<32x128xf32, #tpu.memory_space<vmem>>, vector<16xf32>,
        %add3A_273 = arith.addf %get3A_269, %get3A_272 : vector<16xf32>
        %mul3A_274 = arith.constant 2.000000e-01 : f32
        %mul3A_275 = vector.broadcast %mul3A_274 : f32 to vector<16xf32>
        %mul3A_276 = arith.mulf %add3A_273, %mul3A_275 : vector<16xf32>
        %max3A_277 = arith.maximumf %add3A_273, %mul3A_276 : vector<16xf32>
        %get3A_278 = arith.constant 6 : i32
        %get3A_279 = arith.index_cast %get3A_278 : i32 to index
        %get3A_280 = arith.constant 0 : index
        %get3A_281 = tpu.vector_load %arg10[%get3A_279, %get3A_280] {strides = array<i32>} : memref<8x16xf32, #tpu.memory_space<vmem>>, vector<16xf32>,
        %mul3A_282 = arith.mulf %get3A_281, %max3A_277 : vector<16xf32>
        %add3A_283 = arith.addf %add3A_266, %mul3A_282 : vector<16xf32>
        %get3A_284 = arith.index_cast %scan3A_162 : i32 to index
        %get3A_285 = arith.constant 112 : index
        %get3A_286 = tpu.vector_load %arg17[%get3A_284, %get3A_285] {strides = array<i32>} : memref<32x128xf32, #tpu.memory_space<vmem>>, vector<16xf32>,
        %get3A_287 = arith.index_cast %scan3A_162 : i32 to index
        %get3A_288 = arith.constant 112 : index
        %get3A_289 = tpu.vector_load %arg18[%get3A_287, %get3A_288] {strides = array<i32>} : memref<32x128xf32, #tpu.memory_space<vmem>>, vector<16xf32>,
        %add3A_290 = arith.addf %get3A_286, %get3A_289 : vector<16xf32>
        %mul3A_291 = arith.constant 2.000000e-01 : f32
        %mul3A_292 = vector.broadcast %mul3A_291 : f32 to vector<16xf32>
        %mul3A_293 = arith.mulf %add3A_290, %mul3A_292 : vector<16xf32>
        %max3A_294 = arith.maximumf %add3A_290, %mul3A_293 : vector<16xf32>
        %get3A_295 = arith.constant 7 : i32
        %get3A_296 = arith.index_cast %get3A_295 : i32 to index
        %get3A_297 = arith.constant 0 : index
        %get3A_298 = tpu.vector_load %arg10[%get3A_296, %get3A_297] {strides = array<i32>} : memref<8x16xf32, #tpu.memory_space<vmem>>, vector<16xf32>,
        %mul3A_299 = arith.mulf %get3A_298, %max3A_294 : vector<16xf32>
        %add3A_300 = arith.addf %add3A_283, %mul3A_299 : vector<16xf32>
        %reduce_sum3A = arith.constant true
        %reduce_sum3A_301 = vector.broadcast %reduce_sum3A : i1 to vector<16xi1>
        %reduce_sum3A_302 = tpu.scan <sum>, %add3A_300 masked %reduce_sum3A_301 : vector<16xf32>, vector<16xi1> -> vector<16xf32>
        %reduce_sum3A_303 = vector.extract %reduce_sum3A_302[15] : f32 from vector<16xf32>
        %broadcast_in_dim3A_304 = vector.broadcast %reduce_sum3A_303 : f32 to vector<16xf32>
        %exp3A = math.exp %broadcast_in_dim3A_304 : vector<16xf32>
        %get3A_305 = arith.index_cast %sub3A_165 : i32 to index
        %get3A_306 = arith.constant 0 : index
        %get3A_307 = tpu.vector_load %arg23[%get3A_305, %get3A_306] {strides = array<i32>} : memref<328x144xf32, #tpu.memory_space<vmem>>, vector<16xf32>,
        %get3A_308 = arith.index_cast %scan3A_162 : i32 to index
        %get3A_309 = arith.constant 0 : index
        %get3A_310 = tpu.vector_load %arg18[%get3A_308, %get3A_309] {strides = array<i32>} : memref<32x128xf32, #tpu.memory_space<vmem>>, vector<16xf32>,
        %mul3A_311 = arith.mulf %get3A_310, %exp3A : vector<16xf32>
        %add3A_312 = arith.addf %get3A_307, %mul3A_311 : vector<16xf32>
        %swap3A = arith.index_cast %sub3A_165 : i32 to index
        %swap3A_313 = arith.constant 0 : index
        %swap3A_314 = tpu.vector_load %arg23[%swap3A, %swap3A_313] {strides = array<i32>} : memref<328x144xf32, #tpu.memory_space<vmem>>, vector<16xf32>,
        tpu.vector_store %arg23[%swap3A, %swap3A_313], %add3A_312 {strides = array<i32>} : memref<328x144xf32, #tpu.memory_space<vmem>>, vector<16xf32>,
        %get3A_315 = arith.index_cast %sub3A_165 : i32 to index
        %get3A_316 = arith.constant 16 : index
        %get3A_317 = tpu.vector_load %arg23[%get3A_315, %get3A_316] {strides = array<i32>} : memref<328x144xf32, #tpu.memory_space<vmem>>, vector<16xf32>,
        %get3A_318 = arith.index_cast %scan3A_162 : i32 to index
        %get3A_319 = arith.constant 16 : index
        %get3A_320 = tpu.vector_load %arg18[%get3A_318, %get3A_319] {strides = array<i32>} : memref<32x128xf32, #tpu.memory_space<vmem>>, vector<16xf32>,
        %mul3A_321 = arith.mulf %get3A_320, %exp3A : vector<16xf32>
        %add3A_322 = arith.addf %get3A_317, %mul3A_321 : vector<16xf32>
        %swap3A_323 = arith.index_cast %sub3A_165 : i32 to index
        %swap3A_324 = arith.constant 16 : index
        %swap3A_325 = tpu.vector_load %arg23[%swap3A_323, %swap3A_324] {strides = array<i32>} : memref<328x144xf32, #tpu.memory_space<vmem>>, vector<16xf32>,
        tpu.vector_store %arg23[%swap3A_323, %swap3A_324], %add3A_322 {strides = array<i32>} : memref<328x144xf32, #tpu.memory_space<vmem>>, vector<16xf32>,
        %get3A_326 = arith.index_cast %sub3A_165 : i32 to index
        %get3A_327 = arith.constant 32 : index
        %get3A_328 = tpu.vector_load %arg23[%get3A_326, %get3A_327] {strides = array<i32>} : memref<328x144xf32, #tpu.memory_space<vmem>>, vector<16xf32>,
        %get3A_329 = arith.index_cast %scan3A_162 : i32 to index
        %get3A_330 = arith.constant 32 : index
        %get3A_331 = tpu.vector_load %arg18[%get3A_329, %get3A_330] {strides = array<i32>} : memref<32x128xf32, #tpu.memory_space<vmem>>, vector<16xf32>,
        %mul3A_332 = arith.mulf %get3A_331, %exp3A : vector<16xf32>
        %add3A_333 = arith.addf %get3A_328, %mul3A_332 : vector<16xf32>
        %swap3A_334 = arith.index_cast %sub3A_165 : i32 to index
        %swap3A_335 = arith.constant 32 : index
        %swap3A_336 = tpu.vector_load %arg23[%swap3A_334, %swap3A_335] {strides = array<i32>} : memref<328x144xf32, #tpu.memory_space<vmem>>, vector<16xf32>,
        tpu.vector_store %arg23[%swap3A_334, %swap3A_335], %add3A_333 {strides = array<i32>} : memref<328x144xf32, #tpu.memory_space<vmem>>, vector<16xf32>,
        %get3A_337 = arith.index_cast %sub3A_165 : i32 to index
        %get3A_338 = arith.constant 48 : index
        %get3A_339 = tpu.vector_load %arg23[%get3A_337, %get3A_338] {strides = array<i32>} : memref<328x144xf32, #tpu.memory_space<vmem>>, vector<16xf32>,
        %get3A_340 = arith.index_cast %scan3A_162 : i32 to index
        %get3A_341 = arith.constant 48 : index
        %get3A_342 = tpu.vector_load %arg18[%get3A_340, %get3A_341] {strides = array<i32>} : memref<32x128xf32, #tpu.memory_space<vmem>>, vector<16xf32>,
        %mul3A_343 = arith.mulf %get3A_342, %exp3A : vector<16xf32>
        %add3A_344 = arith.addf %get3A_339, %mul3A_343 : vector<16xf32>
        %swap3A_345 = arith.index_cast %sub3A_165 : i32 to index
        %swap3A_346 = arith.constant 48 : index
        %swap3A_347 = tpu.vector_load %arg23[%swap3A_345, %swap3A_346] {strides = array<i32>} : memref<328x144xf32, #tpu.memory_space<vmem>>, vector<16xf32>,
        tpu.vector_store %arg23[%swap3A_345, %swap3A_346], %add3A_344 {strides = array<i32>} : memref<328x144xf32, #tpu.memory_space<vmem>>, vector<16xf32>,
        %get3A_348 = arith.index_cast %sub3A_165 : i32 to index
        %get3A_349 = arith.constant 64 : index
        %get3A_350 = tpu.vector_load %arg23[%get3A_348, %get3A_349] {strides = array<i32>} : memref<328x144xf32, #tpu.memory_space<vmem>>, vector<16xf32>,
        %get3A_351 = arith.index_cast %scan3A_162 : i32 to index
        %get3A_352 = arith.constant 64 : index
        %get3A_353 = tpu.vector_load %arg18[%get3A_351, %get3A_352] {strides = array<i32>} : memref<32x128xf32, #tpu.memory_space<vmem>>, vector<16xf32>,
        %mul3A_354 = arith.mulf %get3A_353, %exp3A : vector<16xf32>
        %add3A_355 = arith.addf %get3A_350, %mul3A_354 : vector<16xf32>
        %swap3A_356 = arith.index_cast %sub3A_165 : i32 to index
        %swap3A_357 = arith.constant 64 : index
        %swap3A_358 = tpu.vector_load %arg23[%swap3A_356, %swap3A_357] {strides = array<i32>} : memref<328x144xf32, #tpu.memory_space<vmem>>, vector<16xf32>,
        tpu.vector_store %arg23[%swap3A_356, %swap3A_357], %add3A_355 {strides = array<i32>} : memref<328x144xf32, #tpu.memory_space<vmem>>, vector<16xf32>,
        %get3A_359 = arith.index_cast %sub3A_165 : i32 to index
        %get3A_360 = arith.constant 80 : index
        %get3A_361 = tpu.vector_load %arg23[%get3A_359, %get3A_360] {strides = array<i32>} : memref<328x144xf32, #tpu.memory_space<vmem>>, vector<16xf32>,
        %get3A_362 = arith.index_cast %scan3A_162 : i32 to index
        %get3A_363 = arith.constant 80 : index
        %get3A_364 = tpu.vector_load %arg18[%get3A_362, %get3A_363] {strides = array<i32>} : memref<32x128xf32, #tpu.memory_space<vmem>>, vector<16xf32>,
        %mul3A_365 = arith.mulf %get3A_364, %exp3A : vector<16xf32>
        %add3A_366 = arith.addf %get3A_361, %mul3A_365 : vector<16xf32>
        %swap3A_367 = arith.index_cast %sub3A_165 : i32 to index
        %swap3A_368 = arith.constant 80 : index
        %swap3A_369 = tpu.vector_load %arg23[%swap3A_367, %swap3A_368] {strides = array<i32>} : memref<328x144xf32, #tpu.memory_space<vmem>>, vector<16xf32>,
        tpu.vector_store %arg23[%swap3A_367, %swap3A_368], %add3A_366 {strides = array<i32>} : memref<328x144xf32, #tpu.memory_space<vmem>>, vector<16xf32>,
        %get3A_370 = arith.index_cast %sub3A_165 : i32 to index
        %get3A_371 = arith.constant 96 : index
        %get3A_372 = tpu.vector_load %arg23[%get3A_370, %get3A_371] {strides = array<i32>} : memref<328x144xf32, #tpu.memory_space<vmem>>, vector<16xf32>,
        %get3A_373 = arith.index_cast %scan3A_162 : i32 to index
        %get3A_374 = arith.constant 96 : index
        %get3A_375 = tpu.vector_load %arg18[%get3A_373, %get3A_374] {strides = array<i32>} : memref<32x128xf32, #tpu.memory_space<vmem>>, vector<16xf32>,
        %mul3A_376 = arith.mulf %get3A_375, %exp3A : vector<16xf32>
        %add3A_377 = arith.addf %get3A_372, %mul3A_376 : vector<16xf32>
        %swap3A_378 = arith.index_cast %sub3A_165 : i32 to index
        %swap3A_379 = arith.constant 96 : index
        %swap3A_380 = tpu.vector_load %arg23[%swap3A_378, %swap3A_379] {strides = array<i32>} : memref<328x144xf32, #tpu.memory_space<vmem>>, vector<16xf32>,
        tpu.vector_store %arg23[%swap3A_378, %swap3A_379], %add3A_377 {strides = array<i32>} : memref<328x144xf32, #tpu.memory_space<vmem>>, vector<16xf32>,
        %get3A_381 = arith.index_cast %sub3A_165 : i32 to index
        %get3A_382 = arith.constant 112 : index
        %get3A_383 = tpu.vector_load %arg23[%get3A_381, %get3A_382] {strides = array<i32>} : memref<328x144xf32, #tpu.memory_space<vmem>>, vector<16xf32>,
        %get3A_384 = arith.index_cast %scan3A_162 : i32 to index
        %get3A_385 = arith.constant 112 : index
        %get3A_386 = tpu.vector_load %arg18[%get3A_384, %get3A_385] {strides = array<i32>} : memref<32x128xf32, #tpu.memory_space<vmem>>, vector<16xf32>,
        %mul3A_387 = arith.mulf %get3A_386, %exp3A : vector<16xf32>
        %add3A_388 = arith.addf %get3A_383, %mul3A_387 : vector<16xf32>
        %swap3A_389 = arith.index_cast %sub3A_165 : i32 to index
        %swap3A_390 = arith.constant 112 : index
        %swap3A_391 = tpu.vector_load %arg23[%swap3A_389, %swap3A_390] {strides = array<i32>} : memref<328x144xf32, #tpu.memory_space<vmem>>, vector<16xf32>,
        tpu.vector_store %arg23[%swap3A_389, %swap3A_390], %add3A_388 {strides = array<i32>} : memref<328x144xf32, #tpu.memory_space<vmem>>, vector<16xf32>,
        %get3A_392 = arith.index_cast %sub3A_165 : i32 to index
        %get3A_393 = arith.constant 128 : index
        %get3A_394 = tpu.vector_load %arg23[%get3A_392, %get3A_393] {strides = array<i32>} : memref<328x144xf32, #tpu.memory_space<vmem>>, vector<16xf32>,
        %mul3A_395 = arith.mulf %exp3A, %select_n3A : vector<16xf32>
        %add3A_396 = arith.addf %get3A_394, %mul3A_395 : vector<16xf32>
        %swap3A_397 = arith.index_cast %sub3A_165 : i32 to index
        %swap3A_398 = arith.constant 128 : index
        %swap3A_399 = tpu.vector_load %arg23[%swap3A_397, %swap3A_398] {strides = array<i32>} : memref<328x144xf32, #tpu.memory_space<vmem>>, vector<16xf32>,
        tpu.vector_store %arg23[%swap3A_397, %swap3A_398], %add3A_396 {strides = array<i32>} : memref<328x144xf32, #tpu.memory_space<vmem>>, vector<16xf32>,
      }
      %scan3A_161 = arith.constant 32 : i32
    }
    "tpu.region"() ({
      %run_scoped3A = tpu.sem_alloc : memref<!tpu.dma_semaphore, #tpu.memory_space<semaphore_mem>>
      %dma_start3A_100 = arith.constant 0 : i32
      %dma_start3A_101 = arith.constant 0 : i32
      %dma_start3A_102 = tpu.memref_slice %arg23[%dma_start3A_100, %dma_start3A_101] : memref<328x144xf32, #tpu.memory_space<vmem>> -> memref<320x144xf32, #tpu.memory_space<vmem>>
      %dma_start3A_103 = arith.constant 0 : i32
      %dma_start3A_104 = tpu.memref_slice %arg7[%mul3A_2, %dma_start3A_103] : memref<10240x144xf32, #tpu.memory_space<hbm>> -> memref<320x144xf32, #tpu.memory_space<hbm>>
      %dma_start3A_105 = arith.constant 0 : i32
      %dma_start3A_106 = tpu.memref_slice %arg7[%mul3A_2, %dma_start3A_105] : memref<10240x144xf32, #tpu.memory_space<hbm>> -> memref<320x144xf32, #tpu.memory_space<hbm>>
      %dma_start3A_107 = arith.constant 0 : i32
      %dma_start3A_108 = arith.constant 0 : i32
      %dma_start3A_109 = tpu.memref_slice %arg23[%dma_start3A_107, %dma_start3A_108] : memref<328x144xf32, #tpu.memory_space<vmem>> -> memref<320x144xf32, #tpu.memory_space<vmem>>
      tpu.enqueue_dma source(%dma_start3A_109 : memref<320x144xf32, #tpu.memory_space<vmem>>) target(%dma_start3A_106 : memref<320x144xf32, #tpu.memory_space<hbm>>) target_semaphore(%run_scoped3A : memref<!tpu.dma_semaphore, #tpu.memory_space<semaphore_mem>>)
      %dma_wait3A = arith.constant 0 : i32
      %dma_wait3A_110 = arith.constant 0 : i32
      %dma_wait3A_111 = tpu.memref_slice %arg23[%dma_wait3A, %dma_wait3A_110] : memref<328x144xf32, #tpu.memory_space<vmem>> -> memref<320x144xf32, #tpu.memory_space<vmem>>
      %dma_wait3A_112 = arith.constant 0 : i32
      %dma_wait3A_113 = tpu.memref_slice %arg7[%mul3A_2, %dma_wait3A_112] : memref<10240x144xf32, #tpu.memory_space<hbm>> -> memref<320x144xf32, #tpu.memory_space<hbm>>
      %dma_wait3A_114 = arith.constant 0 : i32
      %dma_wait3A_115 = tpu.memref_slice %arg7[%mul3A_2, %dma_wait3A_114] : memref<10240x144xf32, #tpu.memory_space<hbm>> -> memref<320x144xf32, #tpu.memory_space<hbm>>
      %dma_wait3A_116 = arith.constant 0 : i32
      %dma_wait3A_117 = arith.constant 0 : i32
      %dma_wait3A_118 = tpu.memref_slice %arg23[%dma_wait3A_116, %dma_wait3A_117] : memref<328x144xf32, #tpu.memory_space<vmem>> -> memref<320x144xf32, #tpu.memory_space<vmem>>
      tpu.wait_dma2 semaphore(%run_scoped3A : memref<!tpu.dma_semaphore, #tpu.memory_space<semaphore_mem>>) src(%dma_wait3A_118 : memref<320x144xf32, #tpu.memory_space<vmem>>) dst(%dma_wait3A_115 : memref<320x144xf32, #tpu.memory_space<hbm>>)
      tpu.yield
    }) : () -> ()
    return
  }
}

module attributes {stable_mosaic.version = 14 : i64} {
  func.func @_proj_body(%arg0: i32, %arg1: memref<2000x128xf32, #tpu.memory_space<vmem>>, %arg2: memref<128x128xf32, #tpu.memory_space<vmem>>, %arg3: memref<128x128xf32, #tpu.memory_space<vmem>>, %arg4: memref<2000x128xf32, #tpu.memory_space<vmem>>, %arg5: memref<2000x128xf32, #tpu.memory_space<vmem>>) attributes {dimension_semantics = [#tpu.dimension_semantics<arbitrary>], iteration_bounds = array<i64: 5>, scalar_prefetch = 0 : i64, scratch_operands = 0 : i64, tpu.core_type = #tpu.core_type<tc>, window_params = [{transform_indices = @transform_0, window_bounds = array<i64: 2000, 128>}, {pipeline_mode = #tpu.pipeline_mode<synchronous>, transform_indices = @transform_1, window_bounds = array<i64: 128, 128>}, {pipeline_mode = #tpu.pipeline_mode<synchronous>, transform_indices = @transform_2, window_bounds = array<i64: 128, 128>}, {transform_indices = @transform_3, window_bounds = array<i64: 2000, 128>}, {transform_indices = @transform_4, window_bounds = array<i64: 2000, 128>}]} {
    %get3A = arith.constant 0 : index
    %get3A_0 = arith.constant 0 : index
    %get3A_1 = vector.load %arg1[%get3A, %get3A_0] : memref<2000x128xf32, #tpu.memory_space<vmem>>, vector<2000x128xf32>
    %get3A_2 = arith.constant 0 : index
    %get3A_3 = arith.constant 0 : index
    %get3A_4 = vector.load %arg2[%get3A_2, %get3A_3] : memref<128x128xf32, #tpu.memory_space<vmem>>, vector<128x128xf32>
    %dot_general3A = arith.constant dense<0.000000e+00> : vector<2000x128xf32>
    %dot_general3A_5 = tpu.matmul %get3A_1, %get3A_4, %dot_general3A {dimension_numbers = #tpu.dot_dimension_numbers<[1], [0], [0], [1], [0, 0, 1, 1], [], []>, transpose_lhs_hint = false} : vector<2000x128xf32>, vector<128x128xf32>, vector<2000x128xf32> -> vector<2000x128xf32>
    %swap3A = arith.constant 0 : index
    %swap3A_6 = arith.constant 0 : index
    %swap3A_7 = vector.load %arg4[%swap3A, %swap3A_6] : memref<2000x128xf32, #tpu.memory_space<vmem>>, vector<2000x128xf32>
    tpu.vector_store %arg4[%swap3A, %swap3A_6], %dot_general3A_5 {strides = array<i32>} : memref<2000x128xf32, #tpu.memory_space<vmem>>, vector<2000x128xf32>,
    %get3A_8 = arith.constant 0 : index
    %get3A_9 = arith.constant 0 : index
    %get3A_10 = vector.load %arg3[%get3A_8, %get3A_9] : memref<128x128xf32, #tpu.memory_space<vmem>>, vector<128x128xf32>
    %dot_general3A_11 = arith.constant dense<0.000000e+00> : vector<2000x128xf32>
    %dot_general3A_12 = tpu.matmul %get3A_1, %get3A_10, %dot_general3A_11 {dimension_numbers = #tpu.dot_dimension_numbers<[1], [0], [0], [1], [0, 0, 1, 1], [], []>, transpose_lhs_hint = false} : vector<2000x128xf32>, vector<128x128xf32>, vector<2000x128xf32> -> vector<2000x128xf32>
    %swap3A_13 = arith.constant 0 : index
    %swap3A_14 = arith.constant 0 : index
    %swap3A_15 = vector.load %arg5[%swap3A_13, %swap3A_14] : memref<2000x128xf32, #tpu.memory_space<vmem>>, vector<2000x128xf32>
    tpu.vector_store %arg5[%swap3A_13, %swap3A_14], %dot_general3A_12 {strides = array<i32>} : memref<2000x128xf32, #tpu.memory_space<vmem>>, vector<2000x128xf32>,
    return
  }
  func.func @transform_0(%arg0: i32) -> (i32, i32) {
    %c0_i32 = arith.constant 0 : i32
    %c0_i32_0 = arith.constant 0 : i32
    return %arg0, %c0_i32 : i32, i32
  }
  func.func @transform_1(%arg0: i32) -> (i32, i32) {
    %c0_i32 = arith.constant 0 : i32
    %c0_i32_0 = arith.constant 0 : i32
    %c0_i32_1 = arith.constant 0 : i32
    return %c0_i32, %c0_i32_0 : i32, i32
  }
  func.func @transform_2(%arg0: i32) -> (i32, i32) {
    %c0_i32 = arith.constant 0 : i32
    %c0_i32_0 = arith.constant 0 : i32
    %c0_i32_1 = arith.constant 0 : i32
    return %c0_i32, %c0_i32_0 : i32, i32
  }
  func.func @transform_3(%arg0: i32) -> (i32, i32) {
    %c0_i32 = arith.constant 0 : i32
    %c0_i32_0 = arith.constant 0 : i32
    return %arg0, %c0_i32 : i32, i32
  }
  func.func @transform_4(%arg0: i32) -> (i32, i32) {
    %c0_i32 = arith.constant 0 : i32
    %c0_i32_0 = arith.constant 0 : i32
    return %arg0, %c0_i32 : i32, i32
  }
}

module attributes {stable_mosaic.version = 14 : i64} {
  func.func @_fin_body(%arg0: i32, %arg1: memref<1000x144xf32, #tpu.memory_space<vmem>>, %arg2: memref<1x128xf32, #tpu.memory_space<vmem>>, %arg3: memref<1000x128xf32, #tpu.memory_space<vmem>>) attributes {dimension_semantics = [#tpu.dimension_semantics<arbitrary>], iteration_bounds = array<i64: 10>, scalar_prefetch = 0 : i64, scratch_operands = 0 : i64, tpu.core_type = #tpu.core_type<tc>, window_params = [{transform_indices = @transform_0, window_bounds = array<i64: 1000, 144>}, {pipeline_mode = #tpu.pipeline_mode<synchronous>, transform_indices = @transform_1, window_bounds = array<i64: 1, 128>}, {transform_indices = @transform_2, window_bounds = array<i64: 1000, 128>}]} {
    %get3A = arith.constant 0 : index
    %get3A_0 = arith.constant 0 : index
    %get3A_1 = vector.load %arg1[%get3A, %get3A_0] : memref<1000x144xf32, #tpu.memory_space<vmem>>, vector<1000x128xf32>
    %get3A_2 = arith.constant 0 : index
    %get3A_3 = arith.constant 128 : index
    %get3A_4 = vector.load %arg1[%get3A_2, %get3A_3] : memref<1000x144xf32, #tpu.memory_space<vmem>>, vector<1000x1xf32>
    %add3A = arith.constant 9.99999971E-10 : f32
    %add3A_5 = vector.broadcast %add3A : f32 to vector<1000x1xf32>
    %add3A_6 = arith.addf %get3A_4, %add3A_5 : vector<1000x1xf32>
    %div3A = vector.broadcast %add3A_6 : vector<1000x1xf32> to vector<1000x128xf32>
    %div3A_7 = arith.divf %get3A_1, %div3A : vector<1000x128xf32>
    %get3A_8 = arith.constant 0 : index
    %get3A_9 = arith.constant 0 : index
    %get3A_10 = vector.load %arg2[%get3A_8, %get3A_9] : memref<1x128xf32, #tpu.memory_space<vmem>>, vector<1x128xf32>
    %add3A_11 = vector.broadcast %get3A_10 : vector<1x128xf32> to vector<1000x128xf32>
    %add3A_12 = arith.addf %div3A_7, %add3A_11 : vector<1000x128xf32>
    %swap3A = arith.constant 0 : index
    %swap3A_13 = arith.constant 0 : index
    %swap3A_14 = vector.load %arg3[%swap3A, %swap3A_13] : memref<1000x128xf32, #tpu.memory_space<vmem>>, vector<1000x128xf32>
    tpu.vector_store %arg3[%swap3A, %swap3A_13], %add3A_12 {strides = array<i32>} : memref<1000x128xf32, #tpu.memory_space<vmem>>, vector<1000x128xf32>,
    return
  }
  func.func @transform_0(%arg0: i32) -> (i32, i32) {
    %c0_i32 = arith.constant 0 : i32
    %c0_i32_0 = arith.constant 0 : i32
    return %arg0, %c0_i32 : i32, i32
  }
  func.func @transform_1(%arg0: i32) -> (i32, i32) {
    %c0_i32 = arith.constant 0 : i32
    %c0_i32_0 = arith.constant 0 : i32
    %c0_i32_1 = arith.constant 0 : i32
    return %c0_i32, %c0_i32_0 : i32, i32
  }
  func.func @transform_2(%arg0: i32) -> (i32, i32) {
    %c0_i32 = arith.constant 0 : i32
    %c0_i32_0 = arith.constant 0 : i32
    return %arg0, %c0_i32 : i32, i32
  }
}

</mosaic_0001>

<sc_bundles>
// kernel: kernel.5.cloned.1.call-start
scs
__scs_entry_jumppad:
0x0: {  	(pc) =	sbr.rel $0x88, $3  }
0x1: {  	(tag) =	ssettag $0x0;
	lr =	simm.s32 $0x1  }
0x2: {  	[smem:$0x3F9B] =	sst lr;
	_ =	strace $0xD0000000  }
0x3: {  	_ = 	snop  }
0x4: {  	_ = 	snop  }
0x5: {  	_ = 	snop  }
0x6: {  	_ = 	snop  }
0x7: {  	_ = 	snop  }
__scs_overlays_trampoline_lowered:
0x8: {  	[smem:$0x3FAA] =	sst s0  }
0x9: {  	[smem:$0x3FAB] =	sst s1  }
0xa: {  	[smem:$0x3FAC] =	sst s2  }
0xb: {  	[smem:$0x3FAD] =	sst s3  }
0xc: {  	[smem:$0x3FAE] =	sst s4  }
0xd: {  	[smem:$0x3FAF] =	sst s5  }
0xe: {  	[smem:$0x3FB0] =	sst s6  }
0xf: {  	[smem:$0x3FB1] =	sst s7  }
0x10: {  	[smem:$0x3FB2] =	sst s8  }
0x11: {  	[smem:$0x3FB3] =	sst s9;
	s0 =	simm.s32 @!p0 $0x0  }
0x12: {  	s1 =	sld [smem:$0x3F99];
	s0 =	simm.s32 @p0 $0x1  }
0x13: {  	[smem:$0x3FB4] =	sst s0;
	s0 =	simm.s32 @!p1 $0x0  }
0x14: {  	s2 =	sld [smem:$0x3F98];
	s0 =	simm.s32 @p1 $0x1  }
0x15: {  	[smem:$0x3FB5] =	sst s0;
	s0 =	simm.s32 @!p2 $0x0  }
0x16: {  	s3 =	sld [smem:$0x3FDB];
	s0 =	simm.s32 @p2 $0x1  }
0x17: {  	s4 =	simm.s32 $0x1BF5;
	[smem:$0x3FB7] =	sst s0  }
0x18: {  	s0 =	sld [smem:$0x3F9A];
	_ =	swait.ge [sflag:s4], $0x0  }
0x19: {  	s7 =	sld [smem:$0x3F9B]  }
0x1a: {  	s8 =	sadd.s32 $0xFFFFE003, lr  }
0x1b: {  	s9 =	sadd.s32 $0xFFFFFEF7, lr;
	s5 =	simm.s32 $0xFFFFFFFF;
	p2 =	slt.u32 s8, $0xFFFFF086  }
0x1c: {  	p1 =	slt.u32 s9, $0xF7A;
	s5 =	simm.s32 @!p2 $0x0  }
0x1d: {  	s5 =	simm.s32 @p1 $0x1;
	p0 =	seq.s32 s7, s2  }
0x1e: {  	s7 =	smul.u32 @!p0 $0xF7A, s2;
	p2 =	seq.s32 @!p0 s5, $0x0  }
0x1f: {  	s9 =	smul.u32 $0xF7A, s1;
	s8 =	simm.s32 @!p0 $0x1BF5;
	p2 =	por !p2, p0  }
0x20: {  	[sflag:s8] =	ssyncset.s32 @!p0 $0xFFFFF086;
	s6 =	sadd.s32 @!p0 s3, s7;
	s7 =	simm.s32 @!p0 $0x108  }
0x21: {  	s3 =	sadd.s32 s3, s9;
	s6 =	sadd.s32 @!p0 $0x88, s6;
	s7 =	simm.s32 @p2 $0x1082  }
0x22: {  	[simem:s7], [sflag:s8] =	dma.local @!p0 [hbm:s6], $0xF7A  }
0x23: {  	s9 =	sor.u32 $0xD0000000, s2;
	s6 =	simm.s32 $0x108;
	_ =	swait.ge @!p0 [sflag:s8], $0x0  }
0x24: {  	s3 =	sadd.s32 $0x88, s3;
	s6 =	simm.s32 @!p1 $0x1082;
	[sflag:s4] =	ssyncset.s32 $0xFFFFF086  }
0x25: {  	[simem:s6], [sflag:s4] =	dma.local [hbm:s3], $0xF7A  }
0x26: {  	[smem:$0x3F9B] =	sst s1;
	(tag) =	ssettag s2;
	_ =	strace s9  }
0x27: {  	s1 =	sld [smem:$0x3FAB]  }
0x28: {  	s2 =	sld [smem:$0x3FAC]  }
0x29: {  	s4 =	sld [smem:$0x3FAE]  }
0x2a: {  	p0 =	seq.s32 s5, $0x0;
	s5 =	sld [smem:$0x3FAF]  }
0x2b: {  	s6 =	sld [smem:$0x3FB0]  }
0x2c: {  	s7 =	sld [smem:$0x3FB1]  }
0x2d: {  	s3 =	simm.s32 $0x108;
	s8 =	sld [smem:$0x3FB2]  }
0x2e: {  	s3 =	simm.s32 @!p0 $0x1082;
	s9 =	sld [smem:$0x3FB3]  }
0x2f: {  	lr =	sadd.s32 s0, s3;
	s0 =	sld [smem:$0x3FAA]  }
0x30: {  	s3 =	sld [smem:$0x3FAD]  }
0x31: {  	[smem:$0x3FB6] =	sst s10  }
0x32: {  	s10 =	sld [smem:$0x3FB4];
	_ =	sdelay $0x3  }
0x33: {  	p0 =	seq.s32 s10, $0x1;
	s10 =	sld [smem:$0x3FB6];
	_ =	sdelay $0x3  }
0x34: {  	[smem:$0x3FB6] =	sst s10  }
0x35: {  	s10 =	sld [smem:$0x3FB5];
	_ =	sdelay $0x3  }
0x36: {  	p1 =	seq.s32 s10, $0x1;
	s10 =	sld [smem:$0x3FB6];
	_ =	sdelay $0x3  }
0x37: {  	[smem:$0x3FB6] =	sst s10  }
0x38: {  	s10 =	sld [smem:$0x3FB7]  }
0x39: {  	_ = 	snop;
	(pc) =	sbr.ind lr, $3  }
0x3a: {  	_ = 	snop  }
0x3b: {  	_ = 	snop  }
0x3c: {  	p2 =	seq.s32 s10, $0x1;
	s10 =	sld [smem:$0x3FB6]  }
0x3d: {  	_ =	shalt  }
0x3e: {  	_ =	shalt  }
0x3f: {  	_ =	shalt  }
0x40: {  	_ =	shalt  }
0x41: {  	_ =	shalt  }
0x42: {  	_ =	shalt  }
0x43: {  	_ =	shalt  }
0x44: {  	_ =	shalt  }
0x45: {  	_ =	shalt  }
0x46: {  	_ =	shalt  }
0x47: {  	_ =	shalt  }
0x48: {  	_ =	shalt  }
0x49: {  	_ =	shalt  }
0x4a: {  	_ =	shalt  }
0x4b: {  	_ =	shalt  }
0x4c: {  	_ =	shalt  }
0x4d: {  	_ =	shalt  }
0x4e: {  	_ =	shalt  }
0x4f: {  	_ =	shalt  }
0x50: {  	_ =	shalt  }
0x51: {  	_ =	shalt  }
0x52: {  	_ =	shalt  }
0x53: {  	_ =	shalt  }
0x54: {  	_ =	shalt  }
0x55: {  	_ =	shalt  }
0x56: {  	_ =	shalt  }
0x57: {  	_ =	shalt  }
0x58: {  	_ =	shalt  }
0x59: {  	_ =	shalt  }
0x5a: {  	_ =	shalt  }
0x5b: {  	_ =	shalt  }
0x5c: {  	_ =	shalt  }
0x5d: {  	_ =	shalt  }
0x5e: {  	_ =	shalt  }
0x5f: {  	_ =	shalt  }
0x60: {  	_ =	shalt  }
0x61: {  	_ =	shalt  }
0x62: {  	_ =	shalt  }
0x63: {  	_ =	shalt  }
0x64: {  	_ =	shalt  }
0x65: {  	_ =	shalt  }
0x66: {  	_ =	shalt  }
0x67: {  	_ =	shalt  }
0x68: {  	_ =	shalt  }
0x69: {  	_ =	shalt  }
0x6a: {  	_ =	shalt  }
0x6b: {  	_ =	shalt  }
0x6c: {  	_ =	shalt  }
0x6d: {  	_ =	shalt  }
0x6e: {  	_ =	shalt  }
0x6f: {  	_ =	shalt  }
0x70: {  	_ =	shalt  }
0x71: {  	_ =	shalt  }
0x72: {  	_ =	shalt  }
0x73: {  	_ =	shalt  }
0x74: {  	_ =	shalt  }
0x75: {  	_ =	shalt  }
0x76: {  	_ =	shalt  }
0x77: {  	_ =	shalt  }
0x78: {  	_ =	shalt  }
0x79: {  	_ =	shalt  }
0x7a: {  	_ =	shalt  }
0x7b: {  	_ =	shalt  }
0x7c: {  	_ =	shalt  }
0x7d: {  	_ =	shalt  }
0x7e: {  	_ =	shalt  }
0x7f: {  	_ =	shalt  }
0x80: {  	_ =	shalt  }
0x81: {  	_ =	shalt  }
0x82: {  	_ =	shalt  }
0x83: {  	_ =	shalt  }
0x84: {  	_ =	shalt  }
0x85: {  	_ =	shalt  }
0x86: {  	_ =	shalt  }
0x87: {  	_ =	shalt  }
.Lfunc_end0:
.L_simem_size_0:
called_computation_lowered:
.L_overlay_start_0:
0x88: {  	s2 =	sld [smem:$0x3FD9]  }
0x89: {  	s3 =	sld [smem:$0x3FFE];
	_ =	sdelay $0x1  }
0x8a: {  	s1 =	srdreg.scid  }
0x8b: {  	s0 =	sand.u32 $0x1, s1  }
0x8c: {  	s17 =	sshll.u32 s0, $0xA;
	s2 =	sadd.s32 s3, s2  }
0x8d: {  	s2 =	sadd.s32 s2, s17  }
0x8e: {  	[smem:$0x3FC2] =	sst s2  }
0x8f: {  	_ = 	snop  }
0x90: {  	s2 =	sld [smem:$0x3FD0];
	(tm) =	ssettm $0x1  }
0x91: {  	s18 =	sld [smem:$0x3FFB];
	_ =	sdelay $0x3  }
0x92: {  	_ =	strace s18  }
0x93: {  	s3 =	sld [smem:$0x3FFC];
	_ =	sdelay $0x3  }
0x94: {  	_ =	strace s3  }
0x95: {  	s3 =	sld [smem:$0x3FFD];
	_ =	sdelay $0x3  }
0x96: {  	_ =	strace s3  }
0x97: {  	_ =	strace $0x8FFFFFFF  }
0x98: {  	s19 =	sld [smem:$0x3FDB];
	_ =	sdelay $0x1  }
0x99: {  	s4 =	simm.s32 $_scs_section_size  }
0x9a: {  	s5 =	simm.s32 $_size__tile_overlayer_lowered;
	s6 =	simm.s32 $_tile_overlayer_lowered  }
0x9b: {  	s22 =	simm.s32 $0x1BFF;
	s21 =	sshll.u32 s6, $0x1;
	s3 =	sadd.s32 s4, s19  }
0x9c: {  	s7 =	simm.s32 $0x0;
	s20 =	sshll.u32 s5, $0x1;
	s5 =	sadd.s32 s21, s3  }
0x9d: {  	[timem:s7], [sflag:s22] =	dma.local [hbm:s5], s20  }
0x9e: {  	_ =	swait.ge [sflag:s22], s20  }
0x9f: {  	s4 =	ssub.s32 $0x0, s20;
	[sflag:s22] =	ssyncset.done $0x0  }
0xa0: {  	[sflag:s22] =	ssyncadd.s32 s4;
	_ =	sdelay $0x1  }
0xa1: {  	s23 =	simm.s32 $0x1B8B  }
0xa2: {  	_ =	swait.ge [sflag:s23], $0x1  }
0xa3: {  	[sflag:s23] =	ssyncset.done $0x0  }
0xa4: {  	s25 =	simm.s32 $0x1B8E;
	s24 =	sld [smem:$0x3FFE];
	[sflag:s23] =	ssyncadd.s32 $0xFFFFFFFF  }
0xa5: {  	s26 =	simm.s32 $execute0_lowered;
	[smem:$0x3FD2] =	sst s25  }
0xa6: {  	s5 =	sshll.u32 s26, $0x1;
	_ =	strace $0x80000046;
	[dreg:$0x1] =	wrdreg $0xFFFFFFFF  }
0xa7: {  	s28 =	simm.s32 $_size_execute0_lowered;
	s3 =	sadd.s32 s3, s5;
	[dreg:$0x0] =	wrdreg $0x0  }
0xa8: {  	s5 =	sshll.u32 s28, $0x1;
	[dreg:$0x2] =	wrdreg s3  }
0xa9: {  	[dreg:$0x3] =	wrdreg s5  }
0xaa: {  	[dreg:$0x4] =	wrdreg $0xC0  }
0xab: {  	_ =	task [dreg:s7], $0x5FFFF  }
0xac: {  	[dreg:$0x1] =	wrdreg $0xFFFFFFFF  }
0xad: {  	[dreg:$0x0] =	wrdreg $0x60  }
0xae: {  	[dreg:$0x2] =	wrdreg s2  }
0xaf: {  	[dreg:$0x3] =	wrdreg s24  }
0xb0: {  	[dreg:$0x4] =	wrdreg $0x9  }
0xb1: {  	_ =	task.clear_ibuf [dreg:s7], $0x5FFFF;
	_ =	strace $0x90000046  }
0xb2: {  	s29 =	simm.s32 $0x9;
	_ =	strace $0x80000048  }
0xb3: {  	_ =	swait.ge [sflag:s29], $0x1  }
0xb4: {  	[sflag:s29] =	ssyncadd.s32 $0xFFFFFFFF  }
0xb5: {  	_ =	strace $0x90000048  }
0xb6: {  	_ =	sfence  }
0xb7: {  	s30 =	sld [smem:$0x0];
	_ =	sdelay $0x2  }
0xb8: {  	s31 =	sshll.u32 s1, $0xD;
	s1 =	sshrl.u32 s1, $0x2  }
0xb9: {  	s3 =	sand.u32 $0x4000, s31;
	s1 =	sadd.s32 s1, s30  }
0xba: {  	s0 =	sor.u32 s3, s0;
	s1 =	sshll.u32 s1, $0x11  }
0xbb: {  	s0 =	sor.u32 s1, s0  }
0xbc: {  	s0 =	sadd.s32 $0x8F2B, s0  }
0xbd: {  	[sflag:s0] =	ssyncadd.remote.s32 $0x1  }
0xbe: {  	_ =	sfence.sel $0xFFFF  }
0xbf: {  	[dreg:$0x0] =	wrdreg $0xFFFFFFFF;
	(pc) =	sbr.abs _section_cstart, $3  }
0xc0: {  	[dreg:$0x1] =	wrdreg $0xFFFFFFFF  }
0xc1: {  	_ =	task.clear_ibuf [dreg:s7], $0x2FFFF;
	_ =	strace $0x9FFFFFFF  }
0xc2: {  	(tm) =	ssettm $0x7FFFFFFF  }
0xc3: {  	_ =	shalt  }
tec
execute0_lowered:
.L_overlay_start_1:
0x0: {  	(tag) =	ssettag $0x1  }
0x1: {  	s1 =	rddreg [dreg:$0x0]  }
0x2: {  	s0 =	rddreg [dreg:$0x1];
	s3 =	simm.s32 $0x0;
	s2 =	srdreg.scid  }
0x3: {  	s4 =	stileid.u32;
	s12 =	simm.s32 $0x5;
	s13 =	simm.s32 $0x400  }
0x4: {  	s14 =	simm.s32 $0x7780;
	s15 =	simm.s32 $0x7700;
	s16 =	simm.s32 $0x4180  }
0x5: {  	s17 =	simm.s32 $0xC00;
	s18 =	simm.s32 $0x1;
	s21 =	simm.s32 $0x2  }
0x6: {  	s22 =	simm.s32 $0x20;
	s23 =	simm.s32 $0x9800;
	s24 =	simm.s32 $0xA800  }
0x7: {  	s25 =	simm.s32 $0x3;
	[smem:$0x7FF] =	sst s3;
	s2 =	sand.u32 $0x1, s2  }
0x8: {  	s5 =	sshll.u32 s4, $0x1;
	s4 =	sadd.s32 $0x15000, s0;
	s6 =	sadd.s32 $0x1000, s0  }
0x9: {  	s10 =	sadd.s32 $0xE00, s0;
	s7 =	sor.u32 s2, s5;
	s2 =	ssub.s32 $0x2, s2  }
0xa: {  	v2 =	vimm.f32 $0.0e+00;
	v3 =	vlaneseq.u32;
	_ =	strace $0x80000047;
	s8 =	smul.u32 $0x2800, s7;
	s9 =	sshrl.u32 s2, $0x1  }
0xb: {  	v4 =	vimm.s32 $0x0;
	vm0 =	vcmask $0x300;
	v5 =	vor.u32 $0x10, v3;
	s5 =	sadd.s32 $0xB000, s0;
	s7 =	smul.u32 $0x140, s7;
	s2 =	ssub.s32 s2, s9  }
0xc: {  	v6 =	vor.u32 $0x20, v3;
	v7 =	vor.u32 $0x30, v3;
	v8 =	vor.u32 $0x40, v3;
	[dreg:$0x3] =	wrdreg s10;
	s0 =	sadd.s32 s8, s0;
	s31 =	smax.u32 s2, $0x1  }
0xd: {  	v9 =	vor.u32 $0x50, v3;
	v10 =	vor.u32 $0x60, v3;
	v11 =	vor.u32 $0x70, v3;
	s30 =	sadd.s32 $0x140, s7;
	s0 =	sadd.s32 $0x3C200, s0;
	[dreg:$0x5] =	wrdreg s31  }
0xe: {  	s26 =	simm.s32 $0x4;
	s29 =	simm.s32 $0x0;
	v12 =	vsel vm0, $0x3F800000, v2;
	v0 =	vmov s7;
	v1 =	vmov s30;
	[dreg:$0x4] =	wrdreg s0  }
.LBB2_1:
0xf: {  	s0 =	rddreg [dreg:$0x3];
	s2 =	simm.s32 $0x800  }
0x10: {  	[tilespmem:s2], [sflag:$0x5] =	stream.linear.gather [hbm4b:s0+s3], $0x400, $0x38;
	v63 =	vld [tilespmem:$0x0]  }
0x11: {  	_ =	swait.ge [sflag:s12], $0x400  }
0x12: {  	s30 =	sand.u32 $0x1F800, s3;
	s31 =	sand.u32 $0x380, s3;
	[sflag:s12] =	ssyncset.done $0x0  }
0x13: {  	s0 =	sor.u32 s31, s30;
	[sflag:s12] =	ssyncadd.s32 $0xFFFFFC00  }
0x14: {  	[tilespmem:s0+$0xBC00] =	vst v2  }
0x15: {  	[tilespmem:s0+$0xB800] =	vst v2  }
0x16: {  	[tilespmem:s0+$0xB810] =	vst v2  }
0x17: {  	[tilespmem:s0+$0xB820] =	vst v2  }
0x18: {  	[tilespmem:s0+$0xB830] =	vst v2  }
0x19: {  	[tilespmem:s0+$0xB840] =	vst v2  }
0x1a: {  	s8 =	simm.s32 $0x100;
	s2 =	simm.s32 $0x80;
	[tilespmem:s0+$0xB850] =	vst v2  }
0x1b: {  	s9 =	sand.u32 $0x1F800, s8;
	s8 =	simm.s32 $0x200;
	s11 =	sand.u32 $0x380, s2;
	[tilespmem:s0+$0xB860] =	vst v2  }
.LBB2_2:
0x1c: {  	p0 =	sne.s32 s8, $0x14700;
	[tilespmem:s0+$0xB870] =	vst v2;
	s0 =	sor.u32 s11, s9  }
0x1d: {  	[tilespmem:s0+$0xBC00] =	vst v2  }
0x1e: {  	[tilespmem:s0+$0xB800] =	vst v2  }
0x1f: {  	[tilespmem:s0+$0xB810] =	vst v2  }
.Ltmp0:
0x20: {  	[tilespmem:s0+$0xB820] =	vst v2;
	(pc) =	sbr.rel @p0 .LBB2_2-.Ltmp0, $4  }
0x21: {  	[tilespmem:s0+$0xB830] =	vst v2  }
0x22: {  	[tilespmem:s0+$0xB840] =	vst v2  }
0x23: {  	s2 =	sadd.s32 $0x80, s2;
	[tilespmem:s0+$0xB850] =	vst v2  }
0x24: {  	s9 =	sand.u32 $0x1F800, s8;
	s8 =	sadd.s32 $0x100, s8;
	s11 =	sand.u32 $0x380, s2;
	[tilespmem:s0+$0xB860] =	vst v2  }
0x25: {  	s2 =	sor.u32 s11, s9;
	[tilespmem:s0+$0xB870] =	vst v2  }
0x26: {  	[tilespmem:s2+$0xBC00] =	vst v2  }
0x27: {  	[tilespmem:s2+$0xB800] =	vst v2  }
0x28: {  	[tilespmem:s2+$0xB810] =	vst v2  }
0x29: {  	[tilespmem:s2+$0xB820] =	vst v2  }
0x2a: {  	[tilespmem:s2+$0xB830] =	vst v2  }
0x2b: {  	[tilespmem:s2+$0xB840] =	vst v2  }
0x2c: {  	[tilespmem:s2+$0xB850] =	vst v2  }
0x2d: {  	[tilespmem:s2+$0xB860] =	vst v2  }
0x2e: {  	s0 =	simm.s32 $0x0;
	s11 =	simm.s32 $0x0;
	[tilespmem:s2+$0xB870] =	vst v2;
	s2 =	simm.s32 $0x0  }
.LBB2_4:
0x2f: {  	s8 =	sshll.u32 s2, $0x7  }
0x30: {  	s9 =	sadd.s32 s5, s8  }
0x31: {  	[tilespmem:s0], [sflag:$0x5] =	stream.linear.gather [hbm4b:s9+s0], $0x400, $0x38;
	v63 =	vld [tilespmem:$0x0]  }
0x32: {  	_ =	swait.ge [sflag:s12], $0x400  }
0x33: {  	[sflag:s12] =	ssyncset.done $0x0  }
0x34: {  	s8 =	sadd.s32 s6, s8;
	[sflag:s12] =	ssyncadd.s32 $0xFFFFFC00  }
0x35: {  	[tilespmem:s13], [sflag:$0x5] =	stream.linear.gather [hbm4b:s8+s0], $0x400, $0x38;
	v63 =	vld [tilespmem:$0x0]  }
0x36: {  	_ =	swait.ge [sflag:s12], $0x400  }
0x37: {  	[sflag:s12] =	ssyncset.done $0x0  }
0x38: {  	s8 =	simm.s32 $0x0;
	[sflag:s12] =	ssyncadd.s32 $0xFFFFFC00  }
.LBB2_5:
0x39: {  	s9 =	sshra.s32 s8, $0x2  }
0x3a: {  	v13 =	vld [tilespmem:s9+$0x400];
	_ =	sdelay $0x4  }
0x3b: {  	vm0 =	vge.s32 v13, v0;
	vm1 =	vlt.s32 v13, v1  }
0x3c: {  	vm0 =	vmand vm0, vm1  }
0x3d: {  	v14 =	vld [tilespmem:s9+$0x0];
	v15 =	vmpcnt.ones.xlane vm0;
	_ =	sdelay $0x1  }
0x3e: {  	v16 =	vbroadcast v15, $0x0  }
0x3f: {  	v17 =	vadd.s32 s11, v3  }
0x40: {  	vm2 =	vlt.s32 v17, $0x3500;
	[tilespmem:s14+$0x0] =	vst.msk vm0, v13;
	vm15 =	vgt.s32 v16, v3  }
0x41: {  	[tilespmem:s15+$0x0] =	vst.msk vm0, v14;
	vm4 =	vmand vm2, vm15  }
0x42: {  	v13 =	vld [tilespmem:$0x7780];
	_ =	sdelay $0x4  }
0x43: {  	(v2sf) =	vpush v15, $0x0;
	[tilespmem:v17+s16+$0x0] =	vst.idx.msk vm4, v13  }
0x44: {  	v13 =	vld [tilespmem:$0x7700];
	_ =	sdelay $0x4  }
0x45: {  	[tilespmem:v17+s17+$0x0] =	vst.idx.msk vm4, v13  }
0x46: {  	v13 =	vld [tilespmem:s9+$0x410];
	_ =	sdelay $0x4  }
0x47: {  	vm5 =	vge.s32 v13, v0;
	vm6 =	vlt.s32 v13, v1  }
0x48: {  	vm0 =	vmand vm5, vm6  }
0x49: {  	v14 =	vld [tilespmem:s9+$0x10];
	v15 =	vmpcnt.ones.xlane vm0  }
0x4a: {  	s19 =	spop (v2sf)  }
0x4b: {  	s28 =	sadd.s32 s11, s19;
	v50 =	vbroadcast v15, $0x0  }
0x4c: {  	v51 =	vadd.s32 s28, v3  }
0x4d: {  	vm8 =	vlt.s32 v51, $0x3500;
	[tilespmem:s14+$0x0] =	vst.msk vm0, v13;
	vm7 =	vgt.s32 v50, v3  }
0x4e: {  	[tilespmem:s15+$0x0] =	vst.msk vm0, v14;
	vm9 =	vmand vm8, vm7  }
0x4f: {  	v13 =	vld [tilespmem:$0x7780];
	_ =	sdelay $0x4  }
0x50: {  	(v2sf) =	vpush v15, $0x0;
	[tilespmem:v51+s16+$0x0] =	vst.idx.msk vm9, v13  }
0x51: {  	v13 =	vld [tilespmem:$0x7700];
	_ =	sdelay $0x4  }
0x52: {  	[tilespmem:v51+s17+$0x0] =	vst.idx.msk vm9, v13  }
0x53: {  	v13 =	vld [tilespmem:s9+$0x420];
	_ =	sdelay $0x4  }
0x54: {  	vm10 =	vge.s32 v13, v0;
	vm11 =	vlt.s32 v13, v1  }
0x55: {  	vm0 =	vmand vm10, vm11  }
0x56: {  	v14 =	vld [tilespmem:s9+$0x20];
	v15 =	vmpcnt.ones.xlane vm0  }
0x57: {  	s30 =	spop (v2sf)  }
0x58: {  	s11 =	sadd.s32 s28, s30;
	v52 =	vbroadcast v15, $0x0  }
0x59: {  	v53 =	vadd.s32 s11, v3  }
0x5a: {  	vm13 =	vlt.s32 v53, $0x3500;
	[tilespmem:s14+$0x0] =	vst.msk vm0, v13;
	vm12 =	vgt.s32 v52, v3  }
0x5b: {  	[tilespmem:s15+$0x0] =	vst.msk vm0, v14;
	vm14 =	vmand vm13, vm12  }
0x5c: {  	v13 =	vld [tilespmem:$0x7780];
	_ =	sdelay $0x4  }
0x5d: {  	(v2sf) =	vpush v15, $0x0;
	[tilespmem:v53+s16+$0x0] =	vst.idx.msk vm14, v13  }
0x5e: {  	v13 =	vld [tilespmem:$0x7700];
	_ =	sdelay $0x4  }
0x5f: {  	[tilespmem:v53+s17+$0x0] =	vst.idx.msk vm14, v13  }
0x60: {  	v13 =	vld [tilespmem:s9+$0x430];
	_ =	sdelay $0x4  }
0x61: {  	vm15 =	vge.s32 v13, v0;
	vm4 =	vlt.s32 v13, v1  }
0x62: {  	vm0 =	vmand vm15, vm4  }
0x63: {  	v14 =	vld [tilespmem:s9+$0x30];
	v15 =	vmpcnt.ones.xlane vm0  }
0x64: {  	s31 =	spop (v2sf)  }
0x65: {  	s11 =	sadd.s32 s11, s31;
	v54 =	vbroadcast v15, $0x0  }
0x66: {  	v55 =	vadd.s32 s11, v3  }
0x67: {  	vm6 =	vlt.s32 v55, $0x3500;
	[tilespmem:s14+$0x0] =	vst.msk vm0, v13;
	vm5 =	vgt.s32 v54, v3  }
0x68: {  	[tilespmem:s15+$0x0] =	vst.msk vm0, v14;
	vm7 =	vmand vm6, vm5  }
0x69: {  	v13 =	vld [tilespmem:$0x7780];
	_ =	sdelay $0x4  }
0x6a: {  	(v2sf) =	vpush v15, $0x0;
	[tilespmem:v55+s16+$0x0] =	vst.idx.msk vm7, v13  }
0x6b: {  	v13 =	vld [tilespmem:$0x7700];
	_ =	sdelay $0x4  }
0x6c: {  	[tilespmem:v55+s17+$0x0] =	vst.idx.msk vm7, v13  }
0x6d: {  	v13 =	vld [tilespmem:s9+$0x440];
	_ =	sdelay $0x4  }
0x6e: {  	vm8 =	vge.s32 v13, v0;
	vm9 =	vlt.s32 v13, v1  }
0x6f: {  	vm0 =	vmand vm8, vm9  }
0x70: {  	v14 =	vld [tilespmem:s9+$0x40];
	v15 =	vmpcnt.ones.xlane vm0  }
0x71: {  	s10 =	spop (v2sf)  }
0x72: {  	s11 =	sadd.s32 s11, s10;
	v56 =	vbroadcast v15, $0x0  }
0x73: {  	v57 =	vadd.s32 s11, v3  }
0x74: {  	vm11 =	vlt.s32 v57, $0x3500;
	[tilespmem:s14+$0x0] =	vst.msk vm0, v13;
	vm10 =	vgt.s32 v56, v3  }
0x75: {  	[tilespmem:s15+$0x0] =	vst.msk vm0, v14;
	vm12 =	vmand vm11, vm10  }
0x76: {  	v13 =	vld [tilespmem:$0x7780];
	_ =	sdelay $0x4  }
0x77: {  	(v2sf) =	vpush v15, $0x0;
	[tilespmem:v57+s16+$0x0] =	vst.idx.msk vm12, v13  }
0x78: {  	v13 =	vld [tilespmem:$0x7700];
	_ =	sdelay $0x4  }
0x79: {  	[tilespmem:v57+s17+$0x0] =	vst.idx.msk vm12, v13  }
0x7a: {  	v13 =	vld [tilespmem:s9+$0x450];
	_ =	sdelay $0x4  }
0x7b: {  	vm13 =	vge.s32 v13, v0;
	vm14 =	vlt.s32 v13, v1  }
0x7c: {  	vm0 =	vmand vm13, vm14  }
0x7d: {  	v14 =	vld [tilespmem:s9+$0x50];
	v15 =	vmpcnt.ones.xlane vm0  }
0x7e: {  	s20 =	spop (v2sf)  }
0x7f: {  	s11 =	sadd.s32 s11, s20;
	v58 =	vbroadcast v15, $0x0  }
0x80: {  	v59 =	vadd.s32 s11, v3  }
0x81: {  	vm4 =	vlt.s32 v59, $0x3500;
	[tilespmem:s14+$0x0] =	vst.msk vm0, v13;
	vm15 =	vgt.s32 v58, v3  }
0x82: {  	[tilespmem:s15+$0x0] =	vst.msk vm0, v14;
	vm5 =	vmand vm4, vm15  }
0x83: {  	v13 =	vld [tilespmem:$0x7780];
	_ =	sdelay $0x4  }
0x84: {  	(v2sf) =	vpush v15, $0x0;
	[tilespmem:v59+s16+$0x0] =	vst.idx.msk vm5, v13  }
0x85: {  	v13 =	vld [tilespmem:$0x7700];
	_ =	sdelay $0x4  }
0x86: {  	[tilespmem:v59+s17+$0x0] =	vst.idx.msk vm5, v13  }
0x87: {  	v13 =	vld [tilespmem:s9+$0x460];
	_ =	sdelay $0x4  }
0x88: {  	vm6 =	vge.s32 v13, v0;
	vm7 =	vlt.s32 v13, v1  }
0x89: {  	vm0 =	vmand vm6, vm7  }
0x8a: {  	v14 =	vld [tilespmem:s9+$0x60];
	v15 =	vmpcnt.ones.xlane vm0  }
0x8b: {  	s28 =	spop (v2sf)  }
0x8c: {  	s11 =	sadd.s32 s11, s28;
	v60 =	vbroadcast v15, $0x0  }
0x8d: {  	v61 =	vadd.s32 s11, v3  }
0x8e: {  	vm9 =	vlt.s32 v61, $0x3500;
	[tilespmem:s14+$0x0] =	vst.msk vm0, v13;
	vm8 =	vgt.s32 v60, v3  }
0x8f: {  	[tilespmem:s15+$0x0] =	vst.msk vm0, v14;
	vm10 =	vmand vm9, vm8  }
0x90: {  	v13 =	vld [tilespmem:$0x7780];
	_ =	sdelay $0x4  }
0x91: {  	[tilespmem:v61+s16+$0x0] =	vst.idx.msk vm10, v13  }
0x92: {  	(v2sf) =	vpush v15, $0x0;
	v13 =	vld [tilespmem:$0x7700];
	_ =	sdelay $0x4  }
0x93: {  	[tilespmem:v61+s17+$0x0] =	vst.idx.msk vm10, v13  }
0x94: {  	v13 =	vld [tilespmem:s9+$0x470];
	_ =	sdelay $0x4  }
0x95: {  	vm11 =	vge.s32 v13, v0;
	vm12 =	vlt.s32 v13, v1  }
0x96: {  	vm0 =	vmand vm11, vm12  }
0x97: {  	v14 =	vmpcnt.ones.xlane vm0  }
0x98: {  	v15 =	vld [tilespmem:s9+$0x70]  }
0x99: {  	s30 =	spop (v2sf);
	(v2sf) =	vpush v14, $0x0  }
0x9a: {  	s9 =	sadd.s32 s11, s30;
	v14 =	vbroadcast v14, $0x0  }
0x9b: {  	v62 =	vadd.s32 s9, v3  }
0x9c: {  	vm14 =	vlt.s32 v62, $0x3500;
	[tilespmem:s14+$0x0] =	vst.msk vm0, v13;
	vm13 =	vgt.s32 v14, v3  }
0x9d: {  	[tilespmem:s15+$0x0] =	vst.msk vm0, v15;
	vm15 =	vmand vm14, vm13  }
0x9e: {  	v13 =	vld [tilespmem:$0x7780];
	_ =	sdelay $0x4  }
0x9f: {  	[tilespmem:v62+s16+$0x0] =	vst.idx.msk vm15, v13  }
0xa0: {  	p0 =	sne.s32 s8, $0xE00;
	v13 =	vld [tilespmem:$0x7700]  }
.Ltmp1:
0xa1: {  	_ = 	snop;
	(pc) =	sbr.rel @p0 .LBB2_5-.Ltmp1, $3  }
0xa2: {  	_ =	sdelay $0x1  }
0xa3: {  	s31 =	spop (v2sf)  }
0xa4: {  	s8 =	sadd.s32 $0x200, s8;
	[tilespmem:v62+s17+$0x0] =	vst.idx.msk vm15, v13;
	s11 =	sadd.s32 s9, s31  }
0xa5: {  	s2 =	sadd.s32 $0x1, s2  }
0xa6: {  	p0 =	sne.s32 s2, $0x140  }
.Ltmp2:
0xa7: {  	_ = 	snop;
	(pc) =	sbr.rel @p0 .LBB2_4-.Ltmp2, $1  }
0xa8: {  	_ =	sdelay $0x3  }
0xa9: {  	p0 =	slt.s32 s11, $0x3500;
	s0 =	smov.u32 s11  }
0xaa: {  	s0 =	simm.s32 @!p0 $0x3500  }
0xab: {  	v13 =	vadd.s32 s0, v3;
	_ =	sdelay $0x1  }
0xac: {  	v14 =	vadd.s32 s0, v5;
	_ =	sdelay $0x1  }
0xad: {  	v15 =	vadd.s32 s0, v6  }
0xae: {  	[tilespmem:v13+s16+$0x0] =	vst.idx.msk $0xffff, v1  }
0xaf: {  	[tilespmem:v13+s17+$0x0] =	vst.idx.msk $0xffff, v4;
	v13 =	vadd.s32 s0, v7  }
0xb0: {  	[tilespmem:v14+s16+$0x0] =	vst.idx.msk $0xffff, v1  }
0xb1: {  	[tilespmem:v14+s17+$0x0] =	vst.idx.msk $0xffff, v4;
	v14 =	vadd.s32 s0, v8  }
0xb2: {  	[tilespmem:v15+s16+$0x0] =	vst.idx.msk $0xffff, v1  }
0xb3: {  	[tilespmem:v15+s17+$0x0] =	vst.idx.msk $0xffff, v4;
	v15 =	vadd.s32 s0, v9  }
0xb4: {  	[tilespmem:v13+s16+$0x0] =	vst.idx.msk $0xffff, v1  }
0xb5: {  	[tilespmem:v13+s17+$0x0] =	vst.idx.msk $0xffff, v4;
	v13 =	vadd.s32 s0, v10  }
0xb6: {  	[tilespmem:v14+s16+$0x0] =	vst.idx.msk $0xffff, v1  }
0xb7: {  	[tilespmem:v14+s17+$0x0] =	vst.idx.msk $0xffff, v4;
	v14 =	vadd.s32 s0, v11;
	s0 =	sadd.s32 $0x3F, s0  }
0xb8: {  	[tilespmem:v15+s16+$0x0] =	vst.idx.msk $0xffff, v1;
	s2 =	sand.u32 $0x3F, s0  }
0xb9: {  	p6 =	slt.s32 s11, $0xFFFFFFC2;
	s8 =	sshra.s32 s0, $0x1F;
	[tilespmem:v15+s17+$0x0] =	vst.idx.msk $0xffff, v4;
	p1 =	sne.s32 s2, $0x0  }
0xba: {  	s11 =	sshrl.u32 s8, $0x1A;
	[tilespmem:v13+s16+$0x0] =	vst.idx.msk $0xffff, v1;
	p0 =	por !p6, !p1  }
0xbb: {  	s2 =	simm.s32 $0x1;
	s0 =	sadd.s32 s11, s0;
	[tilespmem:v13+s17+$0x0] =	vst.idx.msk $0xffff, v4;
	p0 =	por !p0, !p0  }
0xbc: {  	s0 =	sshra.s32 s0, $0x6;
	[tilespmem:v14+s16+$0x0] =	vst.idx.msk $0xffff, v1;
	s2 =	simm.s32 @!p0 $0x0  }
0xbd: {  	s30 =	simm.s32 $0x20;
	s19 =	simm.s32 $0x7800;
	[tilespmem:v14+s17+$0x0] =	vst.idx.msk $0xffff, v4;
	s0 =	ssub.s32 s0, s2  }
0xbe: {  	[tilespmem:s19], [sflag:$0x1] =	stream.indirect.gather [hbm4b:s1+s30], $0x80, s16, s30, $0xb8;
	v63 =	vld [tilespmem:$0x0]  }
0xbf: {  	s20 =	simm.s32 $0x8800;
	p0 =	sgt.s32 s0, $0x1;
	s31 =	smov.u32 s0  }
0xc0: {  	s28 =	simm.s32 $0x0;
	s11 =	simm.s32 $0x0;
	s31 =	simm.s32 @!p0 $0x1  }
0xc1: {  	[tilespmem:s20], [sflag:$0x2] =	stream.indirect.gather [hbm4b:s4+s30], $0x80, s17, s30, $0xb8;
	v63 =	vld [tilespmem:$0x0]  }
.LBB2_9:
0xc2: {  	_ =	swait.ge [sflag:s18], $0x1000  }
0xc3: {  	[sflag:s18] =	ssyncset.done $0x0  }
0xc4: {  	[sflag:s18] =	ssyncadd.s32 $0xFFFFF000  }
0xc5: {  	_ =	swait.ge [sflag:s21], $0x1000  }
0xc6: {  	s19 =	sshll.u32 s11, $0x6;
	[sflag:s21] =	ssyncset.done $0x0  }
0xc7: {  	s2 =	sadd.s32 $0x41A0, s19;
	[sflag:s21] =	ssyncadd.s32 $0xFFFFF000  }
0xc8: {  	[tilespmem:s23], [sflag:$0x3] =	stream.indirect.gather [hbm4b:s1+s22], $0x80, s2, s22, $0xb8;
	v63 =	vld [tilespmem:$0x0]  }
0xc9: {  	s10 =	sadd.s32 $0xC20, s19  }
0xca: {  	[tilespmem:s24], [sflag:$0x4] =	stream.indirect.gather [hbm4b:s4+s22], $0x80, s10, s22, $0xb8;
	v63 =	vld [tilespmem:$0x0]  }
0xcb: {  	v13 =	vld [tilespmem:$0xA00]  }
0xcc: {  	v14 =	vld [tilespmem:$0x980]  }
0xcd: {  	s20 =	simm.s32 $0x0;
	v15 =	vld [tilespmem:$0x880]  }
0xce: {  	v16 =	vld [tilespmem:s20+$0x7810]  }
0xcf: {  	v17 =	vld [tilespmem:s20+$0x8810]  }
0xd0: {  	v18 =	vld [tilespmem:s20+$0x7800]  }
0xd1: {  	v19 =	vld [tilespmem:s20+$0x8800]  }
0xd2: {  	v20 =	vld [tilespmem:$0x800]  }
0xd3: {  	v21 =	vld [tilespmem:s20+$0x8820]  }
0xd4: {  	v22 =	vld [tilespmem:s20+$0x7820]  }
0xd5: {  	v23 =	vld [tilespmem:s20+$0x8830]  }
0xd6: {  	v24 =	vld [tilespmem:s20+$0x7830];
	v18 =	vadd.f32 v19, v18  }
0xd7: {  	v25 =	vld [tilespmem:s20+$0x8840]  }
0xd8: {  	v26 =	vld [tilespmem:s20+$0x7840];
	v16 =	vadd.f32 v17, v16;
	v42 =	vmul.f32 $2.000000030e-01, v18  }
0xd9: {  	v27 =	vld [tilespmem:$0x900]  }
0xda: {  	v44 =	vld [tilespmem:s20+$0x8850];
	v21 =	vadd.f32 v21, v22;
	v43 =	vmul.f32 $2.000000030e-01, v16;
	v17 =	vmax.f32 v18, v42  }
0xdb: {  	v45 =	vld [tilespmem:s20+$0x7850];
	v17 =	vmul.f32 v17, v20  }
0xdc: {  	v47 =	vld [tilespmem:s20+$0x8860];
	v23 =	vadd.f32 v23, v24;
	v46 =	vmul.f32 $2.000000030e-01, v21;
	v16 =	vmax.f32 v16, v43  }
0xdd: {  	v49 =	vld [tilespmem:s20+$0x7860];
	v15 =	vmul.f32 v16, v15;
	v48 =	vadd.f32 $0.0e+00, v17  }
0xde: {  	v51 =	vld [tilespmem:s20+$0x8870];
	v25 =	vadd.f32 v25, v26;
	v50 =	vmul.f32 $2.000000030e-01, v23;
	v21 =	vmax.f32 v21, v46  }
0xdf: {  	v52 =	vld [tilespmem:s20+$0x7870];
	v21 =	vmul.f32 v21, v27;
	v15 =	vadd.f32 v15, v48  }
0xe0: {  	v54 =	vld [tilespmem:$0xA80];
	v53 =	vmul.f32 $2.000000030e-01, v25;
	v22 =	vmax.f32 v23, v50;
	v18 =	vadd.f32 v44, v45  }
0xe1: {  	v14 =	vmul.f32 v22, v14;
	v15 =	vadd.f32 v21, v15  }
0xe2: {  	v57 =	vld [tilespmem:$0xB00];
	v55 =	vmax.f32 v25, v53;
	v56 =	vmul.f32 $2.000000030e-01, v18;
	v17 =	vadd.f32 v47, v49  }
0xe3: {  	v13 =	vmul.f32 v55, v13;
	v14 =	vadd.f32 v14, v15  }
0xe4: {  	v59 =	vld [tilespmem:$0xB80];
	v16 =	vadd.f32 v51, v52;
	v58 =	vmul.f32 $2.000000030e-01, v17;
	v15 =	vmax.f32 v18, v56  }
0xe5: {  	v60 =	vmov s28;
	v13 =	vadd.f32 v13, v14;
	v14 =	vmul.f32 v15, v54  }
0xe6: {  	v61 =	vmul.f32 $2.000000030e-01, v16;
	v15 =	vmax.f32 v17, v58  }
0xe7: {  	v13 =	vadd.f32 v14, v13;
	v14 =	vmul.f32 v15, v57  }
0xe8: {  	v15 =	vmax.f32 v16, v61  }
0xe9: {  	v13 =	vadd.f32 v14, v13;
	v14 =	vmul.f32 v15, v59  }
0xea: {  	v15 =	vld.idx.msk [tilespmem:v60+s16+$0x0], $0xffff  }
0xeb: {  	v13 =	vadd.f32 v14, v13;
	_ =	sdelay $0x1  }
0xec: {  	(xrf2) =	vadd.scan.msk.f32 $0xffff, v13;
	_ =	sdelay $0x1  }
0xed: {  	(v2sf) =	vpush v15, $0x0;
	_ =	sdelay $0x7  }
0xee: {  	v13, _, _ =	vpop (xrf2)  }
0xef: {  	v13 =	vmul.f32 $1.442695020e+00, v13;
	_ =	sdelay $0x1  }
0xf0: {  	v13 =	vbroadcast v13, $0xF;
	_ =	sdelay $0x1  }
0xf1: {  	(erf) = vpow2.f32 v13;
	_ =	sdelay $0x1  }
0xf2: {  	s8 =	spop (v2sf)  }
0xf3: {  	s9 =	ssub.s32 s8, s7  }
0xf4: {  	s8 =	sshll.u32 s8, $0x7;
	s9 =	sshll.u32 s9, $0x8  }
0xf5: {  	s8 =	sand.u32 $0x380, s8;
	s9 =	sand.u32 $0xFFFFF800, s9  }
0xf6: {  	s9 =	sor.u32 s8, s9  }
0xf7: {  	v13 =	vld [tilespmem:s9+$0xB800];
	_ =	sdelay $0x1  }
0xf8: {  	v14 =	vpop (erf)  }
0xf9: {  	v15 =	vmul.f32 v14, v19;
	_ =	sdelay $0x1  }
0xfa: {  	v13 =	vadd.f32 v15, v13;
	_ =	sdelay $0x1  }
0xfb: {  	[tilespmem:s9+$0xB800] =	vst v13  }
0xfc: {  	v13 =	vld [tilespmem:s20+$0x8810];
	_ =	sdelay $0x1  }
0xfd: {  	v15 =	vld [tilespmem:s9+$0xB810];
	_ =	sdelay $0x2  }
0xfe: {  	v13 =	vmul.f32 v14, v13;
	_ =	sdelay $0x1  }
0xff: {  	v13 =	vadd.f32 v13, v15;
	_ =	sdelay $0x1  }
0x100: {  	[tilespmem:s9+$0xB810] =	vst v13  }
0x101: {  	v13 =	vld [tilespmem:s20+$0x8820];
	_ =	sdelay $0x1  }
0x102: {  	v15 =	vld [tilespmem:s9+$0xB820];
	_ =	sdelay $0x2  }
0x103: {  	v13 =	vmul.f32 v14, v13;
	_ =	sdelay $0x1  }
0x104: {  	v13 =	vadd.f32 v13, v15;
	_ =	sdelay $0x1  }
0x105: {  	[tilespmem:s9+$0xB820] =	vst v13  }
0x106: {  	v13 =	vld [tilespmem:s20+$0x8830];
	_ =	sdelay $0x1  }
0x107: {  	v15 =	vld [tilespmem:s9+$0xB830];
	_ =	sdelay $0x2  }
0x108: {  	v13 =	vmul.f32 v13, v14;
	_ =	sdelay $0x1  }
0x109: {  	v13 =	vadd.f32 v13, v15;
	_ =	sdelay $0x1  }
0x10a: {  	[tilespmem:s9+$0xB830] =	vst v13  }
0x10b: {  	v13 =	vld [tilespmem:s20+$0x8840];
	_ =	sdelay $0x1  }
0x10c: {  	v15 =	vld [tilespmem:s9+$0xB840];
	_ =	sdelay $0x2  }
0x10d: {  	v13 =	vmul.f32 v13, v14;
	_ =	sdelay $0x1  }
0x10e: {  	v13 =	vadd.f32 v13, v15;
	_ =	sdelay $0x1  }
0x10f: {  	[tilespmem:s9+$0xB840] =	vst v13  }
0x110: {  	v13 =	vld [tilespmem:s20+$0x8850];
	_ =	sdelay $0x1  }
0x111: {  	v15 =	vld [tilespmem:s9+$0xB850];
	_ =	sdelay $0x2  }
0x112: {  	v13 =	vmul.f32 v13, v14;
	_ =	sdelay $0x1  }
0x113: {  	v13 =	vadd.f32 v13, v15;
	_ =	sdelay $0x1  }
0x114: {  	[tilespmem:s9+$0xB850] =	vst v13  }
0x115: {  	v13 =	vld [tilespmem:s20+$0x8860];
	_ =	sdelay $0x1  }
0x116: {  	v15 =	vld [tilespmem:s9+$0xB860];
	_ =	sdelay $0x2  }
0x117: {  	v13 =	vmul.f32 v13, v14;
	_ =	sdelay $0x1  }
0x118: {  	v13 =	vadd.f32 v13, v15;
	v15 =	vld [tilespmem:s9+$0xBC00];
	_ =	sdelay $0x2  }
0x119: {  	[tilespmem:s9+$0xB860] =	vst v13;
	v13 =	vmul.f32 v12, v14  }
0x11a: {  	v62 =	vld [tilespmem:s20+$0x8870]  }
0x11b: {  	v13 =	vadd.f32 v15, v13;
	_ =	sdelay $0x1  }
0x11c: {  	[tilespmem:s9+$0xBC00] =	vst v13;
	v13 =	vld [tilespmem:s9+$0xB870];
	_ =	sdelay $0x1  }
0x11d: {  	s2 =	smov.u32 s28;
	s20 =	simm.s32 $0x200;
	v14 =	vmul.f32 v62, v14  }
.LBB2_10:
0x11e: {  	p0 =	sne.s32 s20, $0x3E00  }
0x11f: {  	s2 =	sadd.s32 $0x1, s2;
	s8 =	smov.u32 s20;
	s20 =	sadd.s32 $0x200, s20  }
0x120: {  	v13 =	vadd.f32 v14, v13;
	_ =	sdelay $0x1  }
0x121: {  	[tilespmem:s9+$0xB870] =	vst v13  }
0x122: {  	v14 =	vld [tilespmem:$0xA00]  }
0x123: {  	v15 =	vld [tilespmem:$0x980]  }
0x124: {  	s8 =	sshra.s32 s8, $0x2;
	v16 =	vld [tilespmem:$0x880]  }
0x125: {  	v17 =	vld [tilespmem:s8+$0x7810]  }
0x126: {  	v18 =	vld [tilespmem:s8+$0x8810]  }
0x127: {  	v19 =	vld [tilespmem:s8+$0x7800]  }
0x128: {  	v13 =	vld [tilespmem:s8+$0x8800]  }
0x129: {  	v20 =	vld [tilespmem:$0x800]  }
0x12a: {  	v21 =	vld [tilespmem:s8+$0x8820]  }
0x12b: {  	v22 =	vld [tilespmem:s8+$0x7820]  }
0x12c: {  	v17 =	vadd.f32 v18, v17;
	v18 =	vld [tilespmem:s8+$0x8830]  }
0x12d: {  	v19 =	vadd.f32 v13, v19;
	v23 =	vld [tilespmem:s8+$0x7830]  }
0x12e: {  	v24 =	vmul.f32 $2.000000030e-01, v17;
	v25 =	vld [tilespmem:s8+$0x8840]  }
0x12f: {  	v26 =	vmul.f32 $2.000000030e-01, v19;
	v27 =	vld [tilespmem:s8+$0x7840]  }
0x130: {  	v17 =	vmax.f32 v17, v24;
	v21 =	vadd.f32 v21, v22;
	v22 =	vld [tilespmem:$0x900]  }
0x131: {  	v19 =	vmax.f32 v19, v26;
	v24 =	vld [tilespmem:s8+$0x8850]  }
0x132: {  	v19 =	vmul.f32 v19, v20;
	v20 =	vmul.f32 $2.000000030e-01, v21;
	v18 =	vadd.f32 v18, v23;
	v23 =	vld [tilespmem:s8+$0x7850]  }
0x133: {  	v16 =	vmul.f32 v17, v16;
	v17 =	vld [tilespmem:s8+$0x8860]  }
0x134: {  	v19 =	vadd.f32 $0.0e+00, v19;
	v20 =	vmax.f32 v21, v20;
	v21 =	vmul.f32 $2.000000030e-01, v18;
	v26 =	vld [tilespmem:s8+$0x7860]  }
0x135: {  	v20 =	vmul.f32 v20, v22;
	v22 =	vadd.f32 v25, v27;
	v25 =	vld [tilespmem:s8+$0x8870]  }
0x136: {  	v16 =	vadd.f32 v16, v19;
	v18 =	vmax.f32 v18, v21;
	v19 =	vld [tilespmem:s8+$0x7870]  }
0x137: {  	v15 =	vmul.f32 v18, v15;
	v18 =	vmul.f32 $2.000000030e-01, v22;
	v21 =	vadd.f32 v24, v23;
	v23 =	vld [tilespmem:$0xA80]  }
0x138: {  	v16 =	vadd.f32 v20, v16  }
0x139: {  	v18 =	vmax.f32 v22, v18;
	v20 =	vmul.f32 $2.000000030e-01, v21;
	v17 =	vadd.f32 v17, v26;
	v22 =	vld [tilespmem:$0xB00]  }
0x13a: {  	v24 =	vmov s2;
	v15 =	vadd.f32 v15, v16;
	v14 =	vmul.f32 v18, v14  }
0x13b: {  	v16 =	vmax.f32 v21, v20;
	v18 =	vmul.f32 $2.000000030e-01, v17;
	v19 =	vadd.f32 v25, v19;
	v20 =	vld [tilespmem:$0xB80]  }
0x13c: {  	v14 =	vadd.f32 v14, v15;
	v15 =	vmul.f32 v16, v23  }
0x13d: {  	v16 =	vmax.f32 v17, v18;
	v17 =	vmul.f32 $2.000000030e-01, v19  }
0x13e: {  	v14 =	vadd.f32 v15, v14;
	v15 =	vmul.f32 v16, v22  }
0x13f: {  	v16 =	vmax.f32 v19, v17  }
0x140: {  	v17 =	vld.idx.msk [tilespmem:v24+s16+$0x0], $0xffff;
	v14 =	vadd.f32 v15, v14;
	v15 =	vmul.f32 v16, v20;
	_ =	sdelay $0x1  }
0x141: {  	v14 =	vadd.f32 v15, v14;
	_ =	sdelay $0x1  }
0x142: {  	(xrf2) =	vadd.scan.msk.f32 $0xffff, v14;
	_ =	sdelay $0x1  }
0x143: {  	(v2sf) =	vpush v17, $0x0;
	_ =	sdelay $0x7  }
0x144: {  	v14, _, _ =	vpop (xrf2)  }
0x145: {  	v14 =	vmul.f32 $1.442695020e+00, v14;
	_ =	sdelay $0x1  }
0x146: {  	v14 =	vbroadcast v14, $0xF;
	_ =	sdelay $0x1  }
0x147: {  	(erf) = vpow2.f32 v14;
	_ =	sdelay $0x1  }
0x148: {  	s9 =	spop (v2sf)  }
0x149: {  	s10 =	ssub.s32 s9, s7;
	s9 =	sshll.u32 s9, $0x7  }
0x14a: {  	s10 =	sshll.u32 s10, $0x8  }
0x14b: {  	s9 =	sand.u32 $0x380, s9;
	s10 =	sand.u32 $0xFFFFF800, s10  }
0x14c: {  	s9 =	sor.u32 s9, s10  }
0x14d: {  	v14 =	vld [tilespmem:s9+$0xB800];
	_ =	sdelay $0x1  }
0x14e: {  	v15 =	vpop (erf)  }
0x14f: {  	v13 =	vmul.f32 v15, v13;
	v16 =	vmul.f32 v12, v15;
	_ =	sdelay $0x1  }
0x150: {  	v13 =	vadd.f32 v13, v14;
	_ =	sdelay $0x1  }
0x151: {  	[tilespmem:s9+$0xB800] =	vst v13  }
0x152: {  	v13 =	vld [tilespmem:s8+$0x8810];
	_ =	sdelay $0x1  }
0x153: {  	v14 =	vld [tilespmem:s9+$0xB810];
	_ =	sdelay $0x2  }
0x154: {  	v13 =	vmul.f32 v15, v13;
	_ =	sdelay $0x1  }
0x155: {  	v13 =	vadd.f32 v13, v14;
	_ =	sdelay $0x1  }
0x156: {  	[tilespmem:s9+$0xB810] =	vst v13  }
0x157: {  	v13 =	vld [tilespmem:s8+$0x8820];
	_ =	sdelay $0x1  }
0x158: {  	v14 =	vld [tilespmem:s9+$0xB820];
	_ =	sdelay $0x2  }
0x159: {  	v13 =	vmul.f32 v15, v13;
	_ =	sdelay $0x1  }
0x15a: {  	v13 =	vadd.f32 v13, v14;
	_ =	sdelay $0x1  }
0x15b: {  	[tilespmem:s9+$0xB820] =	vst v13  }
0x15c: {  	v13 =	vld [tilespmem:s8+$0x8830];
	_ =	sdelay $0x1  }
0x15d: {  	v14 =	vld [tilespmem:s9+$0xB830];
	_ =	sdelay $0x2  }
0x15e: {  	v13 =	vmul.f32 v13, v15;
	_ =	sdelay $0x1  }
0x15f: {  	v13 =	vadd.f32 v13, v14;
	_ =	sdelay $0x1  }
0x160: {  	[tilespmem:s9+$0xB830] =	vst v13  }
0x161: {  	v13 =	vld [tilespmem:s8+$0x8840];
	_ =	sdelay $0x1  }
0x162: {  	v14 =	vld [tilespmem:s9+$0xB840];
	_ =	sdelay $0x2  }
0x163: {  	v13 =	vmul.f32 v13, v15;
	_ =	sdelay $0x1  }
0x164: {  	v13 =	vadd.f32 v13, v14;
	_ =	sdelay $0x1  }
0x165: {  	[tilespmem:s9+$0xB840] =	vst v13  }
0x166: {  	v13 =	vld [tilespmem:s8+$0x8850];
	_ =	sdelay $0x1  }
0x167: {  	v14 =	vld [tilespmem:s9+$0xB850];
	_ =	sdelay $0x2  }
0x168: {  	v13 =	vmul.f32 v13, v15;
	_ =	sdelay $0x1  }
0x169: {  	v13 =	vadd.f32 v13, v14;
	_ =	sdelay $0x1  }
0x16a: {  	[tilespmem:s9+$0xB850] =	vst v13  }
0x16b: {  	v13 =	vld [tilespmem:s8+$0x8860];
	_ =	sdelay $0x1  }
0x16c: {  	v14 =	vld [tilespmem:s9+$0xB860];
	_ =	sdelay $0x1  }
0x16d: {  	v17 =	vld [tilespmem:s9+$0xBC00]  }
0x16e: {  	v13 =	vmul.f32 v13, v15;
	_ =	sdelay $0x1  }
0x16f: {  	v13 =	vadd.f32 v13, v14;
	_ =	sdelay $0x1  }
0x170: {  	[tilespmem:s9+$0xB860] =	vst v13;
	v13 =	vadd.f32 v17, v16  }
0x171: {  	v14 =	vld [tilespmem:s8+$0x8870]  }
.Ltmp3:
0x172: {  	[tilespmem:s9+$0xBC00] =	vst v13;
	(pc) =	sbr.rel @p0 .LBB2_10-.Ltmp3, $2  }
0x173: {  	v13 =	vld [tilespmem:s9+$0xB870];
	_ =	sdelay $0x2  }
0x174: {  	v14 =	vmul.f32 v14, v15  }
0x175: {  	_ = 	snop  }
0x176: {  	v13 =	vadd.f32 v14, v13;
	_ =	sdelay $0x1  }
0x177: {  	[tilespmem:s9+$0xB870] =	vst v13  }
0x178: {  	_ =	swait.ge [sflag:s25], $0x1000  }
0x179: {  	[sflag:s25] =	ssyncset.done $0x0  }
0x17a: {  	s11 =	sadd.s32 $0x1, s11;
	[sflag:s25] =	ssyncadd.s32 $0xFFFFF000  }
0x17b: {  	p0 =	sle.s32 s0, s11;
	_ =	swait.ge [sflag:s26], $0x1000  }
0x17c: {  	s2 =	sadd.s32 @!p0 $0x41C0, s19;
	[sflag:s26] =	ssyncset.done $0x0  }
0x17d: {  	s8 =	simm.s32 @!p0 $0x20;
	s9 =	simm.s32 @!p0 $0x7800;
	[sflag:s26] =	ssyncadd.s32 $0xFFFFF000  }
0x17e: {  	[tilespmem:s9], [sflag:$0x1] =	stream.indirect.gather @!p0 [hbm4b:s1+s8], $0x80, s2, s8, $0xb8;
	v63 =	vld [tilespmem:$0x0]  }
0x17f: {  	s2 =	sadd.s32 @!p0 $0xC40, s19;
	s9 =	simm.s32 @!p0 $0x8800  }
0x180: {  	[tilespmem:s9], [sflag:$0x2] =	stream.indirect.gather @!p0 [hbm4b:s4+s8], $0x80, s2, s8, $0xb8;
	v63 =	vld [tilespmem:$0x0]  }
0x181: {  	v13 =	vld [tilespmem:$0xA00]  }
0x182: {  	v14 =	vld [tilespmem:$0x980]  }
0x183: {  	s10 =	simm.s32 $0x0;
	v15 =	vld [tilespmem:$0x880]  }
0x184: {  	v16 =	vld [tilespmem:s10+$0x9810]  }
0x185: {  	v17 =	vld [tilespmem:s10+$0xA810]  }
0x186: {  	v18 =	vld [tilespmem:s10+$0x9800]  }
0x187: {  	v19 =	vld [tilespmem:s10+$0xA800]  }
0x188: {  	v20 =	vld [tilespmem:$0x800]  }
0x189: {  	v21 =	vld [tilespmem:s10+$0xA820]  }
0x18a: {  	v22 =	vld [tilespmem:s10+$0x9820]  }
0x18b: {  	v23 =	vld [tilespmem:s10+$0xA830]  }
0x18c: {  	v24 =	vld [tilespmem:s10+$0x9830];
	v18 =	vadd.f32 v19, v18  }
0x18d: {  	v25 =	vld [tilespmem:s10+$0xA840]  }
0x18e: {  	v26 =	vld [tilespmem:s10+$0x9840];
	v16 =	vadd.f32 v17, v16;
	v42 =	vmul.f32 $2.000000030e-01, v18  }
0x18f: {  	v27 =	vld [tilespmem:$0x900]  }
0x190: {  	v44 =	vld [tilespmem:s10+$0xA850];
	v21 =	vadd.f32 v21, v22;
	v43 =	vmul.f32 $2.000000030e-01, v16;
	v17 =	vmax.f32 v18, v42  }
0x191: {  	v45 =	vld [tilespmem:s10+$0x9850];
	v17 =	vmul.f32 v17, v20  }
0x192: {  	v47 =	vld [tilespmem:s10+$0xA860];
	v23 =	vadd.f32 v23, v24;
	v46 =	vmul.f32 $2.000000030e-01, v21;
	v16 =	vmax.f32 v16, v43  }
0x193: {  	v49 =	vld [tilespmem:s10+$0x9860];
	v15 =	vmul.f32 v16, v15;
	v48 =	vadd.f32 $0.0e+00, v17  }
0x194: {  	v51 =	vld [tilespmem:s10+$0xA870];
	v25 =	vadd.f32 v25, v26;
	v50 =	vmul.f32 $2.000000030e-01, v23;
	v21 =	vmax.f32 v21, v46  }
0x195: {  	v52 =	vld [tilespmem:s10+$0x9870];
	v21 =	vmul.f32 v21, v27;
	v15 =	vadd.f32 v15, v48  }
0x196: {  	v54 =	vld [tilespmem:$0xA80];
	v53 =	vmul.f32 $2.000000030e-01, v25;
	v22 =	vmax.f32 v23, v50;
	v18 =	vadd.f32 v44, v45  }
0x197: {  	v14 =	vmul.f32 v22, v14;
	v15 =	vadd.f32 v21, v15  }
0x198: {  	v57 =	vld [tilespmem:$0xB00];
	v55 =	vmax.f32 v25, v53;
	v56 =	vmul.f32 $2.000000030e-01, v18;
	v17 =	vadd.f32 v47, v49  }
0x199: {  	v13 =	vmul.f32 v55, v13;
	v14 =	vadd.f32 v14, v15  }
0x19a: {  	v59 =	vld [tilespmem:$0xB80];
	v16 =	vadd.f32 v51, v52;
	v58 =	vmul.f32 $2.000000030e-01, v17;
	v15 =	vmax.f32 v18, v56  }
0x19b: {  	v60 =	vmov s30;
	v13 =	vadd.f32 v13, v14;
	v14 =	vmul.f32 v15, v54  }
0x19c: {  	v61 =	vmul.f32 $2.000000030e-01, v16;
	v15 =	vmax.f32 v17, v58  }
0x19d: {  	v13 =	vadd.f32 v14, v13;
	v14 =	vmul.f32 v15, v57  }
0x19e: {  	v15 =	vmax.f32 v16, v61  }
0x19f: {  	v13 =	vadd.f32 v14, v13;
	v14 =	vmul.f32 v15, v59  }
0x1a0: {  	v15 =	vld.idx.msk [tilespmem:v60+s16+$0x0], $0xffff  }
0x1a1: {  	v13 =	vadd.f32 v14, v13;
	_ =	sdelay $0x1  }
0x1a2: {  	(xrf2) =	vadd.scan.msk.f32 $0xffff, v13;
	_ =	sdelay $0x1  }
0x1a3: {  	(v2sf) =	vpush v15, $0x0;
	_ =	sdelay $0x7  }
0x1a4: {  	v13, _, _ =	vpop (xrf2)  }
0x1a5: {  	v13 =	vmul.f32 $1.442695020e+00, v13;
	_ =	sdelay $0x1  }
0x1a6: {  	v13 =	vbroadcast v13, $0xF;
	_ =	sdelay $0x1  }
0x1a7: {  	(erf) = vpow2.f32 v13;
	_ =	sdelay $0x1  }
0x1a8: {  	s19 =	spop (v2sf)  }
0x1a9: {  	s20 =	ssub.s32 s19, s7  }
0x1aa: {  	s8 =	sshll.u32 s19, $0x7;
	s9 =	sshll.u32 s20, $0x8  }
0x1ab: {  	s8 =	sand.u32 $0x380, s8;
	s9 =	sand.u32 $0xFFFFF800, s9  }
0x1ac: {  	s9 =	sor.u32 s8, s9  }
0x1ad: {  	v13 =	vld [tilespmem:s9+$0xB800];
	_ =	sdelay $0x1  }
0x1ae: {  	v14 =	vpop (erf)  }
0x1af: {  	v15 =	vmul.f32 v14, v19;
	_ =	sdelay $0x1  }
0x1b0: {  	v13 =	vadd.f32 v15, v13;
	_ =	sdelay $0x1  }
0x1b1: {  	[tilespmem:s9+$0xB800] =	vst v13  }
0x1b2: {  	v13 =	vld [tilespmem:s10+$0xA810];
	_ =	sdelay $0x1  }
0x1b3: {  	v15 =	vld [tilespmem:s9+$0xB810];
	_ =	sdelay $0x2  }
0x1b4: {  	v13 =	vmul.f32 v14, v13;
	_ =	sdelay $0x1  }
0x1b5: {  	v13 =	vadd.f32 v13, v15;
	_ =	sdelay $0x1  }
0x1b6: {  	[tilespmem:s9+$0xB810] =	vst v13  }
0x1b7: {  	v13 =	vld [tilespmem:s10+$0xA820];
	_ =	sdelay $0x1  }
0x1b8: {  	v15 =	vld [tilespmem:s9+$0xB820];
	_ =	sdelay $0x2  }
0x1b9: {  	v13 =	vmul.f32 v14, v13;
	_ =	sdelay $0x1  }
0x1ba: {  	v13 =	vadd.f32 v13, v15;
	_ =	sdelay $0x1  }
0x1bb: {  	[tilespmem:s9+$0xB820] =	vst v13  }
0x1bc: {  	v13 =	vld [tilespmem:s10+$0xA830];
	_ =	sdelay $0x1  }
0x1bd: {  	v15 =	vld [tilespmem:s9+$0xB830];
	_ =	sdelay $0x2  }
0x1be: {  	v13 =	vmul.f32 v13, v14;
	_ =	sdelay $0x1  }
0x1bf: {  	v13 =	vadd.f32 v13, v15;
	_ =	sdelay $0x1  }
0x1c0: {  	[tilespmem:s9+$0xB830] =	vst v13  }
0x1c1: {  	v13 =	vld [tilespmem:s10+$0xA840];
	_ =	sdelay $0x1  }
0x1c2: {  	v15 =	vld [tilespmem:s9+$0xB840];
	_ =	sdelay $0x2  }
0x1c3: {  	v13 =	vmul.f32 v13, v14;
	_ =	sdelay $0x1  }
0x1c4: {  	v13 =	vadd.f32 v13, v15;
	_ =	sdelay $0x1  }
0x1c5: {  	[tilespmem:s9+$0xB840] =	vst v13  }
0x1c6: {  	v13 =	vld [tilespmem:s10+$0xA850];
	_ =	sdelay $0x1  }
0x1c7: {  	v15 =	vld [tilespmem:s9+$0xB850];
	_ =	sdelay $0x2  }
0x1c8: {  	v13 =	vmul.f32 v13, v14;
	_ =	sdelay $0x1  }
0x1c9: {  	v13 =	vadd.f32 v13, v15;
	_ =	sdelay $0x1  }
0x1ca: {  	[tilespmem:s9+$0xB850] =	vst v13  }
0x1cb: {  	v13 =	vld [tilespmem:s10+$0xA860];
	_ =	sdelay $0x1  }
0x1cc: {  	v15 =	vld [tilespmem:s9+$0xB860];
	_ =	sdelay $0x2  }
0x1cd: {  	v13 =	vmul.f32 v13, v14;
	_ =	sdelay $0x1  }
0x1ce: {  	v13 =	vadd.f32 v13, v15;
	v15 =	vld [tilespmem:s9+$0xBC00];
	_ =	sdelay $0x2  }
0x1cf: {  	[tilespmem:s9+$0xB860] =	vst v13;
	v13 =	vmul.f32 v12, v14  }
0x1d0: {  	v62 =	vld [tilespmem:s10+$0xA870]  }
0x1d1: {  	v13 =	vadd.f32 v15, v13;
	_ =	sdelay $0x1  }
0x1d2: {  	[tilespmem:s9+$0xBC00] =	vst v13;
	v13 =	vld [tilespmem:s9+$0xB870];
	_ =	sdelay $0x1  }
0x1d3: {  	s2 =	smov.u32 s30;
	s19 =	simm.s32 $0x200;
	v14 =	vmul.f32 v62, v14  }
.LBB2_12:
0x1d4: {  	p0 =	seq.s32 s19, $0x3E00  }
0x1d5: {  	s2 =	sadd.s32 $0x1, s2;
	s8 =	smov.u32 s19;
	s19 =	sadd.s32 $0x200, s19  }
0x1d6: {  	v13 =	vadd.f32 v14, v13;
	_ =	sdelay $0x1  }
0x1d7: {  	[tilespmem:s9+$0xB870] =	vst v13  }
0x1d8: {  	v14 =	vld [tilespmem:$0xA00]  }
0x1d9: {  	v15 =	vld [tilespmem:$0x980]  }
0x1da: {  	s8 =	sshra.s32 s8, $0x2;
	v16 =	vld [tilespmem:$0x880]  }
0x1db: {  	v17 =	vld [tilespmem:s8+$0x9810]  }
0x1dc: {  	v18 =	vld [tilespmem:s8+$0xA810]  }
0x1dd: {  	v19 =	vld [tilespmem:s8+$0x9800]  }
0x1de: {  	v13 =	vld [tilespmem:s8+$0xA800]  }
0x1df: {  	v20 =	vld [tilespmem:$0x800]  }
0x1e0: {  	v21 =	vld [tilespmem:s8+$0xA820]  }
0x1e1: {  	v22 =	vld [tilespmem:s8+$0x9820]  }
0x1e2: {  	v17 =	vadd.f32 v18, v17;
	v18 =	vld [tilespmem:s8+$0xA830]  }
0x1e3: {  	v19 =	vadd.f32 v13, v19;
	v23 =	vld [tilespmem:s8+$0x9830]  }
0x1e4: {  	v24 =	vmul.f32 $2.000000030e-01, v17;
	v25 =	vld [tilespmem:s8+$0xA840]  }
0x1e5: {  	v26 =	vmul.f32 $2.000000030e-01, v19;
	v27 =	vld [tilespmem:s8+$0x9840]  }
0x1e6: {  	v17 =	vmax.f32 v17, v24;
	v21 =	vadd.f32 v21, v22;
	v22 =	vld [tilespmem:$0x900]  }
0x1e7: {  	v19 =	vmax.f32 v19, v26;
	v24 =	vld [tilespmem:s8+$0xA850]  }
0x1e8: {  	v19 =	vmul.f32 v19, v20;
	v20 =	vmul.f32 $2.000000030e-01, v21;
	v18 =	vadd.f32 v18, v23;
	v23 =	vld [tilespmem:s8+$0x9850]  }
0x1e9: {  	v16 =	vmul.f32 v17, v16;
	v17 =	vld [tilespmem:s8+$0xA860]  }
0x1ea: {  	v19 =	vadd.f32 $0.0e+00, v19;
	v20 =	vmax.f32 v21, v20;
	v21 =	vmul.f32 $2.000000030e-01, v18;
	v26 =	vld [tilespmem:s8+$0x9860]  }
0x1eb: {  	v20 =	vmul.f32 v20, v22;
	v22 =	vadd.f32 v25, v27;
	v25 =	vld [tilespmem:s8+$0xA870]  }
0x1ec: {  	v16 =	vadd.f32 v16, v19;
	v18 =	vmax.f32 v18, v21;
	v19 =	vld [tilespmem:s8+$0x9870]  }
0x1ed: {  	v15 =	vmul.f32 v18, v15;
	v18 =	vmul.f32 $2.000000030e-01, v22;
	v21 =	vadd.f32 v24, v23;
	v23 =	vld [tilespmem:$0xA80]  }
0x1ee: {  	v16 =	vadd.f32 v20, v16  }
0x1ef: {  	v18 =	vmax.f32 v22, v18;
	v20 =	vmul.f32 $2.000000030e-01, v21;
	v17 =	vadd.f32 v17, v26;
	v22 =	vld [tilespmem:$0xB00]  }
0x1f0: {  	v24 =	vmov s2;
	v15 =	vadd.f32 v15, v16;
	v14 =	vmul.f32 v18, v14  }
0x1f1: {  	v16 =	vmax.f32 v21, v20;
	v18 =	vmul.f32 $2.000000030e-01, v17;
	v19 =	vadd.f32 v25, v19;
	v20 =	vld [tilespmem:$0xB80]  }
0x1f2: {  	v14 =	vadd.f32 v14, v15;
	v15 =	vmul.f32 v16, v23  }
0x1f3: {  	v16 =	vmax.f32 v17, v18;
	v17 =	vmul.f32 $2.000000030e-01, v19  }
0x1f4: {  	v14 =	vadd.f32 v15, v14;
	v15 =	vmul.f32 v16, v22  }
0x1f5: {  	v16 =	vmax.f32 v19, v17  }
0x1f6: {  	v17 =	vld.idx.msk [tilespmem:v24+s16+$0x0], $0xffff;
	v14 =	vadd.f32 v15, v14;
	v15 =	vmul.f32 v16, v20;
	_ =	sdelay $0x1  }
0x1f7: {  	v14 =	vadd.f32 v15, v14;
	_ =	sdelay $0x1  }
0x1f8: {  	(xrf2) =	vadd.scan.msk.f32 $0xffff, v14;
	_ =	sdelay $0x1  }
0x1f9: {  	(v2sf) =	vpush v17, $0x0;
	_ =	sdelay $0x7  }
0x1fa: {  	v14, _, _ =	vpop (xrf2)  }
0x1fb: {  	v14 =	vmul.f32 $1.442695020e+00, v14;
	_ =	sdelay $0x1  }
0x1fc: {  	v14 =	vbroadcast v14, $0xF;
	_ =	sdelay $0x1  }
0x1fd: {  	(erf) = vpow2.f32 v14;
	_ =	sdelay $0x1  }
0x1fe: {  	s9 =	spop (v2sf)  }
0x1ff: {  	s10 =	ssub.s32 s9, s7;
	s9 =	sshll.u32 s9, $0x7  }
0x200: {  	s10 =	sshll.u32 s10, $0x8  }
0x201: {  	s9 =	sand.u32 $0x380, s9;
	s10 =	sand.u32 $0xFFFFF800, s10  }
0x202: {  	s9 =	sor.u32 s9, s10  }
0x203: {  	v14 =	vld [tilespmem:s9+$0xB800];
	_ =	sdelay $0x1  }
0x204: {  	v15 =	vpop (erf)  }
0x205: {  	v13 =	vmul.f32 v15, v13;
	v16 =	vmul.f32 v12, v15;
	_ =	sdelay $0x1  }
0x206: {  	v13 =	vadd.f32 v13, v14;
	_ =	sdelay $0x1  }
0x207: {  	[tilespmem:s9+$0xB800] =	vst v13  }
0x208: {  	v13 =	vld [tilespmem:s8+$0xA810];
	_ =	sdelay $0x1  }
0x209: {  	v14 =	vld [tilespmem:s9+$0xB810];
	_ =	sdelay $0x2  }
0x20a: {  	v13 =	vmul.f32 v15, v13;
	_ =	sdelay $0x1  }
0x20b: {  	v13 =	vadd.f32 v13, v14;
	_ =	sdelay $0x1  }
0x20c: {  	[tilespmem:s9+$0xB810] =	vst v13  }
0x20d: {  	v13 =	vld [tilespmem:s8+$0xA820];
	_ =	sdelay $0x1  }
0x20e: {  	v14 =	vld [tilespmem:s9+$0xB820];
	_ =	sdelay $0x2  }
0x20f: {  	v13 =	vmul.f32 v15, v13;
	_ =	sdelay $0x1  }
0x210: {  	v13 =	vadd.f32 v13, v14;
	_ =	sdelay $0x1  }
0x211: {  	[tilespmem:s9+$0xB820] =	vst v13  }
0x212: {  	v13 =	vld [tilespmem:s8+$0xA830];
	_ =	sdelay $0x1  }
0x213: {  	v14 =	vld [tilespmem:s9+$0xB830];
	_ =	sdelay $0x2  }
0x214: {  	v13 =	vmul.f32 v13, v15;
	_ =	sdelay $0x1  }
0x215: {  	v13 =	vadd.f32 v13, v14;
	_ =	sdelay $0x1  }
0x216: {  	[tilespmem:s9+$0xB830] =	vst v13  }
0x217: {  	v13 =	vld [tilespmem:s8+$0xA840];
	_ =	sdelay $0x1  }
0x218: {  	v14 =	vld [tilespmem:s9+$0xB840];
	_ =	sdelay $0x2  }
0x219: {  	v13 =	vmul.f32 v13, v15;
	_ =	sdelay $0x1  }
0x21a: {  	v13 =	vadd.f32 v13, v14;
	_ =	sdelay $0x1  }
0x21b: {  	[tilespmem:s9+$0xB840] =	vst v13  }
0x21c: {  	v13 =	vld [tilespmem:s8+$0xA850];
	_ =	sdelay $0x1  }
0x21d: {  	v14 =	vld [tilespmem:s9+$0xB850];
	_ =	sdelay $0x2  }
0x21e: {  	v13 =	vmul.f32 v13, v15;
	_ =	sdelay $0x1  }
0x21f: {  	v13 =	vadd.f32 v13, v14;
	_ =	sdelay $0x1  }
0x220: {  	[tilespmem:s9+$0xB850] =	vst v13  }
0x221: {  	v13 =	vld [tilespmem:s8+$0xA860];
	_ =	sdelay $0x1  }
0x222: {  	v14 =	vld [tilespmem:s9+$0xB860];
	_ =	sdelay $0x1  }
0x223: {  	v17 =	vld [tilespmem:s9+$0xBC00]  }
0x224: {  	v13 =	vmul.f32 v13, v15;
	_ =	sdelay $0x1  }
0x225: {  	v13 =	vadd.f32 v13, v14;
	_ =	sdelay $0x1  }
0x226: {  	[tilespmem:s9+$0xB860] =	vst v13;
	v13 =	vadd.f32 v17, v16  }
0x227: {  	v14 =	vld [tilespmem:s8+$0xA870]  }
.Ltmp4:
0x228: {  	[tilespmem:s9+$0xBC00] =	vst v13;
	(pc) =	sbr.rel @!p0 .LBB2_12-.Ltmp4, $2  }
0x229: {  	v13 =	vld [tilespmem:s9+$0xB870];
	_ =	sdelay $0x2  }
0x22a: {  	v14 =	vmul.f32 v14, v15  }
0x22b: {  	_ = 	snop  }
0x22c: {  	v13 =	vadd.f32 v14, v13;
	_ =	sdelay $0x1  }
0x22d: {  	[tilespmem:s9+$0xB870] =	vst v13  }
0x22e: {  	p0 =	seq.s32 s11, s31  }
.Ltmp5:
0x22f: {  	_ = 	snop;
	(pc) =	sbr.rel @!p0 .LBB2_9-.Ltmp5, $2  }
0x230: {  	_ =	sdelay $0x2  }
0x231: {  	s28 =	sadd.s32 $0x40, s28;
	s30 =	sadd.s32 $0x40, s30  }
0x232: {  	s0 =	rddreg [dreg:$0x4];
	s2 =	simm.s32 $0xB800  }
0x233: {  	[hbm4b:s0+s3] =	stream.linear.scatter [tilespmem:s2], [sflag:$0x5], $0x14000, $0x38;
	v63 =	vld [tilespmem:$0x0]  }
0x234: {  	_ =	swait.ge [sflag:s12], $0x14000  }
0x235: {  	s29 =	sadd.s32 $0x1, s29;
	s31 =	rddreg [dreg:$0x5]  }
0x236: {  	p0 =	sne.s32 s29, s31  }
.Ltmp6:
0x237: {  	_ = 	snop;
	(pc) =	sbr.rel @p0 .LBB2_1-.Ltmp6, $3  }
0x238: {  	_ =	sdelay $0x1  }
0x239: {  	[sflag:s12] =	ssyncset.done $0x0  }
0x23a: {  	[sflag:s12] =	ssyncadd.s32 $0xFFFEC000  }
0x23b: {  	_ =	sfence.sel $0x180000  }
0x23c: {  	[bflag:$0x0] =	sbarrier.arrive $0xFFFF  }
0x23d: {  	_ =	strace $0x90000047  }
0x23e: {  	s0 =	stileid.u32;
	[bflag:$0x2] =	sbarrier.arrive $0xFFFF  }
0x23f: {  	p0 =	sne.s32 s0, $0x0;
	s0 =	rddreg [dreg:$0x2]  }
0x240: {  	s0 =	sadd.s32 @!p0 $0x100000, s0  }
0x241: {  	[sflag:s0] =	ssyncadd.tile.s32 @!p0 $0x1;
	_ =	shalt  }
.Lfunc_end2:
_tile_overlayer_lowered:
.L_overlay_start_2:
0x242: {  	(tag) =	ssettag $0x2  }
0x243: {  	s0 =	rddreg [dreg:$0x0];
	s2 =	stileid.u32  }
0x244: {  	s1 =	rddreg [dreg:$0x1];
	p0 =	sne.s32 s2, $0x0  }
0x245: {  	s3 =	rddreg [dreg:$0x2];
	[bflag:$0x3] =	sbarrier.arrive $0xFFFF;
	s2 =	simm.s32 @!p0 $0x1C05  }
0x246: {  	[timem:s3], [sflag:s2] =	dma.local @!p0 [hbm:s0], s1  }
0x247: {  	s0 =	simm.s32 @!p0 $0x5  }
0x248: {  	_ =	swait.ge @!p0 [sflag:s0], s1  }
0x249: {  	s1 =	ssub.s32 @!p0 $0x0, s1;
	[sflag:s0] =	ssyncset.done @!p0 $0x0  }
0x24a: {  	[sflag:s0] =	ssyncadd.s32 @!p0 s1  }
0x24b: {  	[bflag:$0x3] =	sbarrier.arrive $0xFFFF  }
0x24c: {  	_ =	shalt  }

</sc_bundles>
